<compile_context>
chip_gen: v7x
topology: tpu7x:2x2x1
jax: 0.10.2.dev20260603
libtpu: 0.0.44.dev20260713+nightly
codegen_flags: <defaults>
</compile_context>

<pallas_src>
import functools

import jax
import jax.numpy as jnp
from jax import lax
from jax.experimental import pallas as pl
from jax.experimental.pallas import tpu as pltpu
from jax.experimental.pallas import tpu_sc as plsc

N = 10000
E = 320000
D = 128
C = 40
B = 64

NPAD = 10240
CHUNK = 128
NW = 32
EPAD = 327680
NCH = EPAD // CHUNK
CH_PER_TILE = NCH // NW
ROWS_PER_TILE = NPAD // 16
RB = 10
RBLK = N // RB


def _zero_f32_block(ref, rows, cols):
  groups = cols // 16

  def body(t, carry):
    i = t // groups
    g = t % groups
    ref[i, pl.ds(g * 16, 16)] = jnp.zeros((16,), jnp.float32)
    return carry

  lax.fori_loop(0, rows * groups, body, None)


def _fill_f32_1d(ref, n, value):
  def body(t, carry):
    ref[pl.ds(t * 16, 16)] = jnp.full((16,), value, jnp.float32)
    return carry

  lax.fori_loop(0, n // 16, body, None)


def _sc_degree(dstc):
  mesh = plsc.VectorSubcoreMesh(core_axis_name="c", subcore_axis_name="s")

  @functools.partial(
      pl.kernel,
      out_type=jax.ShapeDtypeStruct((2 * NPAD,), jnp.float32),
      mesh=mesh,
      scratch_types=[
          pltpu.VMEM((CH_PER_TILE, CHUNK), jnp.int32),
          pltpu.VMEM((CHUNK,), jnp.float32),
          pltpu.VMEM((ROWS_PER_TILE,), jnp.float32),
          pltpu.VMEM_SHARED((NPAD,), jnp.float32),
      ],
  )
  def k(dstc_hbm, out_hbm, idxd_v, ones_v, zeros_v, deg_sh):
    c = lax.axis_index("c")
    s = lax.axis_index("s")
    wid = s * 2 + c
    _fill_f32_1d(ones_v, CHUNK, 1.0)
    _fill_f32_1d(zeros_v, ROWS_PER_TILE, 0.0)
    pltpu.sync_copy(zeros_v, deg_sh.at[pl.ds(s * ROWS_PER_TILE, ROWS_PER_TILE)])
    plsc.subcore_barrier()
    pltpu.sync_copy(dstc_hbm.at[pl.ds(wid * CH_PER_TILE, CH_PER_TILE)], idxd_v)

    def body(j, carry):
      pltpu.sync_copy(ones_v, deg_sh.at[idxd_v.at[j]], add=True)
      return carry

    lax.fori_loop(0, CH_PER_TILE, body, None)
    plsc.subcore_barrier()
    pltpu.sync_copy(
        deg_sh.at[pl.ds(s * ROWS_PER_TILE, ROWS_PER_TILE)],
        out_hbm.at[pl.ds(c * NPAD + s * ROWS_PER_TILE, ROWS_PER_TILE)],
    )

  return k(dstc)


def _sc_scatter(gs, srcc, dstc):
  mesh = plsc.VectorSubcoreMesh(core_axis_name="c", subcore_axis_name="s")

  @functools.partial(
      pl.kernel,
      out_type=jax.ShapeDtypeStruct((2 * NPAD, D), jnp.float32),
      mesh=mesh,
      scratch_types=[
          pltpu.VMEM((CH_PER_TILE // 2, CHUNK), jnp.int32),
          pltpu.VMEM((CH_PER_TILE // 2, CHUNK), jnp.int32),
          [pltpu.VMEM((CHUNK, D), jnp.float32)] * 2,
          pltpu.VMEM_SHARED((NPAD, D), jnp.float32),
          [pltpu.SemaphoreType.DMA] * 4,
      ],
  )
  def k(gs_hbm, srcc_hbm, dstc_hbm, out_hbm, idxs_v, idxd_v, bufs, s_sh, sems):
    c = lax.axis_index("c")
    s = lax.axis_index("s")
    wid = s * 2 + c
    _zero_f32_block(bufs[0], CHUNK, D)
    zdescs = [
        pltpu.async_copy(
            bufs[0],
            s_sh.at[pl.ds(s * ROWS_PER_TILE + bb * CHUNK, CHUNK)],
            sems[0])
        for bb in range(ROWS_PER_TILE // CHUNK)
    ]
    half = CH_PER_TILE // 2
    base0 = wid * CH_PER_TILE
    pltpu.sync_copy(srcc_hbm.at[pl.ds(base0, half)], idxs_v)
    pltpu.sync_copy(dstc_hbm.at[pl.ds(base0, half)], idxd_v)
    for dsc in zdescs:
      dsc.wait()
    plsc.subcore_barrier()

    for p in range(2):
      if p == 1:
        base = wid * CH_PER_TILE + half
        pltpu.sync_copy(srcc_hbm.at[pl.ds(base, half)], idxs_v)
        pltpu.sync_copy(dstc_hbm.at[pl.ds(base, half)], idxd_v)

      @pl.loop(0, half, step=2)
      def _pipe(j):
        descs = [
            pltpu.async_copy(gs_hbm.at[idxs_v.at[j + t]], bufs[t], sems[t])
            for t in range(2)
        ]
        sdescs = []
        for t in range(2):
          descs[t].wait()
          sdescs.append(pltpu.async_copy(
              bufs[t], s_sh.at[idxd_v.at[j + t]], sems[2 + t], add=True))
        for sd in sdescs:
          sd.wait()

    plsc.subcore_barrier()
    pltpu.sync_copy(
        s_sh.at[pl.ds(s * ROWS_PER_TILE, ROWS_PER_TILE)],
        out_hbm.at[pl.ds(c * NPAD + s * ROWS_PER_TILE, ROWS_PER_TILE)],
    )

  return k(gs, srcc, dstc)


def _tc_dis(d0, d1):
  def body(d0_ref, d1_ref, out_ref):
    out_ref[...] = lax.rsqrt(d0_ref[...] + d1_ref[...] + 1.0)

  return pl.pallas_call(
      body,
      out_shape=jax.ShapeDtypeStruct((NPAD // 128, 128), jnp.float32),
  )(d0, d1)


def _tc_first(x, W, dis_col):
  def body(x_ref, w_ref, dis_ref, out_ref):
    g = jnp.dot(x_ref[...], w_ref[...], preferred_element_type=jnp.float32)
    out_ref[...] = dis_ref[...] * g

  return pl.pallas_call(
      body,
      grid=(RB,),
      in_specs=[
          pl.BlockSpec((RBLK, D), lambda r: (r, 0)),
          pl.BlockSpec((D, D), lambda r: (0, 0)),
          pl.BlockSpec((RBLK, 1), lambda r: (r, 0)),
      ],
      out_specs=pl.BlockSpec((RBLK, D), lambda r: (r, 0)),
      out_shape=jax.ShapeDtypeStruct((N, D), jnp.float32),
  )(x, W, dis_col)


def _tc_mid(s0, s1, gsp, dis_col, bias, W):
  def body(s0_ref, s1_ref, gsp_ref, dis_ref, b_ref, w_ref, out_ref):
    agg = dis_ref[...] * (s0_ref[...] + s1_ref[...] + gsp_ref[...])
    h = jnp.maximum(agg + b_ref[...], 0.0)
    g = jnp.dot(h, w_ref[...], preferred_element_type=jnp.float32)
    out_ref[...] = dis_ref[...] * g

  return pl.pallas_call(
      body,
      grid=(RB,),
      in_specs=[
          pl.BlockSpec((RBLK, D), lambda r: (r, 0)),
          pl.BlockSpec((RBLK, D), lambda r: (r, 0)),
          pl.BlockSpec((RBLK, D), lambda r: (r, 0)),
          pl.BlockSpec((RBLK, 1), lambda r: (r, 0)),
          pl.BlockSpec((1, D), lambda r: (0, 0)),
          pl.BlockSpec((D, D), lambda r: (0, 0)),
      ],
      out_specs=pl.BlockSpec((RBLK, D), lambda r: (r, 0)),
      out_shape=jax.ShapeDtypeStruct((N, D), jnp.float32),
  )(s0, s1, gsp, dis_col, bias, W)


def _tc_final(s0, s1, gsp, dis_col, bias, batch3, Wl, bl):
  def body(s0_ref, s1_ref, gsp_ref, dis_ref, b_ref, bat_ref, wl_ref, bl_ref,
           out_ref, acc_ref, cnt_ref):
    r = pl.program_id(0)

    @pl.when(r == 0)
    def _():
      acc_ref[...] = jnp.zeros((B, D), jnp.float32)
      cnt_ref[...] = jnp.zeros((B, 128), jnp.float32)

    agg = dis_ref[...] * (s0_ref[...] + s1_ref[...] + gsp_ref[...])
    h = agg + b_ref[...]
    bat = bat_ref[0]
    gid = lax.broadcasted_iota(jnp.int32, (B, RBLK), 0)
    p = jnp.where(bat == gid, 1.0, 0.0)
    acc_ref[...] += jnp.dot(p, h, preferred_element_type=jnp.float32)
    cnt_ref[...] += jnp.broadcast_to(
        jnp.sum(p, axis=1, keepdims=True), (B, 128))

    @pl.when(r == RB - 1)
    def _():
      x_g = acc_ref[...] / jnp.maximum(cnt_ref[...], 1.0)
      logits = (
          jnp.dot(x_g, wl_ref[...], preferred_element_type=jnp.float32)
          + bl_ref[...])
      m = jnp.max(logits, axis=-1, keepdims=True)
      z = logits - m
      lse = jnp.log(jnp.sum(jnp.exp(z), axis=-1, keepdims=True))
      out_ref[...] = z - lse

  return pl.pallas_call(
      body,
      grid=(RB,),
      in_specs=[
          pl.BlockSpec((RBLK, D), lambda r: (r, 0)),
          pl.BlockSpec((RBLK, D), lambda r: (r, 0)),
          pl.BlockSpec((RBLK, D), lambda r: (r, 0)),
          pl.BlockSpec((RBLK, 1), lambda r: (r, 0)),
          pl.BlockSpec((1, D), lambda r: (0, 0)),
          pl.BlockSpec((1, 1, RBLK), lambda r: (r, 0, 0)),
          pl.BlockSpec((D, C), lambda r: (0, 0)),
          pl.BlockSpec((1, C), lambda r: (0, 0)),
      ],
      out_specs=pl.BlockSpec((B, C), lambda r: (0, 0)),
      out_shape=jax.ShapeDtypeStruct((B, C), jnp.float32),
      scratch_shapes=[
          pltpu.VMEM((B, D), jnp.float32),
          pltpu.VMEM((B, 128), jnp.float32),
      ],
  )(s0, s1, gsp, dis_col, bias, batch3, Wl, bl)


def kernel(x, edge_index, batch, W1, b1, W2, b2, W3, b3, Wl, bl):
  src = edge_index[0]
  dst = edge_index[1]
  pad = EPAD - E
  ar = jnp.arange(pad, dtype=jnp.int32)
  srcc = jnp.concatenate([src, ar % N]).reshape(NCH, CHUNK)
  dstc = jnp.concatenate([dst, N + (ar % (NPAD - N))]).reshape(NCH, CHUNK)

  degp = _sc_degree(dstc)
  d0 = degp[:NPAD].reshape(NPAD // 128, 128)
  d1 = degp[NPAD:].reshape(NPAD // 128, 128)
  dis_col = _tc_dis(d0, d1).reshape(NPAD)[:N].reshape(N, 1)

  b1r = b1.reshape(1, D)
  b2r = b2.reshape(1, D)
  b3r = b3.reshape(1, D)
  blr = bl.reshape(1, C)
  batch3 = batch.reshape(RB, 1, RBLK)

  gs1 = _tc_first(x, W1, dis_col)
  s = _sc_scatter(gs1, srcc, dstc)
  gs2 = _tc_mid(s[:N], s[NPAD:NPAD + N], gs1, dis_col, b1r, W2)
  s = _sc_scatter(gs2, srcc, dstc)
  gs3 = _tc_mid(s[:N], s[NPAD:NPAD + N], gs2, dis_col, b2r, W3)
  s = _sc_scatter(gs3, srcc, dstc)
  return _tc_final(s[:N], s[NPAD:NPAD + N], gs3, dis_col, b3r, batch3, Wl, blr)

# --- scband reference (transcript-rebuilt; emitter-appended) ---
"""Pipeline reference for scband-gcnnet-24120536334790 (READ-ONLY COPY).

The authoritative reference and input builder live on the scoring server;
editing this copy changes nothing except your own understanding.
"""

import jax, jax.numpy as jnp
import numpy as np

N = 10000   # nodes
E = 320000  # edges
D = 128     # in features
H = 128     # hidden
C = 40      # classes
B = 64      # graphs in batch


def _glorot(key, shape):
    lim = np.sqrt(6.0 / (shape[0] + shape[1]))
    return jax.random.uniform(key, shape, dtype=jnp.float32, minval=-lim, maxval=lim)


def setup_inputs(seed: int = 0) -> dict:
    key = jax.random.key(seed)
    ks = jax.random.split(key, 12)
    x = jax.random.normal(ks[0], (N, D), dtype=jnp.float32)
    edge_index = jax.random.randint(ks[1], (2, E), 0, N, dtype=jnp.int32)
    batch = jnp.sort(jax.random.randint(ks[2], (N,), 0, B, dtype=jnp.int32))
    W1 = _glorot(ks[3], (D, H)); b1 = jnp.zeros((H,), jnp.float32)
    W2 = _glorot(ks[4], (H, H)); b2 = jnp.zeros((H,), jnp.float32)
    W3 = _glorot(ks[5], (H, H)); b3 = jnp.zeros((H,), jnp.float32)
    Wl = _glorot(ks[6], (H, C)); bl = jnp.zeros((C,), jnp.float32)
    return {"x": x, "edge_index": edge_index, "batch": batch,
            "W1": W1, "b1": b1, "W2": W2, "b2": b2, "W3": W3, "b3": b3,
            "Wl": Wl, "bl": bl}


def reference(x, edge_index, batch, W1, b1, W2, b2, W3, b3, Wl, bl):
    n = x.shape[0]
    loop = jnp.arange(n, dtype=edge_index.dtype)
    src = jnp.concatenate([edge_index[0], loop])
    dst = jnp.concatenate([edge_index[1], loop])
    deg = jnp.zeros((n,), jnp.float32).at[dst].add(1.0)
    norm = jax.lax.rsqrt(deg[src] * deg[dst])

    def gcn_layer(h, W, b):
        msg = h[src] * norm[:, None]
        agg = jnp.zeros((n, h.shape[1]), h.dtype).at[dst].add(msg)
        return agg @ W + b

    h = jax.nn.relu(gcn_layer(x, W1, b1))
    h = jax.nn.relu(gcn_layer(h, W2, b2))
    h = gcn_layer(h, W3, b3)

    sums = jax.ops.segment_sum(h, batch, num_segments=B)
    cnt = jax.ops.segment_sum(jnp.ones((n, 1), jnp.float32), batch, num_segments=B)
    x_g = sums / jnp.maximum(cnt, 1.0)

    out = x_g @ Wl + bl
    return jax.nn.log_softmax(out, axis=-1)

if __name__ == "__main__":
    import jax
    _d = setup_inputs()
    print(jax.jit(kernel)(*tuple(_d.values())))

</pallas_src>

<mosaic_0001>
#map = affine_map<(d0, d1) -> (0, 0)>
module attributes {stable_mosaic.version = 14 : i64} {
  func.func @k(%arg0: i32, %arg1: i32, %arg2: memref<10000x128xf32, #tpu.memory_space<hbm>>, %arg3: memref<2560x128xi32, #tpu.memory_space<hbm>>, %arg4: memref<2560x128xi32, #tpu.memory_space<hbm>>, %arg5: memref<20480x128xf32, #tpu.memory_space<hbm>>, %arg6: memref<40x128xi32, #tpu.memory_space<vmem>>, %arg7: memref<40x128xi32, #tpu.memory_space<vmem>>, %arg8: memref<128x128xf32, #tpu.memory_space<vmem>>, %arg9: memref<128x128xf32, #tpu.memory_space<vmem>>, %arg10: memref<10240x128xf32, #tpu.memory_space<vmem_shared>>, %arg11: memref<!tpu.dma_semaphore, #tpu.memory_space<semaphore_mem>>, %arg12: memref<!tpu.dma_semaphore, #tpu.memory_space<semaphore_mem>>, %arg13: memref<!tpu.dma_semaphore, #tpu.memory_space<semaphore_mem>>, %arg14: memref<!tpu.dma_semaphore, #tpu.memory_space<semaphore_mem>>) attributes {dimension_semantics = [#tpu.dimension_semantics<core_parallel>, #tpu.dimension_semantics<subcore_parallel>], iteration_bounds = array<i64: 2, 16>, scalar_prefetch = 0 : i64, scratch_operands = 9 : i64, tpu.core_type = #tpu.core_type<sc_vector_subcore>, window_params = [{transform_indices = #map}, {transform_indices = #map}, {transform_indices = #map}, {transform_indices = #map}]} {
    %mul3A = arith.constant 2 : i32
    %mul3A_0 = arith.muli %arg1, %mul3A : i32
    %add3A = arith.addi %mul3A_0, %arg0 : i32
    %scan3A = arith.constant 0 : i32
    %scan3A_1 = arith.constant 1024 : i32
    %scan3A_2 = arith.addi %scan3A, %scan3A_1 : i32
    %scan3A_3 = arith.constant 1 : i32
    scf.for %scan3A_87 = %scan3A to %scan3A_2 step %scan3A_3  : i32 {
      %jit3A = arith.constant 8 : i32
      %div3A = arith.divsi %scan3A_87, %jit3A : i32
      %sign3A = arith.constant 0 : i32
      %sign3A_88 = arith.cmpi sgt, %scan3A_87, %sign3A : i32
      %sign3A_89 = arith.extui %sign3A_88 : i1 to i32
      %sign3A_90 = arith.constant 0 : i32
      %sign3A_91 = arith.cmpi slt, %scan3A_87, %sign3A_90 : i32
      %sign3A_92 = arith.extui %sign3A_91 : i1 to i32
      %sign3A_93 = arith.subi %sign3A_89, %sign3A_92 : i32
      %sign3A_94 = arith.constant 0 : i32
      %sign3A_95 = arith.cmpi sgt, %jit3A, %sign3A_94 : i32
      %sign3A_96 = arith.extui %sign3A_95 : i1 to i32
      %sign3A_97 = arith.constant 0 : i32
      %sign3A_98 = arith.cmpi slt, %jit3A, %sign3A_97 : i32
      %sign3A_99 = arith.extui %sign3A_98 : i1 to i32
      %sign3A_100 = arith.subi %sign3A_96, %sign3A_99 : i32
      %ne3A = arith.cmpi ne, %sign3A_93, %sign3A_100 : i32
      %rem3A = arith.remsi %scan3A_87, %jit3A : i32
      %ne3A_101 = arith.constant 0 : i32
      %ne3A_102 = arith.cmpi ne, %rem3A, %ne3A_101 : i32
      %and3A = arith.andi %ne3A, %ne3A_102 : i1
      %sub3A = arith.constant 1 : i32
      %sub3A_103 = arith.subi %div3A, %sub3A : i32
      %select_n3A = arith.select %and3A, %sub3A_103, %div3A : i32
      %jit3A_104 = arith.constant 8 : i32
      %eq3A = arith.constant 0 : i32
      %eq3A_105 = arith.cmpi eq, %jit3A_104, %eq3A : i32
      %jit3A_106 = arith.constant 1 : i32
      %select_n3A_107 = arith.select %eq3A_105, %jit3A_106, %jit3A_104 : i32
      %rem3A_108 = arith.remsi %scan3A_87, %select_n3A_107 : i32
      %ne3A_109 = arith.constant 0 : i32
      %ne3A_110 = arith.cmpi ne, %rem3A_108, %ne3A_109 : i32
      %lt3A = arith.constant 0 : i32
      %lt3A_111 = arith.cmpi slt, %rem3A_108, %lt3A : i32
      %lt3A_112 = arith.constant 0 : i32
      %lt3A_113 = arith.cmpi slt, %select_n3A_107, %lt3A_112 : i32
      %ne3A_114 = arith.xori %lt3A_111, %lt3A_113 : i1
      %and3A_115 = arith.andi %ne3A_114, %ne3A_110 : i1
      %add3A_116 = arith.addi %rem3A_108, %select_n3A_107 : i32
      %select_n3A_117 = arith.select %and3A_115, %add3A_116, %rem3A_108 : i32
      %broadcast_in_dim3A = arith.constant 0.000000e+00 : f32
      %broadcast_in_dim3A_118 = vector.broadcast %broadcast_in_dim3A : f32 to vector<16xf32>
      %mul3A_119 = arith.constant 16 : i32
      %mul3A_120 = arith.muli %select_n3A_117, %mul3A_119 : i32
      %swap3A = arith.index_cast %select_n3A : i32 to index
      %swap3A_121 = arith.index_cast %mul3A_120 : i32 to index
      %swap3A_122 = tpu.vector_load %arg8[%swap3A, %swap3A_121] {strides = array<i32>} : memref<128x128xf32, #tpu.memory_space<vmem>>, vector<1x16xf32>,
      %swap3A_123 = vector.shape_cast %swap3A_122 : vector<1x16xf32> to vector<16xf32>
      %swap3A_124 = vector.shape_cast %broadcast_in_dim3A_118 : vector<16xf32> to vector<1x16xf32>
      tpu.vector_store %arg8[%swap3A, %swap3A_121], %swap3A_124 {strides = array<i32>} : memref<128x128xf32, #tpu.memory_space<vmem>>, vector<1x16xf32>,
    }
    %scan3A_4 = arith.constant 1024 : i32
    %mul3A_5 = arith.constant 640 : i32
    %mul3A_6 = arith.muli %arg1, %mul3A_5 : i32
    %add3A_7 = arith.constant 0 : i32
    %add3A_8 = arith.addi %mul3A_6, %add3A_7 : i32
    %dma_start3A = arith.constant 0 : i32
    %dma_start3A_9 = tpu.memref_slice %arg10[%add3A_8, %dma_start3A] : memref<10240x128xf32, #tpu.memory_space<vmem_shared>> -> memref<128x128xf32, #tpu.memory_space<vmem_shared>>
    %dma_start3A_10 = arith.constant 0 : i32
    %dma_start3A_11 = tpu.memref_slice %arg10[%add3A_8, %dma_start3A_10] : memref<10240x128xf32, #tpu.memory_space<vmem_shared>> -> memref<128x128xf32, #tpu.memory_space<vmem_shared>>
    tpu.enqueue_dma source(%arg8 : memref<128x128xf32, #tpu.memory_space<vmem>>) target(%dma_start3A_11 : memref<128x128xf32, #tpu.memory_space<vmem_shared>>) target_semaphore(%arg11 : memref<!tpu.dma_semaphore, #tpu.memory_space<semaphore_mem>>)
    %mul3A_12 = arith.constant 640 : i32
    %mul3A_13 = arith.muli %arg1, %mul3A_12 : i32
    %add3A_14 = arith.constant 128 : i32
    %add3A_15 = arith.addi %mul3A_13, %add3A_14 : i32
    %dma_start3A_16 = arith.constant 0 : i32
    %dma_start3A_17 = tpu.memref_slice %arg10[%add3A_15, %dma_start3A_16] : memref<10240x128xf32, #tpu.memory_space<vmem_shared>> -> memref<128x128xf32, #tpu.memory_space<vmem_shared>>
    %dma_start3A_18 = arith.constant 0 : i32
    %dma_start3A_19 = tpu.memref_slice %arg10[%add3A_15, %dma_start3A_18] : memref<10240x128xf32, #tpu.memory_space<vmem_shared>> -> memref<128x128xf32, #tpu.memory_space<vmem_shared>>
    tpu.enqueue_dma source(%arg8 : memref<128x128xf32, #tpu.memory_space<vmem>>) target(%dma_start3A_19 : memref<128x128xf32, #tpu.memory_space<vmem_shared>>) target_semaphore(%arg11 : memref<!tpu.dma_semaphore, #tpu.memory_space<semaphore_mem>>)
    %mul3A_20 = arith.constant 640 : i32
    %mul3A_21 = arith.muli %arg1, %mul3A_20 : i32
    %add3A_22 = arith.constant 256 : i32
    %add3A_23 = arith.addi %mul3A_21, %add3A_22 : i32
    %dma_start3A_24 = arith.constant 0 : i32
    %dma_start3A_25 = tpu.memref_slice %arg10[%add3A_23, %dma_start3A_24] : memref<10240x128xf32, #tpu.memory_space<vmem_shared>> -> memref<128x128xf32, #tpu.memory_space<vmem_shared>>
    %dma_start3A_26 = arith.constant 0 : i32
    %dma_start3A_27 = tpu.memref_slice %arg10[%add3A_23, %dma_start3A_26] : memref<10240x128xf32, #tpu.memory_space<vmem_shared>> -> memref<128x128xf32, #tpu.memory_space<vmem_shared>>
    tpu.enqueue_dma source(%arg8 : memref<128x128xf32, #tpu.memory_space<vmem>>) target(%dma_start3A_27 : memref<128x128xf32, #tpu.memory_space<vmem_shared>>) target_semaphore(%arg11 : memref<!tpu.dma_semaphore, #tpu.memory_space<semaphore_mem>>)
    %mul3A_28 = arith.constant 640 : i32
    %mul3A_29 = arith.muli %arg1, %mul3A_28 : i32
    %add3A_30 = arith.constant 384 : i32
    %add3A_31 = arith.addi %mul3A_29, %add3A_30 : i32
    %dma_start3A_32 = arith.constant 0 : i32
    %dma_start3A_33 = tpu.memref_slice %arg10[%add3A_31, %dma_start3A_32] : memref<10240x128xf32, #tpu.memory_space<vmem_shared>> -> memref<128x128xf32, #tpu.memory_space<vmem_shared>>
    %dma_start3A_34 = arith.constant 0 : i32
    %dma_start3A_35 = tpu.memref_slice %arg10[%add3A_31, %dma_start3A_34] : memref<10240x128xf32, #tpu.memory_space<vmem_shared>> -> memref<128x128xf32, #tpu.memory_space<vmem_shared>>
    tpu.enqueue_dma source(%arg8 : memref<128x128xf32, #tpu.memory_space<vmem>>) target(%dma_start3A_35 : memref<128x128xf32, #tpu.memory_space<vmem_shared>>) target_semaphore(%arg11 : memref<!tpu.dma_semaphore, #tpu.memory_space<semaphore_mem>>)
    %mul3A_36 = arith.constant 640 : i32
    %mul3A_37 = arith.muli %arg1, %mul3A_36 : i32
    %add3A_38 = arith.constant 512 : i32
    %add3A_39 = arith.addi %mul3A_37, %add3A_38 : i32
    %dma_start3A_40 = arith.constant 0 : i32
    %dma_start3A_41 = tpu.memref_slice %arg10[%add3A_39, %dma_start3A_40] : memref<10240x128xf32, #tpu.memory_space<vmem_shared>> -> memref<128x128xf32, #tpu.memory_space<vmem_shared>>
    %dma_start3A_42 = arith.constant 0 : i32
    %dma_start3A_43 = tpu.memref_slice %arg10[%add3A_39, %dma_start3A_42] : memref<10240x128xf32, #tpu.memory_space<vmem_shared>> -> memref<128x128xf32, #tpu.memory_space<vmem_shared>>
    tpu.enqueue_dma source(%arg8 : memref<128x128xf32, #tpu.memory_space<vmem>>) target(%dma_start3A_43 : memref<128x128xf32, #tpu.memory_space<vmem_shared>>) target_semaphore(%arg11 : memref<!tpu.dma_semaphore, #tpu.memory_space<semaphore_mem>>)
    %mul3A_44 = arith.constant 80 : i32
    %mul3A_45 = arith.muli %add3A, %mul3A_44 : i32
    "tpu.region"() ({
      %run_scoped3A = tpu.sem_alloc : memref<!tpu.dma_semaphore, #tpu.memory_space<semaphore_mem>>
      %dma_start3A_87 = arith.constant 0 : i32
      %dma_start3A_88 = tpu.memref_slice %arg3[%mul3A_45, %dma_start3A_87] : memref<2560x128xi32, #tpu.memory_space<hbm>> -> memref<40x128xi32, #tpu.memory_space<hbm>>
      %dma_start3A_89 = arith.constant 0 : i32
      %dma_start3A_90 = tpu.memref_slice %arg3[%mul3A_45, %dma_start3A_89] : memref<2560x128xi32, #tpu.memory_space<hbm>> -> memref<40x128xi32, #tpu.memory_space<hbm>>
      tpu.enqueue_dma source(%dma_start3A_90 : memref<40x128xi32, #tpu.memory_space<hbm>>) target(%arg6 : memref<40x128xi32, #tpu.memory_space<vmem>>) target_semaphore(%run_scoped3A : memref<!tpu.dma_semaphore, #tpu.memory_space<semaphore_mem>>)
      %dma_wait3A_91 = arith.constant 0 : i32
      %dma_wait3A_92 = tpu.memref_slice %arg3[%mul3A_45, %dma_wait3A_91] : memref<2560x128xi32, #tpu.memory_space<hbm>> -> memref<40x128xi32, #tpu.memory_space<hbm>>
      %dma_wait3A_93 = arith.constant 0 : i32
      %dma_wait3A_94 = tpu.memref_slice %arg3[%mul3A_45, %dma_wait3A_93] : memref<2560x128xi32, #tpu.memory_space<hbm>> -> memref<40x128xi32, #tpu.memory_space<hbm>>
      tpu.wait_dma2 semaphore(%run_scoped3A : memref<!tpu.dma_semaphore, #tpu.memory_space<semaphore_mem>>) src(%dma_wait3A_94 : memref<40x128xi32, #tpu.memory_space<hbm>>) dst(%arg6 : memref<40x128xi32, #tpu.memory_space<vmem>>)
      tpu.yield
    }) : () -> ()
    "tpu.region"() ({
      %run_scoped3A = tpu.sem_alloc : memref<!tpu.dma_semaphore, #tpu.memory_space<semaphore_mem>>
      %dma_start3A_87 = arith.constant 0 : i32
      %dma_start3A_88 = tpu.memref_slice %arg4[%mul3A_45, %dma_start3A_87] : memref<2560x128xi32, #tpu.memory_space<hbm>> -> memref<40x128xi32, #tpu.memory_space<hbm>>
      %dma_start3A_89 = arith.constant 0 : i32
      %dma_start3A_90 = tpu.memref_slice %arg4[%mul3A_45, %dma_start3A_89] : memref<2560x128xi32, #tpu.memory_space<hbm>> -> memref<40x128xi32, #tpu.memory_space<hbm>>
      tpu.enqueue_dma source(%dma_start3A_90 : memref<40x128xi32, #tpu.memory_space<hbm>>) target(%arg7 : memref<40x128xi32, #tpu.memory_space<vmem>>) target_semaphore(%run_scoped3A : memref<!tpu.dma_semaphore, #tpu.memory_space<semaphore_mem>>)
      %dma_wait3A_91 = arith.constant 0 : i32
      %dma_wait3A_92 = tpu.memref_slice %arg4[%mul3A_45, %dma_wait3A_91] : memref<2560x128xi32, #tpu.memory_space<hbm>> -> memref<40x128xi32, #tpu.memory_space<hbm>>
      %dma_wait3A_93 = arith.constant 0 : i32
      %dma_wait3A_94 = tpu.memref_slice %arg4[%mul3A_45, %dma_wait3A_93] : memref<2560x128xi32, #tpu.memory_space<hbm>> -> memref<40x128xi32, #tpu.memory_space<hbm>>
      tpu.wait_dma2 semaphore(%run_scoped3A : memref<!tpu.dma_semaphore, #tpu.memory_space<semaphore_mem>>) src(%dma_wait3A_94 : memref<40x128xi32, #tpu.memory_space<hbm>>) dst(%arg7 : memref<40x128xi32, #tpu.memory_space<vmem>>)
      tpu.yield
    }) : () -> ()
    %dma_wait3A = arith.constant 0 : i32
    %dma_wait3A_46 = tpu.memref_slice %arg10[%add3A_8, %dma_wait3A] : memref<10240x128xf32, #tpu.memory_space<vmem_shared>> -> memref<128x128xf32, #tpu.memory_space<vmem_shared>>
    %dma_wait3A_47 = arith.constant 0 : i32
    %dma_wait3A_48 = tpu.memref_slice %arg10[%add3A_8, %dma_wait3A_47] : memref<10240x128xf32, #tpu.memory_space<vmem_shared>> -> memref<128x128xf32, #tpu.memory_space<vmem_shared>>
    tpu.wait_dma2 semaphore(%arg11 : memref<!tpu.dma_semaphore, #tpu.memory_space<semaphore_mem>>) src(%arg8 : memref<128x128xf32, #tpu.memory_space<vmem>>) dst(%dma_wait3A_48 : memref<128x128xf32, #tpu.memory_space<vmem_shared>>)
    %dma_wait3A_49 = arith.constant 0 : i32
    %dma_wait3A_50 = tpu.memref_slice %arg10[%add3A_15, %dma_wait3A_49] : memref<10240x128xf32, #tpu.memory_space<vmem_shared>> -> memref<128x128xf32, #tpu.memory_space<vmem_shared>>
    %dma_wait3A_51 = arith.constant 0 : i32
    %dma_wait3A_52 = tpu.memref_slice %arg10[%add3A_15, %dma_wait3A_51] : memref<10240x128xf32, #tpu.memory_space<vmem_shared>> -> memref<128x128xf32, #tpu.memory_space<vmem_shared>>
    tpu.wait_dma2 semaphore(%arg11 : memref<!tpu.dma_semaphore, #tpu.memory_space<semaphore_mem>>) src(%arg8 : memref<128x128xf32, #tpu.memory_space<vmem>>) dst(%dma_wait3A_52 : memref<128x128xf32, #tpu.memory_space<vmem_shared>>)
    %dma_wait3A_53 = arith.constant 0 : i32
    %dma_wait3A_54 = tpu.memref_slice %arg10[%add3A_23, %dma_wait3A_53] : memref<10240x128xf32, #tpu.memory_space<vmem_shared>> -> memref<128x128xf32, #tpu.memory_space<vmem_shared>>
    %dma_wait3A_55 = arith.constant 0 : i32
    %dma_wait3A_56 = tpu.memref_slice %arg10[%add3A_23, %dma_wait3A_55] : memref<10240x128xf32, #tpu.memory_space<vmem_shared>> -> memref<128x128xf32, #tpu.memory_space<vmem_shared>>
    tpu.wait_dma2 semaphore(%arg11 : memref<!tpu.dma_semaphore, #tpu.memory_space<semaphore_mem>>) src(%arg8 : memref<128x128xf32, #tpu.memory_space<vmem>>) dst(%dma_wait3A_56 : memref<128x128xf32, #tpu.memory_space<vmem_shared>>)
    %dma_wait3A_57 = arith.constant 0 : i32
    %dma_wait3A_58 = tpu.memref_slice %arg10[%add3A_31, %dma_wait3A_57] : memref<10240x128xf32, #tpu.memory_space<vmem_shared>> -> memref<128x128xf32, #tpu.memory_space<vmem_shared>>
    %dma_wait3A_59 = arith.constant 0 : i32
    %dma_wait3A_60 = tpu.memref_slice %arg10[%add3A_31, %dma_wait3A_59] : memref<10240x128xf32, #tpu.memory_space<vmem_shared>> -> memref<128x128xf32, #tpu.memory_space<vmem_shared>>
    tpu.wait_dma2 semaphore(%arg11 : memref<!tpu.dma_semaphore, #tpu.memory_space<semaphore_mem>>) src(%arg8 : memref<128x128xf32, #tpu.memory_space<vmem>>) dst(%dma_wait3A_60 : memref<128x128xf32, #tpu.memory_space<vmem_shared>>)
    %dma_wait3A_61 = arith.constant 0 : i32
    %dma_wait3A_62 = tpu.memref_slice %arg10[%add3A_39, %dma_wait3A_61] : memref<10240x128xf32, #tpu.memory_space<vmem_shared>> -> memref<128x128xf32, #tpu.memory_space<vmem_shared>>
    %dma_wait3A_63 = arith.constant 0 : i32
    %dma_wait3A_64 = tpu.memref_slice %arg10[%add3A_39, %dma_wait3A_63] : memref<10240x128xf32, #tpu.memory_space<vmem_shared>> -> memref<128x128xf32, #tpu.memory_space<vmem_shared>>
    tpu.wait_dma2 semaphore(%arg11 : memref<!tpu.dma_semaphore, #tpu.memory_space<semaphore_mem>>) src(%arg8 : memref<128x128xf32, #tpu.memory_space<vmem>>) dst(%dma_wait3A_64 : memref<128x128xf32, #tpu.memory_space<vmem_shared>>)
    %barrier3A = arith.constant 0 : index
    tpu.barrier barrier_id(%barrier3A)
    %scan3A_65 = arith.constant 0 : i32
    %scan3A_66 = arith.constant 20 : i32
    %scan3A_67 = arith.addi %scan3A_65, %scan3A_66 : i32
    %scan3A_68 = arith.constant 1 : i32
    scf.for %scan3A_87 = %scan3A_65 to %scan3A_67 step %scan3A_68  : i32 {
      %mul3A_88 = arith.constant 2 : i32
      %mul3A_89 = arith.muli %scan3A_87, %mul3A_88 : i32
      %add3A_90 = arith.constant 0 : i32
      %add3A_91 = arith.addi %add3A_90, %mul3A_89 : i32
      %add3A_92 = arith.constant 0 : i32
      %add3A_93 = arith.addi %add3A_91, %add3A_92 : i32
      %dma_start3A_94 = arith.constant 0 : i32
      %dma_start3A_95 = tpu.memref_slice %arg6[%add3A_93, %dma_start3A_94] : memref<40x128xi32, #tpu.memory_space<vmem>> -> memref<1x128xi32, #tpu.memory_space<vmem>>
      %dma_start3A_96 = tpu.memref_squeeze %dma_start3A_95 : memref<1x128xi32, #tpu.memory_space<vmem>> -> memref<128xi32, #tpu.memory_space<vmem>>
      %dma_start3A_97 = arith.constant 0 : i32
      %dma_start3A_98 = arith.constant 0 : i32
      %dma_start3A_99 = tpu.memref_slice %arg2[%dma_start3A_97, %dma_start3A_98] : memref<10000x128xf32, #tpu.memory_space<hbm>> -> memref<10000x128xf32, #tpu.memory_space<hbm>>
      tpu.enqueue_indirect_dma source(%dma_start3A_99 : memref<10000x128xf32, #tpu.memory_space<hbm>>) target(%arg8 : memref<128x128xf32, #tpu.memory_space<vmem>>) offsets(%dma_start3A_96 : memref<128xi32, #tpu.memory_space<vmem>>) semaphore(%arg11 : memref<!tpu.dma_semaphore, #tpu.memory_space<semaphore_mem>>)
      %add3A_100 = arith.constant 1 : i32
      %add3A_101 = arith.addi %add3A_91, %add3A_100 : i32
      %dma_start3A_102 = arith.constant 0 : i32
      %dma_start3A_103 = tpu.memref_slice %arg6[%add3A_101, %dma_start3A_102] : memref<40x128xi32, #tpu.memory_space<vmem>> -> memref<1x128xi32, #tpu.memory_space<vmem>>
      %dma_start3A_104 = tpu.memref_squeeze %dma_start3A_103 : memref<1x128xi32, #tpu.memory_space<vmem>> -> memref<128xi32, #tpu.memory_space<vmem>>
      %dma_start3A_105 = arith.constant 0 : i32
      %dma_start3A_106 = arith.constant 0 : i32
      %dma_start3A_107 = tpu.memref_slice %arg2[%dma_start3A_105, %dma_start3A_106] : memref<10000x128xf32, #tpu.memory_space<hbm>> -> memref<10000x128xf32, #tpu.memory_space<hbm>>
      tpu.enqueue_indirect_dma source(%dma_start3A_107 : memref<10000x128xf32, #tpu.memory_space<hbm>>) target(%arg9 : memref<128x128xf32, #tpu.memory_space<vmem>>) offsets(%dma_start3A_104 : memref<128xi32, #tpu.memory_space<vmem>>) semaphore(%arg12 : memref<!tpu.dma_semaphore, #tpu.memory_space<semaphore_mem>>)
      %dma_wait3A_108 = arith.constant 0 : i32
      %dma_wait3A_109 = tpu.memref_slice %arg6[%add3A_93, %dma_wait3A_108] : memref<40x128xi32, #tpu.memory_space<vmem>> -> memref<1x128xi32, #tpu.memory_space<vmem>>
      %dma_wait3A_110 = tpu.memref_squeeze %dma_wait3A_109 : memref<1x128xi32, #tpu.memory_space<vmem>> -> memref<128xi32, #tpu.memory_space<vmem>>
      %dma_wait3A_111 = arith.constant 0 : i32
      %dma_wait3A_112 = arith.constant 0 : i32
      %dma_wait3A_113 = tpu.memref_slice %arg2[%dma_wait3A_111, %dma_wait3A_112] : memref<10000x128xf32, #tpu.memory_space<hbm>> -> memref<10000x128xf32, #tpu.memory_space<hbm>>
      tpu.wait_indirect_dma semaphore(%arg11 : memref<!tpu.dma_semaphore, #tpu.memory_space<semaphore_mem>>) src(%dma_wait3A_113 : memref<10000x128xf32, #tpu.memory_space<hbm>>) dst(%arg8 : memref<128x128xf32, #tpu.memory_space<vmem>>)
      %add3A_114 = arith.constant 0 : i32
      %add3A_115 = arith.addi %add3A_91, %add3A_114 : i32
      %dma_start3A_116 = arith.constant 0 : i32
      %dma_start3A_117 = tpu.memref_slice %arg7[%add3A_115, %dma_start3A_116] : memref<40x128xi32, #tpu.memory_space<vmem>> -> memref<1x128xi32, #tpu.memory_space<vmem>>
      %dma_start3A_118 = tpu.memref_squeeze %dma_start3A_117 : memref<1x128xi32, #tpu.memory_space<vmem>> -> memref<128xi32, #tpu.memory_space<vmem>>
      %dma_start3A_119 = arith.constant 0 : i32
      %dma_start3A_120 = arith.constant 0 : i32
      %dma_start3A_121 = tpu.memref_slice %arg10[%dma_start3A_119, %dma_start3A_120] : memref<10240x128xf32, #tpu.memory_space<vmem_shared>> -> memref<10240x128xf32, #tpu.memory_space<vmem_shared>>
      tpu.enqueue_indirect_dma source(%arg8 : memref<128x128xf32, #tpu.memory_space<vmem>>) target(%dma_start3A_121 : memref<10240x128xf32, #tpu.memory_space<vmem_shared>>) offsets(%dma_start3A_118 : memref<128xi32, #tpu.memory_space<vmem>>) semaphore(%arg13 : memref<!tpu.dma_semaphore, #tpu.memory_space<semaphore_mem>>) {add = true}
      %dma_wait3A_122 = arith.constant 0 : i32
      %dma_wait3A_123 = tpu.memref_slice %arg6[%add3A_101, %dma_wait3A_122] : memref<40x128xi32, #tpu.memory_space<vmem>> -> memref<1x128xi32, #tpu.memory_space<vmem>>
      %dma_wait3A_124 = tpu.memref_squeeze %dma_wait3A_123 : memref<1x128xi32, #tpu.memory_space<vmem>> -> memref<128xi32, #tpu.memory_space<vmem>>
      %dma_wait3A_125 = arith.constant 0 : i32
      %dma_wait3A_126 = arith.constant 0 : i32
      %dma_wait3A_127 = tpu.memref_slice %arg2[%dma_wait3A_125, %dma_wait3A_126] : memref<10000x128xf32, #tpu.memory_space<hbm>> -> memref<10000x128xf32, #tpu.memory_space<hbm>>
      tpu.wait_indirect_dma semaphore(%arg12 : memref<!tpu.dma_semaphore, #tpu.memory_space<semaphore_mem>>) src(%dma_wait3A_127 : memref<10000x128xf32, #tpu.memory_space<hbm>>) dst(%arg9 : memref<128x128xf32, #tpu.memory_space<vmem>>)
      %add3A_128 = arith.constant 1 : i32
      %add3A_129 = arith.addi %add3A_91, %add3A_128 : i32
      %dma_start3A_130 = arith.constant 0 : i32
      %dma_start3A_131 = tpu.memref_slice %arg7[%add3A_129, %dma_start3A_130] : memref<40x128xi32, #tpu.memory_space<vmem>> -> memref<1x128xi32, #tpu.memory_space<vmem>>
      %dma_start3A_132 = tpu.memref_squeeze %dma_start3A_131 : memref<1x128xi32, #tpu.memory_space<vmem>> -> memref<128xi32, #tpu.memory_space<vmem>>
      %dma_start3A_133 = arith.constant 0 : i32
      %dma_start3A_134 = arith.constant 0 : i32
      %dma_start3A_135 = tpu.memref_slice %arg10[%dma_start3A_133, %dma_start3A_134] : memref<10240x128xf32, #tpu.memory_space<vmem_shared>> -> memref<10240x128xf32, #tpu.memory_space<vmem_shared>>
      tpu.enqueue_indirect_dma source(%arg9 : memref<128x128xf32, #tpu.memory_space<vmem>>) target(%dma_start3A_135 : memref<10240x128xf32, #tpu.memory_space<vmem_shared>>) offsets(%dma_start3A_132 : memref<128xi32, #tpu.memory_space<vmem>>) semaphore(%arg14 : memref<!tpu.dma_semaphore, #tpu.memory_space<semaphore_mem>>) {add = true}
      %dma_wait3A_136 = arith.constant 0 : i32
      %dma_wait3A_137 = tpu.memref_slice %arg7[%add3A_115, %dma_wait3A_136] : memref<40x128xi32, #tpu.memory_space<vmem>> -> memref<1x128xi32, #tpu.memory_space<vmem>>
      %dma_wait3A_138 = tpu.memref_squeeze %dma_wait3A_137 : memref<1x128xi32, #tpu.memory_space<vmem>> -> memref<128xi32, #tpu.memory_space<vmem>>
      %dma_wait3A_139 = arith.constant 0 : i32
      %dma_wait3A_140 = arith.constant 0 : i32
      %dma_wait3A_141 = tpu.memref_slice %arg10[%dma_wait3A_139, %dma_wait3A_140] : memref<10240x128xf32, #tpu.memory_space<vmem_shared>> -> memref<10240x128xf32, #tpu.memory_space<vmem_shared>>
      tpu.wait_indirect_dma semaphore(%arg13 : memref<!tpu.dma_semaphore, #tpu.memory_space<semaphore_mem>>) src(%arg8 : memref<128x128xf32, #tpu.memory_space<vmem>>) dst(%dma_wait3A_141 : memref<10240x128xf32, #tpu.memory_space<vmem_shared>>)
      %dma_wait3A_142 = arith.constant 0 : i32
      %dma_wait3A_143 = tpu.memref_slice %arg7[%add3A_129, %dma_wait3A_142] : memref<40x128xi32, #tpu.memory_space<vmem>> -> memref<1x128xi32, #tpu.memory_space<vmem>>
      %dma_wait3A_144 = tpu.memref_squeeze %dma_wait3A_143 : memref<1x128xi32, #tpu.memory_space<vmem>> -> memref<128xi32, #tpu.memory_space<vmem>>
      %dma_wait3A_145 = arith.constant 0 : i32
      %dma_wait3A_146 = arith.constant 0 : i32
      %dma_wait3A_147 = tpu.memref_slice %arg10[%dma_wait3A_145, %dma_wait3A_146] : memref<10240x128xf32, #tpu.memory_space<vmem_shared>> -> memref<10240x128xf32, #tpu.memory_space<vmem_shared>>
      tpu.wait_indirect_dma semaphore(%arg14 : memref<!tpu.dma_semaphore, #tpu.memory_space<semaphore_mem>>) src(%arg9 : memref<128x128xf32, #tpu.memory_space<vmem>>) dst(%dma_wait3A_147 : memref<10240x128xf32, #tpu.memory_space<vmem_shared>>)
    }
    %scan3A_69 = arith.constant 20 : i32
    %mul3A_70 = arith.constant 80 : i32
    %mul3A_71 = arith.muli %add3A, %mul3A_70 : i32
    %add3A_72 = arith.constant 40 : i32
    %add3A_73 = arith.addi %mul3A_71, %add3A_72 : i32
    "tpu.region"() ({
      %run_scoped3A = tpu.sem_alloc : memref<!tpu.dma_semaphore, #tpu.memory_space<semaphore_mem>>
      %dma_start3A_87 = arith.constant 0 : i32
      %dma_start3A_88 = tpu.memref_slice %arg3[%add3A_73, %dma_start3A_87] : memref<2560x128xi32, #tpu.memory_space<hbm>> -> memref<40x128xi32, #tpu.memory_space<hbm>>
      %dma_start3A_89 = arith.constant 0 : i32
      %dma_start3A_90 = tpu.memref_slice %arg3[%add3A_73, %dma_start3A_89] : memref<2560x128xi32, #tpu.memory_space<hbm>> -> memref<40x128xi32, #tpu.memory_space<hbm>>
      tpu.enqueue_dma source(%dma_start3A_90 : memref<40x128xi32, #tpu.memory_space<hbm>>) target(%arg6 : memref<40x128xi32, #tpu.memory_space<vmem>>) target_semaphore(%run_scoped3A : memref<!tpu.dma_semaphore, #tpu.memory_space<semaphore_mem>>)
      %dma_wait3A_91 = arith.constant 0 : i32
      %dma_wait3A_92 = tpu.memref_slice %arg3[%add3A_73, %dma_wait3A_91] : memref<2560x128xi32, #tpu.memory_space<hbm>> -> memref<40x128xi32, #tpu.memory_space<hbm>>
      %dma_wait3A_93 = arith.constant 0 : i32
      %dma_wait3A_94 = tpu.memref_slice %arg3[%add3A_73, %dma_wait3A_93] : memref<2560x128xi32, #tpu.memory_space<hbm>> -> memref<40x128xi32, #tpu.memory_space<hbm>>
      tpu.wait_dma2 semaphore(%run_scoped3A : memref<!tpu.dma_semaphore, #tpu.memory_space<semaphore_mem>>) src(%dma_wait3A_94 : memref<40x128xi32, #tpu.memory_space<hbm>>) dst(%arg6 : memref<40x128xi32, #tpu.memory_space<vmem>>)
      tpu.yield
    }) : () -> ()
    "tpu.region"() ({
      %run_scoped3A = tpu.sem_alloc : memref<!tpu.dma_semaphore, #tpu.memory_space<semaphore_mem>>
      %dma_start3A_87 = arith.constant 0 : i32
      %dma_start3A_88 = tpu.memref_slice %arg4[%add3A_73, %dma_start3A_87] : memref<2560x128xi32, #tpu.memory_space<hbm>> -> memref<40x128xi32, #tpu.memory_space<hbm>>
      %dma_start3A_89 = arith.constant 0 : i32
      %dma_start3A_90 = tpu.memref_slice %arg4[%add3A_73, %dma_start3A_89] : memref<2560x128xi32, #tpu.memory_space<hbm>> -> memref<40x128xi32, #tpu.memory_space<hbm>>
      tpu.enqueue_dma source(%dma_start3A_90 : memref<40x128xi32, #tpu.memory_space<hbm>>) target(%arg7 : memref<40x128xi32, #tpu.memory_space<vmem>>) target_semaphore(%run_scoped3A : memref<!tpu.dma_semaphore, #tpu.memory_space<semaphore_mem>>)
      %dma_wait3A_91 = arith.constant 0 : i32
      %dma_wait3A_92 = tpu.memref_slice %arg4[%add3A_73, %dma_wait3A_91] : memref<2560x128xi32, #tpu.memory_space<hbm>> -> memref<40x128xi32, #tpu.memory_space<hbm>>
      %dma_wait3A_93 = arith.constant 0 : i32
      %dma_wait3A_94 = tpu.memref_slice %arg4[%add3A_73, %dma_wait3A_93] : memref<2560x128xi32, #tpu.memory_space<hbm>> -> memref<40x128xi32, #tpu.memory_space<hbm>>
      tpu.wait_dma2 semaphore(%run_scoped3A : memref<!tpu.dma_semaphore, #tpu.memory_space<semaphore_mem>>) src(%dma_wait3A_94 : memref<40x128xi32, #tpu.memory_space<hbm>>) dst(%arg7 : memref<40x128xi32, #tpu.memory_space<vmem>>)
      tpu.yield
    }) : () -> ()
    %scan3A_74 = arith.constant 0 : i32
    %scan3A_75 = arith.constant 20 : i32
    %scan3A_76 = arith.addi %scan3A_74, %scan3A_75 : i32
    %scan3A_77 = arith.constant 1 : i32
    scf.for %scan3A_87 = %scan3A_74 to %scan3A_76 step %scan3A_77  : i32 {
      %mul3A_88 = arith.constant 2 : i32
      %mul3A_89 = arith.muli %scan3A_87, %mul3A_88 : i32
      %add3A_90 = arith.constant 0 : i32
      %add3A_91 = arith.addi %add3A_90, %mul3A_89 : i32
      %add3A_92 = arith.constant 0 : i32
      %add3A_93 = arith.addi %add3A_91, %add3A_92 : i32
      %dma_start3A_94 = arith.constant 0 : i32
      %dma_start3A_95 = tpu.memref_slice %arg6[%add3A_93, %dma_start3A_94] : memref<40x128xi32, #tpu.memory_space<vmem>> -> memref<1x128xi32, #tpu.memory_space<vmem>>
      %dma_start3A_96 = tpu.memref_squeeze %dma_start3A_95 : memref<1x128xi32, #tpu.memory_space<vmem>> -> memref<128xi32, #tpu.memory_space<vmem>>
      %dma_start3A_97 = arith.constant 0 : i32
      %dma_start3A_98 = arith.constant 0 : i32
      %dma_start3A_99 = tpu.memref_slice %arg2[%dma_start3A_97, %dma_start3A_98] : memref<10000x128xf32, #tpu.memory_space<hbm>> -> memref<10000x128xf32, #tpu.memory_space<hbm>>
      tpu.enqueue_indirect_dma source(%dma_start3A_99 : memref<10000x128xf32, #tpu.memory_space<hbm>>) target(%arg8 : memref<128x128xf32, #tpu.memory_space<vmem>>) offsets(%dma_start3A_96 : memref<128xi32, #tpu.memory_space<vmem>>) semaphore(%arg11 : memref<!tpu.dma_semaphore, #tpu.memory_space<semaphore_mem>>)
      %add3A_100 = arith.constant 1 : i32
      %add3A_101 = arith.addi %add3A_91, %add3A_100 : i32
      %dma_start3A_102 = arith.constant 0 : i32
      %dma_start3A_103 = tpu.memref_slice %arg6[%add3A_101, %dma_start3A_102] : memref<40x128xi32, #tpu.memory_space<vmem>> -> memref<1x128xi32, #tpu.memory_space<vmem>>
      %dma_start3A_104 = tpu.memref_squeeze %dma_start3A_103 : memref<1x128xi32, #tpu.memory_space<vmem>> -> memref<128xi32, #tpu.memory_space<vmem>>
      %dma_start3A_105 = arith.constant 0 : i32
      %dma_start3A_106 = arith.constant 0 : i32
      %dma_start3A_107 = tpu.memref_slice %arg2[%dma_start3A_105, %dma_start3A_106] : memref<10000x128xf32, #tpu.memory_space<hbm>> -> memref<10000x128xf32, #tpu.memory_space<hbm>>
      tpu.enqueue_indirect_dma source(%dma_start3A_107 : memref<10000x128xf32, #tpu.memory_space<hbm>>) target(%arg9 : memref<128x128xf32, #tpu.memory_space<vmem>>) offsets(%dma_start3A_104 : memref<128xi32, #tpu.memory_space<vmem>>) semaphore(%arg12 : memref<!tpu.dma_semaphore, #tpu.memory_space<semaphore_mem>>)
      %dma_wait3A_108 = arith.constant 0 : i32
      %dma_wait3A_109 = tpu.memref_slice %arg6[%add3A_93, %dma_wait3A_108] : memref<40x128xi32, #tpu.memory_space<vmem>> -> memref<1x128xi32, #tpu.memory_space<vmem>>
      %dma_wait3A_110 = tpu.memref_squeeze %dma_wait3A_109 : memref<1x128xi32, #tpu.memory_space<vmem>> -> memref<128xi32, #tpu.memory_space<vmem>>
      %dma_wait3A_111 = arith.constant 0 : i32
      %dma_wait3A_112 = arith.constant 0 : i32
      %dma_wait3A_113 = tpu.memref_slice %arg2[%dma_wait3A_111, %dma_wait3A_112] : memref<10000x128xf32, #tpu.memory_space<hbm>> -> memref<10000x128xf32, #tpu.memory_space<hbm>>
      tpu.wait_indirect_dma semaphore(%arg11 : memref<!tpu.dma_semaphore, #tpu.memory_space<semaphore_mem>>) src(%dma_wait3A_113 : memref<10000x128xf32, #tpu.memory_space<hbm>>) dst(%arg8 : memref<128x128xf32, #tpu.memory_space<vmem>>)
      %add3A_114 = arith.constant 0 : i32
      %add3A_115 = arith.addi %add3A_91, %add3A_114 : i32
      %dma_start3A_116 = arith.constant 0 : i32
      %dma_start3A_117 = tpu.memref_slice %arg7[%add3A_115, %dma_start3A_116] : memref<40x128xi32, #tpu.memory_space<vmem>> -> memref<1x128xi32, #tpu.memory_space<vmem>>
      %dma_start3A_118 = tpu.memref_squeeze %dma_start3A_117 : memref<1x128xi32, #tpu.memory_space<vmem>> -> memref<128xi32, #tpu.memory_space<vmem>>
      %dma_start3A_119 = arith.constant 0 : i32
      %dma_start3A_120 = arith.constant 0 : i32
      %dma_start3A_121 = tpu.memref_slice %arg10[%dma_start3A_119, %dma_start3A_120] : memref<10240x128xf32, #tpu.memory_space<vmem_shared>> -> memref<10240x128xf32, #tpu.memory_space<vmem_shared>>
      tpu.enqueue_indirect_dma source(%arg8 : memref<128x128xf32, #tpu.memory_space<vmem>>) target(%dma_start3A_121 : memref<10240x128xf32, #tpu.memory_space<vmem_shared>>) offsets(%dma_start3A_118 : memref<128xi32, #tpu.memory_space<vmem>>) semaphore(%arg13 : memref<!tpu.dma_semaphore, #tpu.memory_space<semaphore_mem>>) {add = true}
      %dma_wait3A_122 = arith.constant 0 : i32
      %dma_wait3A_123 = tpu.memref_slice %arg6[%add3A_101, %dma_wait3A_122] : memref<40x128xi32, #tpu.memory_space<vmem>> -> memref<1x128xi32, #tpu.memory_space<vmem>>
      %dma_wait3A_124 = tpu.memref_squeeze %dma_wait3A_123 : memref<1x128xi32, #tpu.memory_space<vmem>> -> memref<128xi32, #tpu.memory_space<vmem>>
      %dma_wait3A_125 = arith.constant 0 : i32
      %dma_wait3A_126 = arith.constant 0 : i32
      %dma_wait3A_127 = tpu.memref_slice %arg2[%dma_wait3A_125, %dma_wait3A_126] : memref<10000x128xf32, #tpu.memory_space<hbm>> -> memref<10000x128xf32, #tpu.memory_space<hbm>>
      tpu.wait_indirect_dma semaphore(%arg12 : memref<!tpu.dma_semaphore, #tpu.memory_space<semaphore_mem>>) src(%dma_wait3A_127 : memref<10000x128xf32, #tpu.memory_space<hbm>>) dst(%arg9 : memref<128x128xf32, #tpu.memory_space<vmem>>)
      %add3A_128 = arith.constant 1 : i32
      %add3A_129 = arith.addi %add3A_91, %add3A_128 : i32
      %dma_start3A_130 = arith.constant 0 : i32
      %dma_start3A_131 = tpu.memref_slice %arg7[%add3A_129, %dma_start3A_130] : memref<40x128xi32, #tpu.memory_space<vmem>> -> memref<1x128xi32, #tpu.memory_space<vmem>>
      %dma_start3A_132 = tpu.memref_squeeze %dma_start3A_131 : memref<1x128xi32, #tpu.memory_space<vmem>> -> memref<128xi32, #tpu.memory_space<vmem>>
      %dma_start3A_133 = arith.constant 0 : i32
      %dma_start3A_134 = arith.constant 0 : i32
      %dma_start3A_135 = tpu.memref_slice %arg10[%dma_start3A_133, %dma_start3A_134] : memref<10240x128xf32, #tpu.memory_space<vmem_shared>> -> memref<10240x128xf32, #tpu.memory_space<vmem_shared>>
      tpu.enqueue_indirect_dma source(%arg9 : memref<128x128xf32, #tpu.memory_space<vmem>>) target(%dma_start3A_135 : memref<10240x128xf32, #tpu.memory_space<vmem_shared>>) offsets(%dma_start3A_132 : memref<128xi32, #tpu.memory_space<vmem>>) semaphore(%arg14 : memref<!tpu.dma_semaphore, #tpu.memory_space<semaphore_mem>>) {add = true}
      %dma_wait3A_136 = arith.constant 0 : i32
      %dma_wait3A_137 = tpu.memref_slice %arg7[%add3A_115, %dma_wait3A_136] : memref<40x128xi32, #tpu.memory_space<vmem>> -> memref<1x128xi32, #tpu.memory_space<vmem>>
      %dma_wait3A_138 = tpu.memref_squeeze %dma_wait3A_137 : memref<1x128xi32, #tpu.memory_space<vmem>> -> memref<128xi32, #tpu.memory_space<vmem>>
      %dma_wait3A_139 = arith.constant 0 : i32
      %dma_wait3A_140 = arith.constant 0 : i32
      %dma_wait3A_141 = tpu.memref_slice %arg10[%dma_wait3A_139, %dma_wait3A_140] : memref<10240x128xf32, #tpu.memory_space<vmem_shared>> -> memref<10240x128xf32, #tpu.memory_space<vmem_shared>>
      tpu.wait_indirect_dma semaphore(%arg13 : memref<!tpu.dma_semaphore, #tpu.memory_space<semaphore_mem>>) src(%arg8 : memref<128x128xf32, #tpu.memory_space<vmem>>) dst(%dma_wait3A_141 : memref<10240x128xf32, #tpu.memory_space<vmem_shared>>)
      %dma_wait3A_142 = arith.constant 0 : i32
      %dma_wait3A_143 = tpu.memref_slice %arg7[%add3A_129, %dma_wait3A_142] : memref<40x128xi32, #tpu.memory_space<vmem>> -> memref<1x128xi32, #tpu.memory_space<vmem>>
      %dma_wait3A_144 = tpu.memref_squeeze %dma_wait3A_143 : memref<1x128xi32, #tpu.memory_space<vmem>> -> memref<128xi32, #tpu.memory_space<vmem>>
      %dma_wait3A_145 = arith.constant 0 : i32
      %dma_wait3A_146 = arith.constant 0 : i32
      %dma_wait3A_147 = tpu.memref_slice %arg10[%dma_wait3A_145, %dma_wait3A_146] : memref<10240x128xf32, #tpu.memory_space<vmem_shared>> -> memref<10240x128xf32, #tpu.memory_space<vmem_shared>>
      tpu.wait_indirect_dma semaphore(%arg14 : memref<!tpu.dma_semaphore, #tpu.memory_space<semaphore_mem>>) src(%arg9 : memref<128x128xf32, #tpu.memory_space<vmem>>) dst(%dma_wait3A_147 : memref<10240x128xf32, #tpu.memory_space<vmem_shared>>)
    }
    %scan3A_78 = arith.constant 20 : i32
    %barrier3A_79 = arith.constant 0 : index
    tpu.barrier barrier_id(%barrier3A_79)
    %mul3A_80 = arith.constant 640 : i32
    %mul3A_81 = arith.muli %arg1, %mul3A_80 : i32
    %mul3A_82 = arith.constant 10240 : i32
    %mul3A_83 = arith.muli %arg0, %mul3A_82 : i32
    %mul3A_84 = arith.constant 640 : i32
    %mul3A_85 = arith.muli %arg1, %mul3A_84 : i32
    %add3A_86 = arith.addi %mul3A_83, %mul3A_85 : i32
    "tpu.region"() ({
      %run_scoped3A = tpu.sem_alloc : memref<!tpu.dma_semaphore, #tpu.memory_space<semaphore_mem>>
      %dma_start3A_87 = arith.constant 0 : i32
      %dma_start3A_88 = tpu.memref_slice %arg5[%add3A_86, %dma_start3A_87] : memref<20480x128xf32, #tpu.memory_space<hbm>> -> memref<640x128xf32, #tpu.memory_space<hbm>>
      %dma_start3A_89 = arith.constant 0 : i32
      %dma_start3A_90 = tpu.memref_slice %arg10[%mul3A_81, %dma_start3A_89] : memref<10240x128xf32, #tpu.memory_space<vmem_shared>> -> memref<640x128xf32, #tpu.memory_space<vmem_shared>>
      tpu.enqueue_dma source(%dma_start3A_90 : memref<640x128xf32, #tpu.memory_space<vmem_shared>>) target(%dma_start3A_88 : memref<640x128xf32, #tpu.memory_space<hbm>>) target_semaphore(%run_scoped3A : memref<!tpu.dma_semaphore, #tpu.memory_space<semaphore_mem>>)
      %dma_wait3A_91 = arith.constant 0 : i32
      %dma_wait3A_92 = tpu.memref_slice %arg5[%add3A_86, %dma_wait3A_91] : memref<20480x128xf32, #tpu.memory_space<hbm>> -> memref<640x128xf32, #tpu.memory_space<hbm>>
      %dma_wait3A_93 = arith.constant 0 : i32
      %dma_wait3A_94 = tpu.memref_slice %arg10[%mul3A_81, %dma_wait3A_93] : memref<10240x128xf32, #tpu.memory_space<vmem_shared>> -> memref<640x128xf32, #tpu.memory_space<vmem_shared>>
      tpu.wait_dma2 semaphore(%run_scoped3A : memref<!tpu.dma_semaphore, #tpu.memory_space<semaphore_mem>>) src(%dma_wait3A_94 : memref<640x128xf32, #tpu.memory_space<vmem_shared>>) dst(%dma_wait3A_92 : memref<640x128xf32, #tpu.memory_space<hbm>>)
      tpu.yield
    }) : () -> ()
    return
  }
}

#map = affine_map<(d0, d1) -> (0, 0)>
#map1 = affine_map<(d0, d1) -> (0)>
module attributes {stable_mosaic.version = 14 : i64} {
  func.func @k(%arg0: i32, %arg1: i32, %arg2: memref<2560x128xi32, #tpu.memory_space<hbm>>, %arg3: memref<20480xf32, #tpu.memory_space<hbm>>, %arg4: memref<80x128xi32, #tpu.memory_space<vmem>>, %arg5: memref<128xf32, #tpu.memory_space<vmem>>, %arg6: memref<640xf32, #tpu.memory_space<vmem>>, %arg7: memref<10240xf32, #tpu.memory_space<vmem_shared>>) attributes {dimension_semantics = [#tpu.dimension_semantics<core_parallel>, #tpu.dimension_semantics<subcore_parallel>], iteration_bounds = array<i64: 2, 16>, scalar_prefetch = 0 : i64, scratch_operands = 4 : i64, tpu.core_type = #tpu.core_type<sc_vector_subcore>, window_params = [{transform_indices = #map}, {transform_indices = #map1}]} {
    %mul3A = arith.constant 2 : i32
    %mul3A_0 = arith.muli %arg1, %mul3A : i32
    %add3A = arith.addi %mul3A_0, %arg0 : i32
    %scan3A = arith.constant 0 : i32
    %scan3A_1 = arith.constant 8 : i32
    %scan3A_2 = arith.addi %scan3A, %scan3A_1 : i32
    %scan3A_3 = arith.constant 1 : i32
    scf.for %scan3A_27 = %scan3A to %scan3A_2 step %scan3A_3  : i32 {
      %broadcast_in_dim3A = arith.constant 1.000000e+00 : f32
      %broadcast_in_dim3A_28 = vector.broadcast %broadcast_in_dim3A : f32 to vector<16xf32>
      %mul3A_29 = arith.constant 16 : i32
      %mul3A_30 = arith.muli %scan3A_27, %mul3A_29 : i32
      %swap3A = arith.index_cast %mul3A_30 : i32 to index
      %swap3A_31 = tpu.vector_load %arg5[%swap3A] {strides = array<i32>} : memref<128xf32, #tpu.memory_space<vmem>>, vector<16xf32>,
      %swap3A_32 = vector.shape_cast %swap3A_31 : vector<16xf32> to vector<16xf32>
      %swap3A_33 = vector.shape_cast %broadcast_in_dim3A_28 : vector<16xf32> to vector<16xf32>
      tpu.vector_store %arg5[%swap3A], %swap3A_33 {strides = array<i32>} : memref<128xf32, #tpu.memory_space<vmem>>, vector<16xf32>,
    }
    %scan3A_4 = arith.constant 8 : i32
    %scan3A_5 = arith.constant 0 : i32
    %scan3A_6 = arith.constant 40 : i32
    %scan3A_7 = arith.addi %scan3A_5, %scan3A_6 : i32
    %scan3A_8 = arith.constant 1 : i32
    scf.for %scan3A_27 = %scan3A_5 to %scan3A_7 step %scan3A_8  : i32 {
      %broadcast_in_dim3A = arith.constant 0.000000e+00 : f32
      %broadcast_in_dim3A_28 = vector.broadcast %broadcast_in_dim3A : f32 to vector<16xf32>
      %mul3A_29 = arith.constant 16 : i32
      %mul3A_30 = arith.muli %scan3A_27, %mul3A_29 : i32
      %swap3A = arith.index_cast %mul3A_30 : i32 to index
      %swap3A_31 = tpu.vector_load %arg6[%swap3A] {strides = array<i32>} : memref<640xf32, #tpu.memory_space<vmem>>, vector<16xf32>,
      %swap3A_32 = vector.shape_cast %swap3A_31 : vector<16xf32> to vector<16xf32>
      %swap3A_33 = vector.shape_cast %broadcast_in_dim3A_28 : vector<16xf32> to vector<16xf32>
      tpu.vector_store %arg6[%swap3A], %swap3A_33 {strides = array<i32>} : memref<640xf32, #tpu.memory_space<vmem>>, vector<16xf32>,
    }
    %scan3A_9 = arith.constant 40 : i32
    %mul3A_10 = arith.constant 640 : i32
    %mul3A_11 = arith.muli %arg1, %mul3A_10 : i32
    "tpu.region"() ({
      %run_scoped3A = tpu.sem_alloc : memref<!tpu.dma_semaphore, #tpu.memory_space<semaphore_mem>>
      %dma_start3A = tpu.memref_slice %arg7[%mul3A_11] : memref<10240xf32, #tpu.memory_space<vmem_shared>> -> memref<640xf32, #tpu.memory_space<vmem_shared>>
      %dma_start3A_27 = tpu.memref_slice %arg7[%mul3A_11] : memref<10240xf32, #tpu.memory_space<vmem_shared>> -> memref<640xf32, #tpu.memory_space<vmem_shared>>
      tpu.enqueue_dma source(%arg6 : memref<640xf32, #tpu.memory_space<vmem>>) target(%dma_start3A_27 : memref<640xf32, #tpu.memory_space<vmem_shared>>) target_semaphore(%run_scoped3A : memref<!tpu.dma_semaphore, #tpu.memory_space<semaphore_mem>>)
      %dma_wait3A = tpu.memref_slice %arg7[%mul3A_11] : memref<10240xf32, #tpu.memory_space<vmem_shared>> -> memref<640xf32, #tpu.memory_space<vmem_shared>>
      %dma_wait3A_28 = tpu.memref_slice %arg7[%mul3A_11] : memref<10240xf32, #tpu.memory_space<vmem_shared>> -> memref<640xf32, #tpu.memory_space<vmem_shared>>
      tpu.wait_dma2 semaphore(%run_scoped3A : memref<!tpu.dma_semaphore, #tpu.memory_space<semaphore_mem>>) src(%arg6 : memref<640xf32, #tpu.memory_space<vmem>>) dst(%dma_wait3A_28 : memref<640xf32, #tpu.memory_space<vmem_shared>>)
      tpu.yield
    }) : () -> ()
    %barrier3A = arith.constant 0 : index
    tpu.barrier barrier_id(%barrier3A)
    %mul3A_12 = arith.constant 80 : i32
    %mul3A_13 = arith.muli %add3A, %mul3A_12 : i32
    "tpu.region"() ({
      %run_scoped3A = tpu.sem_alloc : memref<!tpu.dma_semaphore, #tpu.memory_space<semaphore_mem>>
      %dma_start3A = arith.constant 0 : i32
      %dma_start3A_27 = tpu.memref_slice %arg2[%mul3A_13, %dma_start3A] : memref<2560x128xi32, #tpu.memory_space<hbm>> -> memref<80x128xi32, #tpu.memory_space<hbm>>
      %dma_start3A_28 = arith.constant 0 : i32
      %dma_start3A_29 = tpu.memref_slice %arg2[%mul3A_13, %dma_start3A_28] : memref<2560x128xi32, #tpu.memory_space<hbm>> -> memref<80x128xi32, #tpu.memory_space<hbm>>
      tpu.enqueue_dma source(%dma_start3A_29 : memref<80x128xi32, #tpu.memory_space<hbm>>) target(%arg4 : memref<80x128xi32, #tpu.memory_space<vmem>>) target_semaphore(%run_scoped3A : memref<!tpu.dma_semaphore, #tpu.memory_space<semaphore_mem>>)
      %dma_wait3A = arith.constant 0 : i32
      %dma_wait3A_30 = tpu.memref_slice %arg2[%mul3A_13, %dma_wait3A] : memref<2560x128xi32, #tpu.memory_space<hbm>> -> memref<80x128xi32, #tpu.memory_space<hbm>>
      %dma_wait3A_31 = arith.constant 0 : i32
      %dma_wait3A_32 = tpu.memref_slice %arg2[%mul3A_13, %dma_wait3A_31] : memref<2560x128xi32, #tpu.memory_space<hbm>> -> memref<80x128xi32, #tpu.memory_space<hbm>>
      tpu.wait_dma2 semaphore(%run_scoped3A : memref<!tpu.dma_semaphore, #tpu.memory_space<semaphore_mem>>) src(%dma_wait3A_32 : memref<80x128xi32, #tpu.memory_space<hbm>>) dst(%arg4 : memref<80x128xi32, #tpu.memory_space<vmem>>)
      tpu.yield
    }) : () -> ()
    %scan3A_14 = arith.constant 0 : i32
    %scan3A_15 = arith.constant 80 : i32
    %scan3A_16 = arith.addi %scan3A_14, %scan3A_15 : i32
    %scan3A_17 = arith.constant 1 : i32
    scf.for %scan3A_27 = %scan3A_14 to %scan3A_16 step %scan3A_17  : i32 {
      "tpu.region"() ({
        %run_scoped3A = tpu.sem_alloc : memref<!tpu.dma_semaphore, #tpu.memory_space<semaphore_mem>>
        %dma_start3A = arith.constant 0 : i32
        %dma_start3A_28 = tpu.memref_slice %arg4[%scan3A_27, %dma_start3A] : memref<80x128xi32, #tpu.memory_space<vmem>> -> memref<1x128xi32, #tpu.memory_space<vmem>>
        %dma_start3A_29 = tpu.memref_squeeze %dma_start3A_28 : memref<1x128xi32, #tpu.memory_space<vmem>> -> memref<128xi32, #tpu.memory_space<vmem>>
        %dma_start3A_30 = arith.constant 0 : i32
        %dma_start3A_31 = tpu.memref_slice %arg7[%dma_start3A_30] : memref<10240xf32, #tpu.memory_space<vmem_shared>> -> memref<10240xf32, #tpu.memory_space<vmem_shared>>
        tpu.enqueue_indirect_dma source(%arg5 : memref<128xf32, #tpu.memory_space<vmem>>) target(%dma_start3A_31 : memref<10240xf32, #tpu.memory_space<vmem_shared>>) offsets(%dma_start3A_29 : memref<128xi32, #tpu.memory_space<vmem>>) semaphore(%run_scoped3A : memref<!tpu.dma_semaphore, #tpu.memory_space<semaphore_mem>>) {add = true}
        %dma_wait3A = arith.constant 0 : i32
        %dma_wait3A_32 = tpu.memref_slice %arg4[%scan3A_27, %dma_wait3A] : memref<80x128xi32, #tpu.memory_space<vmem>> -> memref<1x128xi32, #tpu.memory_space<vmem>>
        %dma_wait3A_33 = tpu.memref_squeeze %dma_wait3A_32 : memref<1x128xi32, #tpu.memory_space<vmem>> -> memref<128xi32, #tpu.memory_space<vmem>>
        %dma_wait3A_34 = arith.constant 0 : i32
        %dma_wait3A_35 = tpu.memref_slice %arg7[%dma_wait3A_34] : memref<10240xf32, #tpu.memory_space<vmem_shared>> -> memref<10240xf32, #tpu.memory_space<vmem_shared>>
        tpu.wait_indirect_dma semaphore(%run_scoped3A : memref<!tpu.dma_semaphore, #tpu.memory_space<semaphore_mem>>) src(%arg5 : memref<128xf32, #tpu.memory_space<vmem>>) dst(%dma_wait3A_35 : memref<10240xf32, #tpu.memory_space<vmem_shared>>)
        tpu.yield
      }) : () -> ()
    }
    %scan3A_18 = arith.constant 80 : i32
    %barrier3A_19 = arith.constant 0 : index
    tpu.barrier barrier_id(%barrier3A_19)
    %mul3A_20 = arith.constant 640 : i32
    %mul3A_21 = arith.muli %arg1, %mul3A_20 : i32
    %mul3A_22 = arith.constant 10240 : i32
    %mul3A_23 = arith.muli %arg0, %mul3A_22 : i32
    %mul3A_24 = arith.constant 640 : i32
    %mul3A_25 = arith.muli %arg1, %mul3A_24 : i32
    %add3A_26 = arith.addi %mul3A_23, %mul3A_25 : i32
    "tpu.region"() ({
      %run_scoped3A = tpu.sem_alloc : memref<!tpu.dma_semaphore, #tpu.memory_space<semaphore_mem>>
      %dma_start3A = tpu.memref_slice %arg3[%add3A_26] : memref<20480xf32, #tpu.memory_space<hbm>> -> memref<640xf32, #tpu.memory_space<hbm>>
      %dma_start3A_27 = tpu.memref_slice %arg7[%mul3A_21] : memref<10240xf32, #tpu.memory_space<vmem_shared>> -> memref<640xf32, #tpu.memory_space<vmem_shared>>
      tpu.enqueue_dma source(%dma_start3A_27 : memref<640xf32, #tpu.memory_space<vmem_shared>>) target(%dma_start3A : memref<640xf32, #tpu.memory_space<hbm>>) target_semaphore(%run_scoped3A : memref<!tpu.dma_semaphore, #tpu.memory_space<semaphore_mem>>)
      %dma_wait3A = tpu.memref_slice %arg3[%add3A_26] : memref<20480xf32, #tpu.memory_space<hbm>> -> memref<640xf32, #tpu.memory_space<hbm>>
      %dma_wait3A_28 = tpu.memref_slice %arg7[%mul3A_21] : memref<10240xf32, #tpu.memory_space<vmem_shared>> -> memref<640xf32, #tpu.memory_space<vmem_shared>>
      tpu.wait_dma2 semaphore(%run_scoped3A : memref<!tpu.dma_semaphore, #tpu.memory_space<semaphore_mem>>) src(%dma_wait3A_28 : memref<640xf32, #tpu.memory_space<vmem_shared>>) dst(%dma_wait3A : memref<640xf32, #tpu.memory_space<hbm>>)
      tpu.yield
    }) : () -> ()
    return
  }
}

#map = affine_map<(d0, d1) -> (0, 0)>
module attributes {stable_mosaic.version = 14 : i64} {
  func.func @k(%arg0: i32, %arg1: i32, %arg2: memref<10000x128xf32, #tpu.memory_space<hbm>>, %arg3: memref<2560x128xi32, #tpu.memory_space<hbm>>, %arg4: memref<2560x128xi32, #tpu.memory_space<hbm>>, %arg5: memref<20480x128xf32, #tpu.memory_space<hbm>>, %arg6: memref<40x128xi32, #tpu.memory_space<vmem>>, %arg7: memref<40x128xi32, #tpu.memory_space<vmem>>, %arg8: memref<128x128xf32, #tpu.memory_space<vmem>>, %arg9: memref<128x128xf32, #tpu.memory_space<vmem>>, %arg10: memref<10240x128xf32, #tpu.memory_space<vmem_shared>>, %arg11: memref<!tpu.dma_semaphore, #tpu.memory_space<semaphore_mem>>, %arg12: memref<!tpu.dma_semaphore, #tpu.memory_space<semaphore_mem>>, %arg13: memref<!tpu.dma_semaphore, #tpu.memory_space<semaphore_mem>>, %arg14: memref<!tpu.dma_semaphore, #tpu.memory_space<semaphore_mem>>) attributes {dimension_semantics = [#tpu.dimension_semantics<core_parallel>, #tpu.dimension_semantics<subcore_parallel>], iteration_bounds = array<i64: 2, 16>, scalar_prefetch = 0 : i64, scratch_operands = 9 : i64, tpu.core_type = #tpu.core_type<sc_vector_subcore>, window_params = [{transform_indices = #map}, {transform_indices = #map}, {transform_indices = #map}, {transform_indices = #map}]} {
    %mul3A = arith.constant 2 : i32
    %mul3A_0 = arith.muli %arg1, %mul3A : i32
    %add3A = arith.addi %mul3A_0, %arg0 : i32
    %scan3A = arith.constant 0 : i32
    %scan3A_1 = arith.constant 1024 : i32
    %scan3A_2 = arith.addi %scan3A, %scan3A_1 : i32
    %scan3A_3 = arith.constant 1 : i32
    scf.for %scan3A_87 = %scan3A to %scan3A_2 step %scan3A_3  : i32 {
      %jit3A = arith.constant 8 : i32
      %div3A = arith.divsi %scan3A_87, %jit3A : i32
      %sign3A = arith.constant 0 : i32
      %sign3A_88 = arith.cmpi sgt, %scan3A_87, %sign3A : i32
      %sign3A_89 = arith.extui %sign3A_88 : i1 to i32
      %sign3A_90 = arith.constant 0 : i32
      %sign3A_91 = arith.cmpi slt, %scan3A_87, %sign3A_90 : i32
      %sign3A_92 = arith.extui %sign3A_91 : i1 to i32
      %sign3A_93 = arith.subi %sign3A_89, %sign3A_92 : i32
      %sign3A_94 = arith.constant 0 : i32
      %sign3A_95 = arith.cmpi sgt, %jit3A, %sign3A_94 : i32
      %sign3A_96 = arith.extui %sign3A_95 : i1 to i32
      %sign3A_97 = arith.constant 0 : i32
      %sign3A_98 = arith.cmpi slt, %jit3A, %sign3A_97 : i32
      %sign3A_99 = arith.extui %sign3A_98 : i1 to i32
      %sign3A_100 = arith.subi %sign3A_96, %sign3A_99 : i32
      %ne3A = arith.cmpi ne, %sign3A_93, %sign3A_100 : i32
      %rem3A = arith.remsi %scan3A_87, %jit3A : i32
      %ne3A_101 = arith.constant 0 : i32
      %ne3A_102 = arith.cmpi ne, %rem3A, %ne3A_101 : i32
      %and3A = arith.andi %ne3A, %ne3A_102 : i1
      %sub3A = arith.constant 1 : i32
      %sub3A_103 = arith.subi %div3A, %sub3A : i32
      %select_n3A = arith.select %and3A, %sub3A_103, %div3A : i32
      %jit3A_104 = arith.constant 8 : i32
      %eq3A = arith.constant 0 : i32
      %eq3A_105 = arith.cmpi eq, %jit3A_104, %eq3A : i32
      %jit3A_106 = arith.constant 1 : i32
      %select_n3A_107 = arith.select %eq3A_105, %jit3A_106, %jit3A_104 : i32
      %rem3A_108 = arith.remsi %scan3A_87, %select_n3A_107 : i32
      %ne3A_109 = arith.constant 0 : i32
      %ne3A_110 = arith.cmpi ne, %rem3A_108, %ne3A_109 : i32
      %lt3A = arith.constant 0 : i32
      %lt3A_111 = arith.cmpi slt, %rem3A_108, %lt3A : i32
      %lt3A_112 = arith.constant 0 : i32
      %lt3A_113 = arith.cmpi slt, %select_n3A_107, %lt3A_112 : i32
      %ne3A_114 = arith.xori %lt3A_111, %lt3A_113 : i1
      %and3A_115 = arith.andi %ne3A_114, %ne3A_110 : i1
      %add3A_116 = arith.addi %rem3A_108, %select_n3A_107 : i32
      %select_n3A_117 = arith.select %and3A_115, %add3A_116, %rem3A_108 : i32
      %broadcast_in_dim3A = arith.constant 0.000000e+00 : f32
      %broadcast_in_dim3A_118 = vector.broadcast %broadcast_in_dim3A : f32 to vector<16xf32>
      %mul3A_119 = arith.constant 16 : i32
      %mul3A_120 = arith.muli %select_n3A_117, %mul3A_119 : i32
      %swap3A = arith.index_cast %select_n3A : i32 to index
      %swap3A_121 = arith.index_cast %mul3A_120 : i32 to index
      %swap3A_122 = tpu.vector_load %arg8[%swap3A, %swap3A_121] {strides = array<i32>} : memref<128x128xf32, #tpu.memory_space<vmem>>, vector<1x16xf32>,
      %swap3A_123 = vector.shape_cast %swap3A_122 : vector<1x16xf32> to vector<16xf32>
      %swap3A_124 = vector.shape_cast %broadcast_in_dim3A_118 : vector<16xf32> to vector<1x16xf32>
      tpu.vector_store %arg8[%swap3A, %swap3A_121], %swap3A_124 {strides = array<i32>} : memref<128x128xf32, #tpu.memory_space<vmem>>, vector<1x16xf32>,
    }
    %scan3A_4 = arith.constant 1024 : i32
    %mul3A_5 = arith.constant 640 : i32
    %mul3A_6 = arith.muli %arg1, %mul3A_5 : i32
    %add3A_7 = arith.constant 0 : i32
    %add3A_8 = arith.addi %mul3A_6, %add3A_7 : i32
    %dma_start3A = arith.constant 0 : i32
    %dma_start3A_9 = tpu.memref_slice %arg10[%add3A_8, %dma_start3A] : memref<10240x128xf32, #tpu.memory_space<vmem_shared>> -> memref<128x128xf32, #tpu.memory_space<vmem_shared>>
    %dma_start3A_10 = arith.constant 0 : i32
    %dma_start3A_11 = tpu.memref_slice %arg10[%add3A_8, %dma_start3A_10] : memref<10240x128xf32, #tpu.memory_space<vmem_shared>> -> memref<128x128xf32, #tpu.memory_space<vmem_shared>>
    tpu.enqueue_dma source(%arg8 : memref<128x128xf32, #tpu.memory_space<vmem>>) target(%dma_start3A_11 : memref<128x128xf32, #tpu.memory_space<vmem_shared>>) target_semaphore(%arg11 : memref<!tpu.dma_semaphore, #tpu.memory_space<semaphore_mem>>)
    %mul3A_12 = arith.constant 640 : i32
    %mul3A_13 = arith.muli %arg1, %mul3A_12 : i32
    %add3A_14 = arith.constant 128 : i32
    %add3A_15 = arith.addi %mul3A_13, %add3A_14 : i32
    %dma_start3A_16 = arith.constant 0 : i32
    %dma_start3A_17 = tpu.memref_slice %arg10[%add3A_15, %dma_start3A_16] : memref<10240x128xf32, #tpu.memory_space<vmem_shared>> -> memref<128x128xf32, #tpu.memory_space<vmem_shared>>
    %dma_start3A_18 = arith.constant 0 : i32
    %dma_start3A_19 = tpu.memref_slice %arg10[%add3A_15, %dma_start3A_18] : memref<10240x128xf32, #tpu.memory_space<vmem_shared>> -> memref<128x128xf32, #tpu.memory_space<vmem_shared>>
    tpu.enqueue_dma source(%arg8 : memref<128x128xf32, #tpu.memory_space<vmem>>) target(%dma_start3A_19 : memref<128x128xf32, #tpu.memory_space<vmem_shared>>) target_semaphore(%arg11 : memref<!tpu.dma_semaphore, #tpu.memory_space<semaphore_mem>>)
    %mul3A_20 = arith.constant 640 : i32
    %mul3A_21 = arith.muli %arg1, %mul3A_20 : i32
    %add3A_22 = arith.constant 256 : i32
    %add3A_23 = arith.addi %mul3A_21, %add3A_22 : i32
    %dma_start3A_24 = arith.constant 0 : i32
    %dma_start3A_25 = tpu.memref_slice %arg10[%add3A_23, %dma_start3A_24] : memref<10240x128xf32, #tpu.memory_space<vmem_shared>> -> memref<128x128xf32, #tpu.memory_space<vmem_shared>>
    %dma_start3A_26 = arith.constant 0 : i32
    %dma_start3A_27 = tpu.memref_slice %arg10[%add3A_23, %dma_start3A_26] : memref<10240x128xf32, #tpu.memory_space<vmem_shared>> -> memref<128x128xf32, #tpu.memory_space<vmem_shared>>
    tpu.enqueue_dma source(%arg8 : memref<128x128xf32, #tpu.memory_space<vmem>>) target(%dma_start3A_27 : memref<128x128xf32, #tpu.memory_space<vmem_shared>>) target_semaphore(%arg11 : memref<!tpu.dma_semaphore, #tpu.memory_space<semaphore_mem>>)
    %mul3A_28 = arith.constant 640 : i32
    %mul3A_29 = arith.muli %arg1, %mul3A_28 : i32
    %add3A_30 = arith.constant 384 : i32
    %add3A_31 = arith.addi %mul3A_29, %add3A_30 : i32
    %dma_start3A_32 = arith.constant 0 : i32
    %dma_start3A_33 = tpu.memref_slice %arg10[%add3A_31, %dma_start3A_32] : memref<10240x128xf32, #tpu.memory_space<vmem_shared>> -> memref<128x128xf32, #tpu.memory_space<vmem_shared>>
    %dma_start3A_34 = arith.constant 0 : i32
    %dma_start3A_35 = tpu.memref_slice %arg10[%add3A_31, %dma_start3A_34] : memref<10240x128xf32, #tpu.memory_space<vmem_shared>> -> memref<128x128xf32, #tpu.memory_space<vmem_shared>>
    tpu.enqueue_dma source(%arg8 : memref<128x128xf32, #tpu.memory_space<vmem>>) target(%dma_start3A_35 : memref<128x128xf32, #tpu.memory_space<vmem_shared>>) target_semaphore(%arg11 : memref<!tpu.dma_semaphore, #tpu.memory_space<semaphore_mem>>)
    %mul3A_36 = arith.constant 640 : i32
    %mul3A_37 = arith.muli %arg1, %mul3A_36 : i32
    %add3A_38 = arith.constant 512 : i32
    %add3A_39 = arith.addi %mul3A_37, %add3A_38 : i32
    %dma_start3A_40 = arith.constant 0 : i32
    %dma_start3A_41 = tpu.memref_slice %arg10[%add3A_39, %dma_start3A_40] : memref<10240x128xf32, #tpu.memory_space<vmem_shared>> -> memref<128x128xf32, #tpu.memory_space<vmem_shared>>
    %dma_start3A_42 = arith.constant 0 : i32
    %dma_start3A_43 = tpu.memref_slice %arg10[%add3A_39, %dma_start3A_42] : memref<10240x128xf32, #tpu.memory_space<vmem_shared>> -> memref<128x128xf32, #tpu.memory_space<vmem_shared>>
    tpu.enqueue_dma source(%arg8 : memref<128x128xf32, #tpu.memory_space<vmem>>) target(%dma_start3A_43 : memref<128x128xf32, #tpu.memory_space<vmem_shared>>) target_semaphore(%arg11 : memref<!tpu.dma_semaphore, #tpu.memory_space<semaphore_mem>>)
    %mul3A_44 = arith.constant 80 : i32
    %mul3A_45 = arith.muli %add3A, %mul3A_44 : i32
    "tpu.region"() ({
      %run_scoped3A = tpu.sem_alloc : memref<!tpu.dma_semaphore, #tpu.memory_space<semaphore_mem>>
      %dma_start3A_87 = arith.constant 0 : i32
      %dma_start3A_88 = tpu.memref_slice %arg3[%mul3A_45, %dma_start3A_87] : memref<2560x128xi32, #tpu.memory_space<hbm>> -> memref<40x128xi32, #tpu.memory_space<hbm>>
      %dma_start3A_89 = arith.constant 0 : i32
      %dma_start3A_90 = tpu.memref_slice %arg3[%mul3A_45, %dma_start3A_89] : memref<2560x128xi32, #tpu.memory_space<hbm>> -> memref<40x128xi32, #tpu.memory_space<hbm>>
      tpu.enqueue_dma source(%dma_start3A_90 : memref<40x128xi32, #tpu.memory_space<hbm>>) target(%arg6 : memref<40x128xi32, #tpu.memory_space<vmem>>) target_semaphore(%run_scoped3A : memref<!tpu.dma_semaphore, #tpu.memory_space<semaphore_mem>>)
      %dma_wait3A_91 = arith.constant 0 : i32
      %dma_wait3A_92 = tpu.memref_slice %arg3[%mul3A_45, %dma_wait3A_91] : memref<2560x128xi32, #tpu.memory_space<hbm>> -> memref<40x128xi32, #tpu.memory_space<hbm>>
      %dma_wait3A_93 = arith.constant 0 : i32
      %dma_wait3A_94 = tpu.memref_slice %arg3[%mul3A_45, %dma_wait3A_93] : memref<2560x128xi32, #tpu.memory_space<hbm>> -> memref<40x128xi32, #tpu.memory_space<hbm>>
      tpu.wait_dma2 semaphore(%run_scoped3A : memref<!tpu.dma_semaphore, #tpu.memory_space<semaphore_mem>>) src(%dma_wait3A_94 : memref<40x128xi32, #tpu.memory_space<hbm>>) dst(%arg6 : memref<40x128xi32, #tpu.memory_space<vmem>>)
      tpu.yield
    }) : () -> ()
    "tpu.region"() ({
      %run_scoped3A = tpu.sem_alloc : memref<!tpu.dma_semaphore, #tpu.memory_space<semaphore_mem>>
      %dma_start3A_87 = arith.constant 0 : i32
      %dma_start3A_88 = tpu.memref_slice %arg4[%mul3A_45, %dma_start3A_87] : memref<2560x128xi32, #tpu.memory_space<hbm>> -> memref<40x128xi32, #tpu.memory_space<hbm>>
      %dma_start3A_89 = arith.constant 0 : i32
      %dma_start3A_90 = tpu.memref_slice %arg4[%mul3A_45, %dma_start3A_89] : memref<2560x128xi32, #tpu.memory_space<hbm>> -> memref<40x128xi32, #tpu.memory_space<hbm>>
      tpu.enqueue_dma source(%dma_start3A_90 : memref<40x128xi32, #tpu.memory_space<hbm>>) target(%arg7 : memref<40x128xi32, #tpu.memory_space<vmem>>) target_semaphore(%run_scoped3A : memref<!tpu.dma_semaphore, #tpu.memory_space<semaphore_mem>>)
      %dma_wait3A_91 = arith.constant 0 : i32
      %dma_wait3A_92 = tpu.memref_slice %arg4[%mul3A_45, %dma_wait3A_91] : memref<2560x128xi32, #tpu.memory_space<hbm>> -> memref<40x128xi32, #tpu.memory_space<hbm>>
      %dma_wait3A_93 = arith.constant 0 : i32
      %dma_wait3A_94 = tpu.memref_slice %arg4[%mul3A_45, %dma_wait3A_93] : memref<2560x128xi32, #tpu.memory_space<hbm>> -> memref<40x128xi32, #tpu.memory_space<hbm>>
      tpu.wait_dma2 semaphore(%run_scoped3A : memref<!tpu.dma_semaphore, #tpu.memory_space<semaphore_mem>>) src(%dma_wait3A_94 : memref<40x128xi32, #tpu.memory_space<hbm>>) dst(%arg7 : memref<40x128xi32, #tpu.memory_space<vmem>>)
      tpu.yield
    }) : () -> ()
    %dma_wait3A = arith.constant 0 : i32
    %dma_wait3A_46 = tpu.memref_slice %arg10[%add3A_8, %dma_wait3A] : memref<10240x128xf32, #tpu.memory_space<vmem_shared>> -> memref<128x128xf32, #tpu.memory_space<vmem_shared>>
    %dma_wait3A_47 = arith.constant 0 : i32
    %dma_wait3A_48 = tpu.memref_slice %arg10[%add3A_8, %dma_wait3A_47] : memref<10240x128xf32, #tpu.memory_space<vmem_shared>> -> memref<128x128xf32, #tpu.memory_space<vmem_shared>>
    tpu.wait_dma2 semaphore(%arg11 : memref<!tpu.dma_semaphore, #tpu.memory_space<semaphore_mem>>) src(%arg8 : memref<128x128xf32, #tpu.memory_space<vmem>>) dst(%dma_wait3A_48 : memref<128x128xf32, #tpu.memory_space<vmem_shared>>)
    %dma_wait3A_49 = arith.constant 0 : i32
    %dma_wait3A_50 = tpu.memref_slice %arg10[%add3A_15, %dma_wait3A_49] : memref<10240x128xf32, #tpu.memory_space<vmem_shared>> -> memref<128x128xf32, #tpu.memory_space<vmem_shared>>
    %dma_wait3A_51 = arith.constant 0 : i32
    %dma_wait3A_52 = tpu.memref_slice %arg10[%add3A_15, %dma_wait3A_51] : memref<10240x128xf32, #tpu.memory_space<vmem_shared>> -> memref<128x128xf32, #tpu.memory_space<vmem_shared>>
    tpu.wait_dma2 semaphore(%arg11 : memref<!tpu.dma_semaphore, #tpu.memory_space<semaphore_mem>>) src(%arg8 : memref<128x128xf32, #tpu.memory_space<vmem>>) dst(%dma_wait3A_52 : memref<128x128xf32, #tpu.memory_space<vmem_shared>>)
    %dma_wait3A_53 = arith.constant 0 : i32
    %dma_wait3A_54 = tpu.memref_slice %arg10[%add3A_23, %dma_wait3A_53] : memref<10240x128xf32, #tpu.memory_space<vmem_shared>> -> memref<128x128xf32, #tpu.memory_space<vmem_shared>>
    %dma_wait3A_55 = arith.constant 0 : i32
    %dma_wait3A_56 = tpu.memref_slice %arg10[%add3A_23, %dma_wait3A_55] : memref<10240x128xf32, #tpu.memory_space<vmem_shared>> -> memref<128x128xf32, #tpu.memory_space<vmem_shared>>
    tpu.wait_dma2 semaphore(%arg11 : memref<!tpu.dma_semaphore, #tpu.memory_space<semaphore_mem>>) src(%arg8 : memref<128x128xf32, #tpu.memory_space<vmem>>) dst(%dma_wait3A_56 : memref<128x128xf32, #tpu.memory_space<vmem_shared>>)
    %dma_wait3A_57 = arith.constant 0 : i32
    %dma_wait3A_58 = tpu.memref_slice %arg10[%add3A_31, %dma_wait3A_57] : memref<10240x128xf32, #tpu.memory_space<vmem_shared>> -> memref<128x128xf32, #tpu.memory_space<vmem_shared>>
    %dma_wait3A_59 = arith.constant 0 : i32
    %dma_wait3A_60 = tpu.memref_slice %arg10[%add3A_31, %dma_wait3A_59] : memref<10240x128xf32, #tpu.memory_space<vmem_shared>> -> memref<128x128xf32, #tpu.memory_space<vmem_shared>>
    tpu.wait_dma2 semaphore(%arg11 : memref<!tpu.dma_semaphore, #tpu.memory_space<semaphore_mem>>) src(%arg8 : memref<128x128xf32, #tpu.memory_space<vmem>>) dst(%dma_wait3A_60 : memref<128x128xf32, #tpu.memory_space<vmem_shared>>)
    %dma_wait3A_61 = arith.constant 0 : i32
    %dma_wait3A_62 = tpu.memref_slice %arg10[%add3A_39, %dma_wait3A_61] : memref<10240x128xf32, #tpu.memory_space<vmem_shared>> -> memref<128x128xf32, #tpu.memory_space<vmem_shared>>
    %dma_wait3A_63 = arith.constant 0 : i32
    %dma_wait3A_64 = tpu.memref_slice %arg10[%add3A_39, %dma_wait3A_63] : memref<10240x128xf32, #tpu.memory_space<vmem_shared>> -> memref<128x128xf32, #tpu.memory_space<vmem_shared>>
    tpu.wait_dma2 semaphore(%arg11 : memref<!tpu.dma_semaphore, #tpu.memory_space<semaphore_mem>>) src(%arg8 : memref<128x128xf32, #tpu.memory_space<vmem>>) dst(%dma_wait3A_64 : memref<128x128xf32, #tpu.memory_space<vmem_shared>>)
    %barrier3A = arith.constant 0 : index
    tpu.barrier barrier_id(%barrier3A)
    %scan3A_65 = arith.constant 0 : i32
    %scan3A_66 = arith.constant 20 : i32
    %scan3A_67 = arith.addi %scan3A_65, %scan3A_66 : i32
    %scan3A_68 = arith.constant 1 : i32
    scf.for %scan3A_87 = %scan3A_65 to %scan3A_67 step %scan3A_68  : i32 {
      %mul3A_88 = arith.constant 2 : i32
      %mul3A_89 = arith.muli %scan3A_87, %mul3A_88 : i32
      %add3A_90 = arith.constant 0 : i32
      %add3A_91 = arith.addi %add3A_90, %mul3A_89 : i32
      %add3A_92 = arith.constant 0 : i32
      %add3A_93 = arith.addi %add3A_91, %add3A_92 : i32
      %dma_start3A_94 = arith.constant 0 : i32
      %dma_start3A_95 = tpu.memref_slice %arg6[%add3A_93, %dma_start3A_94] : memref<40x128xi32, #tpu.memory_space<vmem>> -> memref<1x128xi32, #tpu.memory_space<vmem>>
      %dma_start3A_96 = tpu.memref_squeeze %dma_start3A_95 : memref<1x128xi32, #tpu.memory_space<vmem>> -> memref<128xi32, #tpu.memory_space<vmem>>
      %dma_start3A_97 = arith.constant 0 : i32
      %dma_start3A_98 = arith.constant 0 : i32
      %dma_start3A_99 = tpu.memref_slice %arg2[%dma_start3A_97, %dma_start3A_98] : memref<10000x128xf32, #tpu.memory_space<hbm>> -> memref<10000x128xf32, #tpu.memory_space<hbm>>
      tpu.enqueue_indirect_dma source(%dma_start3A_99 : memref<10000x128xf32, #tpu.memory_space<hbm>>) target(%arg8 : memref<128x128xf32, #tpu.memory_space<vmem>>) offsets(%dma_start3A_96 : memref<128xi32, #tpu.memory_space<vmem>>) semaphore(%arg11 : memref<!tpu.dma_semaphore, #tpu.memory_space<semaphore_mem>>)
      %add3A_100 = arith.constant 1 : i32
      %add3A_101 = arith.addi %add3A_91, %add3A_100 : i32
      %dma_start3A_102 = arith.constant 0 : i32
      %dma_start3A_103 = tpu.memref_slice %arg6[%add3A_101, %dma_start3A_102] : memref<40x128xi32, #tpu.memory_space<vmem>> -> memref<1x128xi32, #tpu.memory_space<vmem>>
      %dma_start3A_104 = tpu.memref_squeeze %dma_start3A_103 : memref<1x128xi32, #tpu.memory_space<vmem>> -> memref<128xi32, #tpu.memory_space<vmem>>
      %dma_start3A_105 = arith.constant 0 : i32
      %dma_start3A_106 = arith.constant 0 : i32
      %dma_start3A_107 = tpu.memref_slice %arg2[%dma_start3A_105, %dma_start3A_106] : memref<10000x128xf32, #tpu.memory_space<hbm>> -> memref<10000x128xf32, #tpu.memory_space<hbm>>
      tpu.enqueue_indirect_dma source(%dma_start3A_107 : memref<10000x128xf32, #tpu.memory_space<hbm>>) target(%arg9 : memref<128x128xf32, #tpu.memory_space<vmem>>) offsets(%dma_start3A_104 : memref<128xi32, #tpu.memory_space<vmem>>) semaphore(%arg12 : memref<!tpu.dma_semaphore, #tpu.memory_space<semaphore_mem>>)
      %dma_wait3A_108 = arith.constant 0 : i32
      %dma_wait3A_109 = tpu.memref_slice %arg6[%add3A_93, %dma_wait3A_108] : memref<40x128xi32, #tpu.memory_space<vmem>> -> memref<1x128xi32, #tpu.memory_space<vmem>>
      %dma_wait3A_110 = tpu.memref_squeeze %dma_wait3A_109 : memref<1x128xi32, #tpu.memory_space<vmem>> -> memref<128xi32, #tpu.memory_space<vmem>>
      %dma_wait3A_111 = arith.constant 0 : i32
      %dma_wait3A_112 = arith.constant 0 : i32
      %dma_wait3A_113 = tpu.memref_slice %arg2[%dma_wait3A_111, %dma_wait3A_112] : memref<10000x128xf32, #tpu.memory_space<hbm>> -> memref<10000x128xf32, #tpu.memory_space<hbm>>
      tpu.wait_indirect_dma semaphore(%arg11 : memref<!tpu.dma_semaphore, #tpu.memory_space<semaphore_mem>>) src(%dma_wait3A_113 : memref<10000x128xf32, #tpu.memory_space<hbm>>) dst(%arg8 : memref<128x128xf32, #tpu.memory_space<vmem>>)
      %add3A_114 = arith.constant 0 : i32
      %add3A_115 = arith.addi %add3A_91, %add3A_114 : i32
      %dma_start3A_116 = arith.constant 0 : i32
      %dma_start3A_117 = tpu.memref_slice %arg7[%add3A_115, %dma_start3A_116] : memref<40x128xi32, #tpu.memory_space<vmem>> -> memref<1x128xi32, #tpu.memory_space<vmem>>
      %dma_start3A_118 = tpu.memref_squeeze %dma_start3A_117 : memref<1x128xi32, #tpu.memory_space<vmem>> -> memref<128xi32, #tpu.memory_space<vmem>>
      %dma_start3A_119 = arith.constant 0 : i32
      %dma_start3A_120 = arith.constant 0 : i32
      %dma_start3A_121 = tpu.memref_slice %arg10[%dma_start3A_119, %dma_start3A_120] : memref<10240x128xf32, #tpu.memory_space<vmem_shared>> -> memref<10240x128xf32, #tpu.memory_space<vmem_shared>>
      tpu.enqueue_indirect_dma source(%arg8 : memref<128x128xf32, #tpu.memory_space<vmem>>) target(%dma_start3A_121 : memref<10240x128xf32, #tpu.memory_space<vmem_shared>>) offsets(%dma_start3A_118 : memref<128xi32, #tpu.memory_space<vmem>>) semaphore(%arg13 : memref<!tpu.dma_semaphore, #tpu.memory_space<semaphore_mem>>) {add = true}
      %dma_wait3A_122 = arith.constant 0 : i32
      %dma_wait3A_123 = tpu.memref_slice %arg6[%add3A_101, %dma_wait3A_122] : memref<40x128xi32, #tpu.memory_space<vmem>> -> memref<1x128xi32, #tpu.memory_space<vmem>>
      %dma_wait3A_124 = tpu.memref_squeeze %dma_wait3A_123 : memref<1x128xi32, #tpu.memory_space<vmem>> -> memref<128xi32, #tpu.memory_space<vmem>>
      %dma_wait3A_125 = arith.constant 0 : i32
      %dma_wait3A_126 = arith.constant 0 : i32
      %dma_wait3A_127 = tpu.memref_slice %arg2[%dma_wait3A_125, %dma_wait3A_126] : memref<10000x128xf32, #tpu.memory_space<hbm>> -> memref<10000x128xf32, #tpu.memory_space<hbm>>
      tpu.wait_indirect_dma semaphore(%arg12 : memref<!tpu.dma_semaphore, #tpu.memory_space<semaphore_mem>>) src(%dma_wait3A_127 : memref<10000x128xf32, #tpu.memory_space<hbm>>) dst(%arg9 : memref<128x128xf32, #tpu.memory_space<vmem>>)
      %add3A_128 = arith.constant 1 : i32
      %add3A_129 = arith.addi %add3A_91, %add3A_128 : i32
      %dma_start3A_130 = arith.constant 0 : i32
      %dma_start3A_131 = tpu.memref_slice %arg7[%add3A_129, %dma_start3A_130] : memref<40x128xi32, #tpu.memory_space<vmem>> -> memref<1x128xi32, #tpu.memory_space<vmem>>
      %dma_start3A_132 = tpu.memref_squeeze %dma_start3A_131 : memref<1x128xi32, #tpu.memory_space<vmem>> -> memref<128xi32, #tpu.memory_space<vmem>>
      %dma_start3A_133 = arith.constant 0 : i32
      %dma_start3A_134 = arith.constant 0 : i32
      %dma_start3A_135 = tpu.memref_slice %arg10[%dma_start3A_133, %dma_start3A_134] : memref<10240x128xf32, #tpu.memory_space<vmem_shared>> -> memref<10240x128xf32, #tpu.memory_space<vmem_shared>>
      tpu.enqueue_indirect_dma source(%arg9 : memref<128x128xf32, #tpu.memory_space<vmem>>) target(%dma_start3A_135 : memref<10240x128xf32, #tpu.memory_space<vmem_shared>>) offsets(%dma_start3A_132 : memref<128xi32, #tpu.memory_space<vmem>>) semaphore(%arg14 : memref<!tpu.dma_semaphore, #tpu.memory_space<semaphore_mem>>) {add = true}
      %dma_wait3A_136 = arith.constant 0 : i32
      %dma_wait3A_137 = tpu.memref_slice %arg7[%add3A_115, %dma_wait3A_136] : memref<40x128xi32, #tpu.memory_space<vmem>> -> memref<1x128xi32, #tpu.memory_space<vmem>>
      %dma_wait3A_138 = tpu.memref_squeeze %dma_wait3A_137 : memref<1x128xi32, #tpu.memory_space<vmem>> -> memref<128xi32, #tpu.memory_space<vmem>>
      %dma_wait3A_139 = arith.constant 0 : i32
      %dma_wait3A_140 = arith.constant 0 : i32
      %dma_wait3A_141 = tpu.memref_slice %arg10[%dma_wait3A_139, %dma_wait3A_140] : memref<10240x128xf32, #tpu.memory_space<vmem_shared>> -> memref<10240x128xf32, #tpu.memory_space<vmem_shared>>
      tpu.wait_indirect_dma semaphore(%arg13 : memref<!tpu.dma_semaphore, #tpu.memory_space<semaphore_mem>>) src(%arg8 : memref<128x128xf32, #tpu.memory_space<vmem>>) dst(%dma_wait3A_141 : memref<10240x128xf32, #tpu.memory_space<vmem_shared>>)
      %dma_wait3A_142 = arith.constant 0 : i32
      %dma_wait3A_143 = tpu.memref_slice %arg7[%add3A_129, %dma_wait3A_142] : memref<40x128xi32, #tpu.memory_space<vmem>> -> memref<1x128xi32, #tpu.memory_space<vmem>>
      %dma_wait3A_144 = tpu.memref_squeeze %dma_wait3A_143 : memref<1x128xi32, #tpu.memory_space<vmem>> -> memref<128xi32, #tpu.memory_space<vmem>>
      %dma_wait3A_145 = arith.constant 0 : i32
      %dma_wait3A_146 = arith.constant 0 : i32
      %dma_wait3A_147 = tpu.memref_slice %arg10[%dma_wait3A_145, %dma_wait3A_146] : memref<10240x128xf32, #tpu.memory_space<vmem_shared>> -> memref<10240x128xf32, #tpu.memory_space<vmem_shared>>
      tpu.wait_indirect_dma semaphore(%arg14 : memref<!tpu.dma_semaphore, #tpu.memory_space<semaphore_mem>>) src(%arg9 : memref<128x128xf32, #tpu.memory_space<vmem>>) dst(%dma_wait3A_147 : memref<10240x128xf32, #tpu.memory_space<vmem_shared>>)
    }
    %scan3A_69 = arith.constant 20 : i32
    %mul3A_70 = arith.constant 80 : i32
    %mul3A_71 = arith.muli %add3A, %mul3A_70 : i32
    %add3A_72 = arith.constant 40 : i32
    %add3A_73 = arith.addi %mul3A_71, %add3A_72 : i32
    "tpu.region"() ({
      %run_scoped3A = tpu.sem_alloc : memref<!tpu.dma_semaphore, #tpu.memory_space<semaphore_mem>>
      %dma_start3A_87 = arith.constant 0 : i32
      %dma_start3A_88 = tpu.memref_slice %arg3[%add3A_73, %dma_start3A_87] : memref<2560x128xi32, #tpu.memory_space<hbm>> -> memref<40x128xi32, #tpu.memory_space<hbm>>
      %dma_start3A_89 = arith.constant 0 : i32
      %dma_start3A_90 = tpu.memref_slice %arg3[%add3A_73, %dma_start3A_89] : memref<2560x128xi32, #tpu.memory_space<hbm>> -> memref<40x128xi32, #tpu.memory_space<hbm>>
      tpu.enqueue_dma source(%dma_start3A_90 : memref<40x128xi32, #tpu.memory_space<hbm>>) target(%arg6 : memref<40x128xi32, #tpu.memory_space<vmem>>) target_semaphore(%run_scoped3A : memref<!tpu.dma_semaphore, #tpu.memory_space<semaphore_mem>>)
      %dma_wait3A_91 = arith.constant 0 : i32
      %dma_wait3A_92 = tpu.memref_slice %arg3[%add3A_73, %dma_wait3A_91] : memref<2560x128xi32, #tpu.memory_space<hbm>> -> memref<40x128xi32, #tpu.memory_space<hbm>>
      %dma_wait3A_93 = arith.constant 0 : i32
      %dma_wait3A_94 = tpu.memref_slice %arg3[%add3A_73, %dma_wait3A_93] : memref<2560x128xi32, #tpu.memory_space<hbm>> -> memref<40x128xi32, #tpu.memory_space<hbm>>
      tpu.wait_dma2 semaphore(%run_scoped3A : memref<!tpu.dma_semaphore, #tpu.memory_space<semaphore_mem>>) src(%dma_wait3A_94 : memref<40x128xi32, #tpu.memory_space<hbm>>) dst(%arg6 : memref<40x128xi32, #tpu.memory_space<vmem>>)
      tpu.yield
    }) : () -> ()
    "tpu.region"() ({
      %run_scoped3A = tpu.sem_alloc : memref<!tpu.dma_semaphore, #tpu.memory_space<semaphore_mem>>
      %dma_start3A_87 = arith.constant 0 : i32
      %dma_start3A_88 = tpu.memref_slice %arg4[%add3A_73, %dma_start3A_87] : memref<2560x128xi32, #tpu.memory_space<hbm>> -> memref<40x128xi32, #tpu.memory_space<hbm>>
      %dma_start3A_89 = arith.constant 0 : i32
      %dma_start3A_90 = tpu.memref_slice %arg4[%add3A_73, %dma_start3A_89] : memref<2560x128xi32, #tpu.memory_space<hbm>> -> memref<40x128xi32, #tpu.memory_space<hbm>>
      tpu.enqueue_dma source(%dma_start3A_90 : memref<40x128xi32, #tpu.memory_space<hbm>>) target(%arg7 : memref<40x128xi32, #tpu.memory_space<vmem>>) target_semaphore(%run_scoped3A : memref<!tpu.dma_semaphore, #tpu.memory_space<semaphore_mem>>)
      %dma_wait3A_91 = arith.constant 0 : i32
      %dma_wait3A_92 = tpu.memref_slice %arg4[%add3A_73, %dma_wait3A_91] : memref<2560x128xi32, #tpu.memory_space<hbm>> -> memref<40x128xi32, #tpu.memory_space<hbm>>
      %dma_wait3A_93 = arith.constant 0 : i32
      %dma_wait3A_94 = tpu.memref_slice %arg4[%add3A_73, %dma_wait3A_93] : memref<2560x128xi32, #tpu.memory_space<hbm>> -> memref<40x128xi32, #tpu.memory_space<hbm>>
      tpu.wait_dma2 semaphore(%run_scoped3A : memref<!tpu.dma_semaphore, #tpu.memory_space<semaphore_mem>>) src(%dma_wait3A_94 : memref<40x128xi32, #tpu.memory_space<hbm>>) dst(%arg7 : memref<40x128xi32, #tpu.memory_space<vmem>>)
      tpu.yield
    }) : () -> ()
    %scan3A_74 = arith.constant 0 : i32
    %scan3A_75 = arith.constant 20 : i32
    %scan3A_76 = arith.addi %scan3A_74, %scan3A_75 : i32
    %scan3A_77 = arith.constant 1 : i32
    scf.for %scan3A_87 = %scan3A_74 to %scan3A_76 step %scan3A_77  : i32 {
      %mul3A_88 = arith.constant 2 : i32
      %mul3A_89 = arith.muli %scan3A_87, %mul3A_88 : i32
      %add3A_90 = arith.constant 0 : i32
      %add3A_91 = arith.addi %add3A_90, %mul3A_89 : i32
      %add3A_92 = arith.constant 0 : i32
      %add3A_93 = arith.addi %add3A_91, %add3A_92 : i32
      %dma_start3A_94 = arith.constant 0 : i32
      %dma_start3A_95 = tpu.memref_slice %arg6[%add3A_93, %dma_start3A_94] : memref<40x128xi32, #tpu.memory_space<vmem>> -> memref<1x128xi32, #tpu.memory_space<vmem>>
      %dma_start3A_96 = tpu.memref_squeeze %dma_start3A_95 : memref<1x128xi32, #tpu.memory_space<vmem>> -> memref<128xi32, #tpu.memory_space<vmem>>
      %dma_start3A_97 = arith.constant 0 : i32
      %dma_start3A_98 = arith.constant 0 : i32
      %dma_start3A_99 = tpu.memref_slice %arg2[%dma_start3A_97, %dma_start3A_98] : memref<10000x128xf32, #tpu.memory_space<hbm>> -> memref<10000x128xf32, #tpu.memory_space<hbm>>
      tpu.enqueue_indirect_dma source(%dma_start3A_99 : memref<10000x128xf32, #tpu.memory_space<hbm>>) target(%arg8 : memref<128x128xf32, #tpu.memory_space<vmem>>) offsets(%dma_start3A_96 : memref<128xi32, #tpu.memory_space<vmem>>) semaphore(%arg11 : memref<!tpu.dma_semaphore, #tpu.memory_space<semaphore_mem>>)
      %add3A_100 = arith.constant 1 : i32
      %add3A_101 = arith.addi %add3A_91, %add3A_100 : i32
      %dma_start3A_102 = arith.constant 0 : i32
      %dma_start3A_103 = tpu.memref_slice %arg6[%add3A_101, %dma_start3A_102] : memref<40x128xi32, #tpu.memory_space<vmem>> -> memref<1x128xi32, #tpu.memory_space<vmem>>
      %dma_start3A_104 = tpu.memref_squeeze %dma_start3A_103 : memref<1x128xi32, #tpu.memory_space<vmem>> -> memref<128xi32, #tpu.memory_space<vmem>>
      %dma_start3A_105 = arith.constant 0 : i32
      %dma_start3A_106 = arith.constant 0 : i32
      %dma_start3A_107 = tpu.memref_slice %arg2[%dma_start3A_105, %dma_start3A_106] : memref<10000x128xf32, #tpu.memory_space<hbm>> -> memref<10000x128xf32, #tpu.memory_space<hbm>>
      tpu.enqueue_indirect_dma source(%dma_start3A_107 : memref<10000x128xf32, #tpu.memory_space<hbm>>) target(%arg9 : memref<128x128xf32, #tpu.memory_space<vmem>>) offsets(%dma_start3A_104 : memref<128xi32, #tpu.memory_space<vmem>>) semaphore(%arg12 : memref<!tpu.dma_semaphore, #tpu.memory_space<semaphore_mem>>)
      %dma_wait3A_108 = arith.constant 0 : i32
      %dma_wait3A_109 = tpu.memref_slice %arg6[%add3A_93, %dma_wait3A_108] : memref<40x128xi32, #tpu.memory_space<vmem>> -> memref<1x128xi32, #tpu.memory_space<vmem>>
      %dma_wait3A_110 = tpu.memref_squeeze %dma_wait3A_109 : memref<1x128xi32, #tpu.memory_space<vmem>> -> memref<128xi32, #tpu.memory_space<vmem>>
      %dma_wait3A_111 = arith.constant 0 : i32
      %dma_wait3A_112 = arith.constant 0 : i32
      %dma_wait3A_113 = tpu.memref_slice %arg2[%dma_wait3A_111, %dma_wait3A_112] : memref<10000x128xf32, #tpu.memory_space<hbm>> -> memref<10000x128xf32, #tpu.memory_space<hbm>>
      tpu.wait_indirect_dma semaphore(%arg11 : memref<!tpu.dma_semaphore, #tpu.memory_space<semaphore_mem>>) src(%dma_wait3A_113 : memref<10000x128xf32, #tpu.memory_space<hbm>>) dst(%arg8 : memref<128x128xf32, #tpu.memory_space<vmem>>)
      %add3A_114 = arith.constant 0 : i32
      %add3A_115 = arith.addi %add3A_91, %add3A_114 : i32
      %dma_start3A_116 = arith.constant 0 : i32
      %dma_start3A_117 = tpu.memref_slice %arg7[%add3A_115, %dma_start3A_116] : memref<40x128xi32, #tpu.memory_space<vmem>> -> memref<1x128xi32, #tpu.memory_space<vmem>>
      %dma_start3A_118 = tpu.memref_squeeze %dma_start3A_117 : memref<1x128xi32, #tpu.memory_space<vmem>> -> memref<128xi32, #tpu.memory_space<vmem>>
      %dma_start3A_119 = arith.constant 0 : i32
      %dma_start3A_120 = arith.constant 0 : i32
      %dma_start3A_121 = tpu.memref_slice %arg10[%dma_start3A_119, %dma_start3A_120] : memref<10240x128xf32, #tpu.memory_space<vmem_shared>> -> memref<10240x128xf32, #tpu.memory_space<vmem_shared>>
      tpu.enqueue_indirect_dma source(%arg8 : memref<128x128xf32, #tpu.memory_space<vmem>>) target(%dma_start3A_121 : memref<10240x128xf32, #tpu.memory_space<vmem_shared>>) offsets(%dma_start3A_118 : memref<128xi32, #tpu.memory_space<vmem>>) semaphore(%arg13 : memref<!tpu.dma_semaphore, #tpu.memory_space<semaphore_mem>>) {add = true}
      %dma_wait3A_122 = arith.constant 0 : i32
      %dma_wait3A_123 = tpu.memref_slice %arg6[%add3A_101, %dma_wait3A_122] : memref<40x128xi32, #tpu.memory_space<vmem>> -> memref<1x128xi32, #tpu.memory_space<vmem>>
      %dma_wait3A_124 = tpu.memref_squeeze %dma_wait3A_123 : memref<1x128xi32, #tpu.memory_space<vmem>> -> memref<128xi32, #tpu.memory_space<vmem>>
      %dma_wait3A_125 = arith.constant 0 : i32
      %dma_wait3A_126 = arith.constant 0 : i32
      %dma_wait3A_127 = tpu.memref_slice %arg2[%dma_wait3A_125, %dma_wait3A_126] : memref<10000x128xf32, #tpu.memory_space<hbm>> -> memref<10000x128xf32, #tpu.memory_space<hbm>>
      tpu.wait_indirect_dma semaphore(%arg12 : memref<!tpu.dma_semaphore, #tpu.memory_space<semaphore_mem>>) src(%dma_wait3A_127 : memref<10000x128xf32, #tpu.memory_space<hbm>>) dst(%arg9 : memref<128x128xf32, #tpu.memory_space<vmem>>)
      %add3A_128 = arith.constant 1 : i32
      %add3A_129 = arith.addi %add3A_91, %add3A_128 : i32
      %dma_start3A_130 = arith.constant 0 : i32
      %dma_start3A_131 = tpu.memref_slice %arg7[%add3A_129, %dma_start3A_130] : memref<40x128xi32, #tpu.memory_space<vmem>> -> memref<1x128xi32, #tpu.memory_space<vmem>>
      %dma_start3A_132 = tpu.memref_squeeze %dma_start3A_131 : memref<1x128xi32, #tpu.memory_space<vmem>> -> memref<128xi32, #tpu.memory_space<vmem>>
      %dma_start3A_133 = arith.constant 0 : i32
      %dma_start3A_134 = arith.constant 0 : i32
      %dma_start3A_135 = tpu.memref_slice %arg10[%dma_start3A_133, %dma_start3A_134] : memref<10240x128xf32, #tpu.memory_space<vmem_shared>> -> memref<10240x128xf32, #tpu.memory_space<vmem_shared>>
      tpu.enqueue_indirect_dma source(%arg9 : memref<128x128xf32, #tpu.memory_space<vmem>>) target(%dma_start3A_135 : memref<10240x128xf32, #tpu.memory_space<vmem_shared>>) offsets(%dma_start3A_132 : memref<128xi32, #tpu.memory_space<vmem>>) semaphore(%arg14 : memref<!tpu.dma_semaphore, #tpu.memory_space<semaphore_mem>>) {add = true}
      %dma_wait3A_136 = arith.constant 0 : i32
      %dma_wait3A_137 = tpu.memref_slice %arg7[%add3A_115, %dma_wait3A_136] : memref<40x128xi32, #tpu.memory_space<vmem>> -> memref<1x128xi32, #tpu.memory_space<vmem>>
      %dma_wait3A_138 = tpu.memref_squeeze %dma_wait3A_137 : memref<1x128xi32, #tpu.memory_space<vmem>> -> memref<128xi32, #tpu.memory_space<vmem>>
      %dma_wait3A_139 = arith.constant 0 : i32
      %dma_wait3A_140 = arith.constant 0 : i32
      %dma_wait3A_141 = tpu.memref_slice %arg10[%dma_wait3A_139, %dma_wait3A_140] : memref<10240x128xf32, #tpu.memory_space<vmem_shared>> -> memref<10240x128xf32, #tpu.memory_space<vmem_shared>>
      tpu.wait_indirect_dma semaphore(%arg13 : memref<!tpu.dma_semaphore, #tpu.memory_space<semaphore_mem>>) src(%arg8 : memref<128x128xf32, #tpu.memory_space<vmem>>) dst(%dma_wait3A_141 : memref<10240x128xf32, #tpu.memory_space<vmem_shared>>)
      %dma_wait3A_142 = arith.constant 0 : i32
      %dma_wait3A_143 = tpu.memref_slice %arg7[%add3A_129, %dma_wait3A_142] : memref<40x128xi32, #tpu.memory_space<vmem>> -> memref<1x128xi32, #tpu.memory_space<vmem>>
      %dma_wait3A_144 = tpu.memref_squeeze %dma_wait3A_143 : memref<1x128xi32, #tpu.memory_space<vmem>> -> memref<128xi32, #tpu.memory_space<vmem>>
      %dma_wait3A_145 = arith.constant 0 : i32
      %dma_wait3A_146 = arith.constant 0 : i32
      %dma_wait3A_147 = tpu.memref_slice %arg10[%dma_wait3A_145, %dma_wait3A_146] : memref<10240x128xf32, #tpu.memory_space<vmem_shared>> -> memref<10240x128xf32, #tpu.memory_space<vmem_shared>>
      tpu.wait_indirect_dma semaphore(%arg14 : memref<!tpu.dma_semaphore, #tpu.memory_space<semaphore_mem>>) src(%arg9 : memref<128x128xf32, #tpu.memory_space<vmem>>) dst(%dma_wait3A_147 : memref<10240x128xf32, #tpu.memory_space<vmem_shared>>)
    }
    %scan3A_78 = arith.constant 20 : i32
    %barrier3A_79 = arith.constant 0 : index
    tpu.barrier barrier_id(%barrier3A_79)
    %mul3A_80 = arith.constant 640 : i32
    %mul3A_81 = arith.muli %arg1, %mul3A_80 : i32
    %mul3A_82 = arith.constant 10240 : i32
    %mul3A_83 = arith.muli %arg0, %mul3A_82 : i32
    %mul3A_84 = arith.constant 640 : i32
    %mul3A_85 = arith.muli %arg1, %mul3A_84 : i32
    %add3A_86 = arith.addi %mul3A_83, %mul3A_85 : i32
    "tpu.region"() ({
      %run_scoped3A = tpu.sem_alloc : memref<!tpu.dma_semaphore, #tpu.memory_space<semaphore_mem>>
      %dma_start3A_87 = arith.constant 0 : i32
      %dma_start3A_88 = tpu.memref_slice %arg5[%add3A_86, %dma_start3A_87] : memref<20480x128xf32, #tpu.memory_space<hbm>> -> memref<640x128xf32, #tpu.memory_space<hbm>>
      %dma_start3A_89 = arith.constant 0 : i32
      %dma_start3A_90 = tpu.memref_slice %arg10[%mul3A_81, %dma_start3A_89] : memref<10240x128xf32, #tpu.memory_space<vmem_shared>> -> memref<640x128xf32, #tpu.memory_space<vmem_shared>>
      tpu.enqueue_dma source(%dma_start3A_90 : memref<640x128xf32, #tpu.memory_space<vmem_shared>>) target(%dma_start3A_88 : memref<640x128xf32, #tpu.memory_space<hbm>>) target_semaphore(%run_scoped3A : memref<!tpu.dma_semaphore, #tpu.memory_space<semaphore_mem>>)
      %dma_wait3A_91 = arith.constant 0 : i32
      %dma_wait3A_92 = tpu.memref_slice %arg5[%add3A_86, %dma_wait3A_91] : memref<20480x128xf32, #tpu.memory_space<hbm>> -> memref<640x128xf32, #tpu.memory_space<hbm>>
      %dma_wait3A_93 = arith.constant 0 : i32
      %dma_wait3A_94 = tpu.memref_slice %arg10[%mul3A_81, %dma_wait3A_93] : memref<10240x128xf32, #tpu.memory_space<vmem_shared>> -> memref<640x128xf32, #tpu.memory_space<vmem_shared>>
      tpu.wait_dma2 semaphore(%run_scoped3A : memref<!tpu.dma_semaphore, #tpu.memory_space<semaphore_mem>>) src(%dma_wait3A_94 : memref<640x128xf32, #tpu.memory_space<vmem_shared>>) dst(%dma_wait3A_92 : memref<640x128xf32, #tpu.memory_space<hbm>>)
      tpu.yield
    }) : () -> ()
    return
  }
}

#map = affine_map<(d0, d1) -> (0, 0)>
module attributes {stable_mosaic.version = 14 : i64} {
  func.func @k(%arg0: i32, %arg1: i32, %arg2: memref<10000x128xf32, #tpu.memory_space<hbm>>, %arg3: memref<2560x128xi32, #tpu.memory_space<hbm>>, %arg4: memref<2560x128xi32, #tpu.memory_space<hbm>>, %arg5: memref<20480x128xf32, #tpu.memory_space<hbm>>, %arg6: memref<40x128xi32, #tpu.memory_space<vmem>>, %arg7: memref<40x128xi32, #tpu.memory_space<vmem>>, %arg8: memref<128x128xf32, #tpu.memory_space<vmem>>, %arg9: memref<128x128xf32, #tpu.memory_space<vmem>>, %arg10: memref<10240x128xf32, #tpu.memory_space<vmem_shared>>, %arg11: memref<!tpu.dma_semaphore, #tpu.memory_space<semaphore_mem>>, %arg12: memref<!tpu.dma_semaphore, #tpu.memory_space<semaphore_mem>>, %arg13: memref<!tpu.dma_semaphore, #tpu.memory_space<semaphore_mem>>, %arg14: memref<!tpu.dma_semaphore, #tpu.memory_space<semaphore_mem>>) attributes {dimension_semantics = [#tpu.dimension_semantics<core_parallel>, #tpu.dimension_semantics<subcore_parallel>], iteration_bounds = array<i64: 2, 16>, scalar_prefetch = 0 : i64, scratch_operands = 9 : i64, tpu.core_type = #tpu.core_type<sc_vector_subcore>, window_params = [{transform_indices = #map}, {transform_indices = #map}, {transform_indices = #map}, {transform_indices = #map}]} {
    %mul3A = arith.constant 2 : i32
    %mul3A_0 = arith.muli %arg1, %mul3A : i32
    %add3A = arith.addi %mul3A_0, %arg0 : i32
    %scan3A = arith.constant 0 : i32
    %scan3A_1 = arith.constant 1024 : i32
    %scan3A_2 = arith.addi %scan3A, %scan3A_1 : i32
    %scan3A_3 = arith.constant 1 : i32
    scf.for %scan3A_87 = %scan3A to %scan3A_2 step %scan3A_3  : i32 {
      %jit3A = arith.constant 8 : i32
      %div3A = arith.divsi %scan3A_87, %jit3A : i32
      %sign3A = arith.constant 0 : i32
      %sign3A_88 = arith.cmpi sgt, %scan3A_87, %sign3A : i32
      %sign3A_89 = arith.extui %sign3A_88 : i1 to i32
      %sign3A_90 = arith.constant 0 : i32
      %sign3A_91 = arith.cmpi slt, %scan3A_87, %sign3A_90 : i32
      %sign3A_92 = arith.extui %sign3A_91 : i1 to i32
      %sign3A_93 = arith.subi %sign3A_89, %sign3A_92 : i32
      %sign3A_94 = arith.constant 0 : i32
      %sign3A_95 = arith.cmpi sgt, %jit3A, %sign3A_94 : i32
      %sign3A_96 = arith.extui %sign3A_95 : i1 to i32
      %sign3A_97 = arith.constant 0 : i32
      %sign3A_98 = arith.cmpi slt, %jit3A, %sign3A_97 : i32
      %sign3A_99 = arith.extui %sign3A_98 : i1 to i32
      %sign3A_100 = arith.subi %sign3A_96, %sign3A_99 : i32
      %ne3A = arith.cmpi ne, %sign3A_93, %sign3A_100 : i32
      %rem3A = arith.remsi %scan3A_87, %jit3A : i32
      %ne3A_101 = arith.constant 0 : i32
      %ne3A_102 = arith.cmpi ne, %rem3A, %ne3A_101 : i32
      %and3A = arith.andi %ne3A, %ne3A_102 : i1
      %sub3A = arith.constant 1 : i32
      %sub3A_103 = arith.subi %div3A, %sub3A : i32
      %select_n3A = arith.select %and3A, %sub3A_103, %div3A : i32
      %jit3A_104 = arith.constant 8 : i32
      %eq3A = arith.constant 0 : i32
      %eq3A_105 = arith.cmpi eq, %jit3A_104, %eq3A : i32
      %jit3A_106 = arith.constant 1 : i32
      %select_n3A_107 = arith.select %eq3A_105, %jit3A_106, %jit3A_104 : i32
      %rem3A_108 = arith.remsi %scan3A_87, %select_n3A_107 : i32
      %ne3A_109 = arith.constant 0 : i32
      %ne3A_110 = arith.cmpi ne, %rem3A_108, %ne3A_109 : i32
      %lt3A = arith.constant 0 : i32
      %lt3A_111 = arith.cmpi slt, %rem3A_108, %lt3A : i32
      %lt3A_112 = arith.constant 0 : i32
      %lt3A_113 = arith.cmpi slt, %select_n3A_107, %lt3A_112 : i32
      %ne3A_114 = arith.xori %lt3A_111, %lt3A_113 : i1
      %and3A_115 = arith.andi %ne3A_114, %ne3A_110 : i1
      %add3A_116 = arith.addi %rem3A_108, %select_n3A_107 : i32
      %select_n3A_117 = arith.select %and3A_115, %add3A_116, %rem3A_108 : i32
      %broadcast_in_dim3A = arith.constant 0.000000e+00 : f32
      %broadcast_in_dim3A_118 = vector.broadcast %broadcast_in_dim3A : f32 to vector<16xf32>
      %mul3A_119 = arith.constant 16 : i32
      %mul3A_120 = arith.muli %select_n3A_117, %mul3A_119 : i32
      %swap3A = arith.index_cast %select_n3A : i32 to index
      %swap3A_121 = arith.index_cast %mul3A_120 : i32 to index
      %swap3A_122 = tpu.vector_load %arg8[%swap3A, %swap3A_121] {strides = array<i32>} : memref<128x128xf32, #tpu.memory_space<vmem>>, vector<1x16xf32>,
      %swap3A_123 = vector.shape_cast %swap3A_122 : vector<1x16xf32> to vector<16xf32>
      %swap3A_124 = vector.shape_cast %broadcast_in_dim3A_118 : vector<16xf32> to vector<1x16xf32>
      tpu.vector_store %arg8[%swap3A, %swap3A_121], %swap3A_124 {strides = array<i32>} : memref<128x128xf32, #tpu.memory_space<vmem>>, vector<1x16xf32>,
    }
    %scan3A_4 = arith.constant 1024 : i32
    %mul3A_5 = arith.constant 640 : i32
    %mul3A_6 = arith.muli %arg1, %mul3A_5 : i32
    %add3A_7 = arith.constant 0 : i32
    %add3A_8 = arith.addi %mul3A_6, %add3A_7 : i32
    %dma_start3A = arith.constant 0 : i32
    %dma_start3A_9 = tpu.memref_slice %arg10[%add3A_8, %dma_start3A] : memref<10240x128xf32, #tpu.memory_space<vmem_shared>> -> memref<128x128xf32, #tpu.memory_space<vmem_shared>>
    %dma_start3A_10 = arith.constant 0 : i32
    %dma_start3A_11 = tpu.memref_slice %arg10[%add3A_8, %dma_start3A_10] : memref<10240x128xf32, #tpu.memory_space<vmem_shared>> -> memref<128x128xf32, #tpu.memory_space<vmem_shared>>
    tpu.enqueue_dma source(%arg8 : memref<128x128xf32, #tpu.memory_space<vmem>>) target(%dma_start3A_11 : memref<128x128xf32, #tpu.memory_space<vmem_shared>>) target_semaphore(%arg11 : memref<!tpu.dma_semaphore, #tpu.memory_space<semaphore_mem>>)
    %mul3A_12 = arith.constant 640 : i32
    %mul3A_13 = arith.muli %arg1, %mul3A_12 : i32
    %add3A_14 = arith.constant 128 : i32
    %add3A_15 = arith.addi %mul3A_13, %add3A_14 : i32
    %dma_start3A_16 = arith.constant 0 : i32
    %dma_start3A_17 = tpu.memref_slice %arg10[%add3A_15, %dma_start3A_16] : memref<10240x128xf32, #tpu.memory_space<vmem_shared>> -> memref<128x128xf32, #tpu.memory_space<vmem_shared>>
    %dma_start3A_18 = arith.constant 0 : i32
    %dma_start3A_19 = tpu.memref_slice %arg10[%add3A_15, %dma_start3A_18] : memref<10240x128xf32, #tpu.memory_space<vmem_shared>> -> memref<128x128xf32, #tpu.memory_space<vmem_shared>>
    tpu.enqueue_dma source(%arg8 : memref<128x128xf32, #tpu.memory_space<vmem>>) target(%dma_start3A_19 : memref<128x128xf32, #tpu.memory_space<vmem_shared>>) target_semaphore(%arg11 : memref<!tpu.dma_semaphore, #tpu.memory_space<semaphore_mem>>)
    %mul3A_20 = arith.constant 640 : i32
    %mul3A_21 = arith.muli %arg1, %mul3A_20 : i32
    %add3A_22 = arith.constant 256 : i32
    %add3A_23 = arith.addi %mul3A_21, %add3A_22 : i32
    %dma_start3A_24 = arith.constant 0 : i32
    %dma_start3A_25 = tpu.memref_slice %arg10[%add3A_23, %dma_start3A_24] : memref<10240x128xf32, #tpu.memory_space<vmem_shared>> -> memref<128x128xf32, #tpu.memory_space<vmem_shared>>
    %dma_start3A_26 = arith.constant 0 : i32
    %dma_start3A_27 = tpu.memref_slice %arg10[%add3A_23, %dma_start3A_26] : memref<10240x128xf32, #tpu.memory_space<vmem_shared>> -> memref<128x128xf32, #tpu.memory_space<vmem_shared>>
    tpu.enqueue_dma source(%arg8 : memref<128x128xf32, #tpu.memory_space<vmem>>) target(%dma_start3A_27 : memref<128x128xf32, #tpu.memory_space<vmem_shared>>) target_semaphore(%arg11 : memref<!tpu.dma_semaphore, #tpu.memory_space<semaphore_mem>>)
    %mul3A_28 = arith.constant 640 : i32
    %mul3A_29 = arith.muli %arg1, %mul3A_28 : i32
    %add3A_30 = arith.constant 384 : i32
    %add3A_31 = arith.addi %mul3A_29, %add3A_30 : i32
    %dma_start3A_32 = arith.constant 0 : i32
    %dma_start3A_33 = tpu.memref_slice %arg10[%add3A_31, %dma_start3A_32] : memref<10240x128xf32, #tpu.memory_space<vmem_shared>> -> memref<128x128xf32, #tpu.memory_space<vmem_shared>>
    %dma_start3A_34 = arith.constant 0 : i32
    %dma_start3A_35 = tpu.memref_slice %arg10[%add3A_31, %dma_start3A_34] : memref<10240x128xf32, #tpu.memory_space<vmem_shared>> -> memref<128x128xf32, #tpu.memory_space<vmem_shared>>
    tpu.enqueue_dma source(%arg8 : memref<128x128xf32, #tpu.memory_space<vmem>>) target(%dma_start3A_35 : memref<128x128xf32, #tpu.memory_space<vmem_shared>>) target_semaphore(%arg11 : memref<!tpu.dma_semaphore, #tpu.memory_space<semaphore_mem>>)
    %mul3A_36 = arith.constant 640 : i32
    %mul3A_37 = arith.muli %arg1, %mul3A_36 : i32
    %add3A_38 = arith.constant 512 : i32
    %add3A_39 = arith.addi %mul3A_37, %add3A_38 : i32
    %dma_start3A_40 = arith.constant 0 : i32
    %dma_start3A_41 = tpu.memref_slice %arg10[%add3A_39, %dma_start3A_40] : memref<10240x128xf32, #tpu.memory_space<vmem_shared>> -> memref<128x128xf32, #tpu.memory_space<vmem_shared>>
    %dma_start3A_42 = arith.constant 0 : i32
    %dma_start3A_43 = tpu.memref_slice %arg10[%add3A_39, %dma_start3A_42] : memref<10240x128xf32, #tpu.memory_space<vmem_shared>> -> memref<128x128xf32, #tpu.memory_space<vmem_shared>>
    tpu.enqueue_dma source(%arg8 : memref<128x128xf32, #tpu.memory_space<vmem>>) target(%dma_start3A_43 : memref<128x128xf32, #tpu.memory_space<vmem_shared>>) target_semaphore(%arg11 : memref<!tpu.dma_semaphore, #tpu.memory_space<semaphore_mem>>)
    %mul3A_44 = arith.constant 80 : i32
    %mul3A_45 = arith.muli %add3A, %mul3A_44 : i32
    "tpu.region"() ({
      %run_scoped3A = tpu.sem_alloc : memref<!tpu.dma_semaphore, #tpu.memory_space<semaphore_mem>>
      %dma_start3A_87 = arith.constant 0 : i32
      %dma_start3A_88 = tpu.memref_slice %arg3[%mul3A_45, %dma_start3A_87] : memref<2560x128xi32, #tpu.memory_space<hbm>> -> memref<40x128xi32, #tpu.memory_space<hbm>>
      %dma_start3A_89 = arith.constant 0 : i32
      %dma_start3A_90 = tpu.memref_slice %arg3[%mul3A_45, %dma_start3A_89] : memref<2560x128xi32, #tpu.memory_space<hbm>> -> memref<40x128xi32, #tpu.memory_space<hbm>>
      tpu.enqueue_dma source(%dma_start3A_90 : memref<40x128xi32, #tpu.memory_space<hbm>>) target(%arg6 : memref<40x128xi32, #tpu.memory_space<vmem>>) target_semaphore(%run_scoped3A : memref<!tpu.dma_semaphore, #tpu.memory_space<semaphore_mem>>)
      %dma_wait3A_91 = arith.constant 0 : i32
      %dma_wait3A_92 = tpu.memref_slice %arg3[%mul3A_45, %dma_wait3A_91] : memref<2560x128xi32, #tpu.memory_space<hbm>> -> memref<40x128xi32, #tpu.memory_space<hbm>>
      %dma_wait3A_93 = arith.constant 0 : i32
      %dma_wait3A_94 = tpu.memref_slice %arg3[%mul3A_45, %dma_wait3A_93] : memref<2560x128xi32, #tpu.memory_space<hbm>> -> memref<40x128xi32, #tpu.memory_space<hbm>>
      tpu.wait_dma2 semaphore(%run_scoped3A : memref<!tpu.dma_semaphore, #tpu.memory_space<semaphore_mem>>) src(%dma_wait3A_94 : memref<40x128xi32, #tpu.memory_space<hbm>>) dst(%arg6 : memref<40x128xi32, #tpu.memory_space<vmem>>)
      tpu.yield
    }) : () -> ()
    "tpu.region"() ({
      %run_scoped3A = tpu.sem_alloc : memref<!tpu.dma_semaphore, #tpu.memory_space<semaphore_mem>>
      %dma_start3A_87 = arith.constant 0 : i32
      %dma_start3A_88 = tpu.memref_slice %arg4[%mul3A_45, %dma_start3A_87] : memref<2560x128xi32, #tpu.memory_space<hbm>> -> memref<40x128xi32, #tpu.memory_space<hbm>>
      %dma_start3A_89 = arith.constant 0 : i32
      %dma_start3A_90 = tpu.memref_slice %arg4[%mul3A_45, %dma_start3A_89] : memref<2560x128xi32, #tpu.memory_space<hbm>> -> memref<40x128xi32, #tpu.memory_space<hbm>>
      tpu.enqueue_dma source(%dma_start3A_90 : memref<40x128xi32, #tpu.memory_space<hbm>>) target(%arg7 : memref<40x128xi32, #tpu.memory_space<vmem>>) target_semaphore(%run_scoped3A : memref<!tpu.dma_semaphore, #tpu.memory_space<semaphore_mem>>)
      %dma_wait3A_91 = arith.constant 0 : i32
      %dma_wait3A_92 = tpu.memref_slice %arg4[%mul3A_45, %dma_wait3A_91] : memref<2560x128xi32, #tpu.memory_space<hbm>> -> memref<40x128xi32, #tpu.memory_space<hbm>>
      %dma_wait3A_93 = arith.constant 0 : i32
      %dma_wait3A_94 = tpu.memref_slice %arg4[%mul3A_45, %dma_wait3A_93] : memref<2560x128xi32, #tpu.memory_space<hbm>> -> memref<40x128xi32, #tpu.memory_space<hbm>>
      tpu.wait_dma2 semaphore(%run_scoped3A : memref<!tpu.dma_semaphore, #tpu.memory_space<semaphore_mem>>) src(%dma_wait3A_94 : memref<40x128xi32, #tpu.memory_space<hbm>>) dst(%arg7 : memref<40x128xi32, #tpu.memory_space<vmem>>)
      tpu.yield
    }) : () -> ()
    %dma_wait3A = arith.constant 0 : i32
    %dma_wait3A_46 = tpu.memref_slice %arg10[%add3A_8, %dma_wait3A] : memref<10240x128xf32, #tpu.memory_space<vmem_shared>> -> memref<128x128xf32, #tpu.memory_space<vmem_shared>>
    %dma_wait3A_47 = arith.constant 0 : i32
    %dma_wait3A_48 = tpu.memref_slice %arg10[%add3A_8, %dma_wait3A_47] : memref<10240x128xf32, #tpu.memory_space<vmem_shared>> -> memref<128x128xf32, #tpu.memory_space<vmem_shared>>
    tpu.wait_dma2 semaphore(%arg11 : memref<!tpu.dma_semaphore, #tpu.memory_space<semaphore_mem>>) src(%arg8 : memref<128x128xf32, #tpu.memory_space<vmem>>) dst(%dma_wait3A_48 : memref<128x128xf32, #tpu.memory_space<vmem_shared>>)
    %dma_wait3A_49 = arith.constant 0 : i32
    %dma_wait3A_50 = tpu.memref_slice %arg10[%add3A_15, %dma_wait3A_49] : memref<10240x128xf32, #tpu.memory_space<vmem_shared>> -> memref<128x128xf32, #tpu.memory_space<vmem_shared>>
    %dma_wait3A_51 = arith.constant 0 : i32
    %dma_wait3A_52 = tpu.memref_slice %arg10[%add3A_15, %dma_wait3A_51] : memref<10240x128xf32, #tpu.memory_space<vmem_shared>> -> memref<128x128xf32, #tpu.memory_space<vmem_shared>>
    tpu.wait_dma2 semaphore(%arg11 : memref<!tpu.dma_semaphore, #tpu.memory_space<semaphore_mem>>) src(%arg8 : memref<128x128xf32, #tpu.memory_space<vmem>>) dst(%dma_wait3A_52 : memref<128x128xf32, #tpu.memory_space<vmem_shared>>)
    %dma_wait3A_53 = arith.constant 0 : i32
    %dma_wait3A_54 = tpu.memref_slice %arg10[%add3A_23, %dma_wait3A_53] : memref<10240x128xf32, #tpu.memory_space<vmem_shared>> -> memref<128x128xf32, #tpu.memory_space<vmem_shared>>
    %dma_wait3A_55 = arith.constant 0 : i32
    %dma_wait3A_56 = tpu.memref_slice %arg10[%add3A_23, %dma_wait3A_55] : memref<10240x128xf32, #tpu.memory_space<vmem_shared>> -> memref<128x128xf32, #tpu.memory_space<vmem_shared>>
    tpu.wait_dma2 semaphore(%arg11 : memref<!tpu.dma_semaphore, #tpu.memory_space<semaphore_mem>>) src(%arg8 : memref<128x128xf32, #tpu.memory_space<vmem>>) dst(%dma_wait3A_56 : memref<128x128xf32, #tpu.memory_space<vmem_shared>>)
    %dma_wait3A_57 = arith.constant 0 : i32
    %dma_wait3A_58 = tpu.memref_slice %arg10[%add3A_31, %dma_wait3A_57] : memref<10240x128xf32, #tpu.memory_space<vmem_shared>> -> memref<128x128xf32, #tpu.memory_space<vmem_shared>>
    %dma_wait3A_59 = arith.constant 0 : i32
    %dma_wait3A_60 = tpu.memref_slice %arg10[%add3A_31, %dma_wait3A_59] : memref<10240x128xf32, #tpu.memory_space<vmem_shared>> -> memref<128x128xf32, #tpu.memory_space<vmem_shared>>
    tpu.wait_dma2 semaphore(%arg11 : memref<!tpu.dma_semaphore, #tpu.memory_space<semaphore_mem>>) src(%arg8 : memref<128x128xf32, #tpu.memory_space<vmem>>) dst(%dma_wait3A_60 : memref<128x128xf32, #tpu.memory_space<vmem_shared>>)
    %dma_wait3A_61 = arith.constant 0 : i32
    %dma_wait3A_62 = tpu.memref_slice %arg10[%add3A_39, %dma_wait3A_61] : memref<10240x128xf32, #tpu.memory_space<vmem_shared>> -> memref<128x128xf32, #tpu.memory_space<vmem_shared>>
    %dma_wait3A_63 = arith.constant 0 : i32
    %dma_wait3A_64 = tpu.memref_slice %arg10[%add3A_39, %dma_wait3A_63] : memref<10240x128xf32, #tpu.memory_space<vmem_shared>> -> memref<128x128xf32, #tpu.memory_space<vmem_shared>>
    tpu.wait_dma2 semaphore(%arg11 : memref<!tpu.dma_semaphore, #tpu.memory_space<semaphore_mem>>) src(%arg8 : memref<128x128xf32, #tpu.memory_space<vmem>>) dst(%dma_wait3A_64 : memref<128x128xf32, #tpu.memory_space<vmem_shared>>)
    %barrier3A = arith.constant 0 : index
    tpu.barrier barrier_id(%barrier3A)
    %scan3A_65 = arith.constant 0 : i32
    %scan3A_66 = arith.constant 20 : i32
    %scan3A_67 = arith.addi %scan3A_65, %scan3A_66 : i32
    %scan3A_68 = arith.constant 1 : i32
    scf.for %scan3A_87 = %scan3A_65 to %scan3A_67 step %scan3A_68  : i32 {
      %mul3A_88 = arith.constant 2 : i32
      %mul3A_89 = arith.muli %scan3A_87, %mul3A_88 : i32
      %add3A_90 = arith.constant 0 : i32
      %add3A_91 = arith.addi %add3A_90, %mul3A_89 : i32
      %add3A_92 = arith.constant 0 : i32
      %add3A_93 = arith.addi %add3A_91, %add3A_92 : i32
      %dma_start3A_94 = arith.constant 0 : i32
      %dma_start3A_95 = tpu.memref_slice %arg6[%add3A_93, %dma_start3A_94] : memref<40x128xi32, #tpu.memory_space<vmem>> -> memref<1x128xi32, #tpu.memory_space<vmem>>
      %dma_start3A_96 = tpu.memref_squeeze %dma_start3A_95 : memref<1x128xi32, #tpu.memory_space<vmem>> -> memref<128xi32, #tpu.memory_space<vmem>>
      %dma_start3A_97 = arith.constant 0 : i32
      %dma_start3A_98 = arith.constant 0 : i32
      %dma_start3A_99 = tpu.memref_slice %arg2[%dma_start3A_97, %dma_start3A_98] : memref<10000x128xf32, #tpu.memory_space<hbm>> -> memref<10000x128xf32, #tpu.memory_space<hbm>>
      tpu.enqueue_indirect_dma source(%dma_start3A_99 : memref<10000x128xf32, #tpu.memory_space<hbm>>) target(%arg8 : memref<128x128xf32, #tpu.memory_space<vmem>>) offsets(%dma_start3A_96 : memref<128xi32, #tpu.memory_space<vmem>>) semaphore(%arg11 : memref<!tpu.dma_semaphore, #tpu.memory_space<semaphore_mem>>)
      %add3A_100 = arith.constant 1 : i32
      %add3A_101 = arith.addi %add3A_91, %add3A_100 : i32
      %dma_start3A_102 = arith.constant 0 : i32
      %dma_start3A_103 = tpu.memref_slice %arg6[%add3A_101, %dma_start3A_102] : memref<40x128xi32, #tpu.memory_space<vmem>> -> memref<1x128xi32, #tpu.memory_space<vmem>>
      %dma_start3A_104 = tpu.memref_squeeze %dma_start3A_103 : memref<1x128xi32, #tpu.memory_space<vmem>> -> memref<128xi32, #tpu.memory_space<vmem>>
      %dma_start3A_105 = arith.constant 0 : i32
      %dma_start3A_106 = arith.constant 0 : i32
      %dma_start3A_107 = tpu.memref_slice %arg2[%dma_start3A_105, %dma_start3A_106] : memref<10000x128xf32, #tpu.memory_space<hbm>> -> memref<10000x128xf32, #tpu.memory_space<hbm>>
      tpu.enqueue_indirect_dma source(%dma_start3A_107 : memref<10000x128xf32, #tpu.memory_space<hbm>>) target(%arg9 : memref<128x128xf32, #tpu.memory_space<vmem>>) offsets(%dma_start3A_104 : memref<128xi32, #tpu.memory_space<vmem>>) semaphore(%arg12 : memref<!tpu.dma_semaphore, #tpu.memory_space<semaphore_mem>>)
      %dma_wait3A_108 = arith.constant 0 : i32
      %dma_wait3A_109 = tpu.memref_slice %arg6[%add3A_93, %dma_wait3A_108] : memref<40x128xi32, #tpu.memory_space<vmem>> -> memref<1x128xi32, #tpu.memory_space<vmem>>
      %dma_wait3A_110 = tpu.memref_squeeze %dma_wait3A_109 : memref<1x128xi32, #tpu.memory_space<vmem>> -> memref<128xi32, #tpu.memory_space<vmem>>
      %dma_wait3A_111 = arith.constant 0 : i32
      %dma_wait3A_112 = arith.constant 0 : i32
      %dma_wait3A_113 = tpu.memref_slice %arg2[%dma_wait3A_111, %dma_wait3A_112] : memref<10000x128xf32, #tpu.memory_space<hbm>> -> memref<10000x128xf32, #tpu.memory_space<hbm>>
      tpu.wait_indirect_dma semaphore(%arg11 : memref<!tpu.dma_semaphore, #tpu.memory_space<semaphore_mem>>) src(%dma_wait3A_113 : memref<10000x128xf32, #tpu.memory_space<hbm>>) dst(%arg8 : memref<128x128xf32, #tpu.memory_space<vmem>>)
      %add3A_114 = arith.constant 0 : i32
      %add3A_115 = arith.addi %add3A_91, %add3A_114 : i32
      %dma_start3A_116 = arith.constant 0 : i32
      %dma_start3A_117 = tpu.memref_slice %arg7[%add3A_115, %dma_start3A_116] : memref<40x128xi32, #tpu.memory_space<vmem>> -> memref<1x128xi32, #tpu.memory_space<vmem>>
      %dma_start3A_118 = tpu.memref_squeeze %dma_start3A_117 : memref<1x128xi32, #tpu.memory_space<vmem>> -> memref<128xi32, #tpu.memory_space<vmem>>
      %dma_start3A_119 = arith.constant 0 : i32
      %dma_start3A_120 = arith.constant 0 : i32
      %dma_start3A_121 = tpu.memref_slice %arg10[%dma_start3A_119, %dma_start3A_120] : memref<10240x128xf32, #tpu.memory_space<vmem_shared>> -> memref<10240x128xf32, #tpu.memory_space<vmem_shared>>
      tpu.enqueue_indirect_dma source(%arg8 : memref<128x128xf32, #tpu.memory_space<vmem>>) target(%dma_start3A_121 : memref<10240x128xf32, #tpu.memory_space<vmem_shared>>) offsets(%dma_start3A_118 : memref<128xi32, #tpu.memory_space<vmem>>) semaphore(%arg13 : memref<!tpu.dma_semaphore, #tpu.memory_space<semaphore_mem>>) {add = true}
      %dma_wait3A_122 = arith.constant 0 : i32
      %dma_wait3A_123 = tpu.memref_slice %arg6[%add3A_101, %dma_wait3A_122] : memref<40x128xi32, #tpu.memory_space<vmem>> -> memref<1x128xi32, #tpu.memory_space<vmem>>
      %dma_wait3A_124 = tpu.memref_squeeze %dma_wait3A_123 : memref<1x128xi32, #tpu.memory_space<vmem>> -> memref<128xi32, #tpu.memory_space<vmem>>
      %dma_wait3A_125 = arith.constant 0 : i32
      %dma_wait3A_126 = arith.constant 0 : i32
      %dma_wait3A_127 = tpu.memref_slice %arg2[%dma_wait3A_125, %dma_wait3A_126] : memref<10000x128xf32, #tpu.memory_space<hbm>> -> memref<10000x128xf32, #tpu.memory_space<hbm>>
      tpu.wait_indirect_dma semaphore(%arg12 : memref<!tpu.dma_semaphore, #tpu.memory_space<semaphore_mem>>) src(%dma_wait3A_127 : memref<10000x128xf32, #tpu.memory_space<hbm>>) dst(%arg9 : memref<128x128xf32, #tpu.memory_space<vmem>>)
      %add3A_128 = arith.constant 1 : i32
      %add3A_129 = arith.addi %add3A_91, %add3A_128 : i32
      %dma_start3A_130 = arith.constant 0 : i32
      %dma_start3A_131 = tpu.memref_slice %arg7[%add3A_129, %dma_start3A_130] : memref<40x128xi32, #tpu.memory_space<vmem>> -> memref<1x128xi32, #tpu.memory_space<vmem>>
      %dma_start3A_132 = tpu.memref_squeeze %dma_start3A_131 : memref<1x128xi32, #tpu.memory_space<vmem>> -> memref<128xi32, #tpu.memory_space<vmem>>
      %dma_start3A_133 = arith.constant 0 : i32
      %dma_start3A_134 = arith.constant 0 : i32
      %dma_start3A_135 = tpu.memref_slice %arg10[%dma_start3A_133, %dma_start3A_134] : memref<10240x128xf32, #tpu.memory_space<vmem_shared>> -> memref<10240x128xf32, #tpu.memory_space<vmem_shared>>
      tpu.enqueue_indirect_dma source(%arg9 : memref<128x128xf32, #tpu.memory_space<vmem>>) target(%dma_start3A_135 : memref<10240x128xf32, #tpu.memory_space<vmem_shared>>) offsets(%dma_start3A_132 : memref<128xi32, #tpu.memory_space<vmem>>) semaphore(%arg14 : memref<!tpu.dma_semaphore, #tpu.memory_space<semaphore_mem>>) {add = true}
      %dma_wait3A_136 = arith.constant 0 : i32
      %dma_wait3A_137 = tpu.memref_slice %arg7[%add3A_115, %dma_wait3A_136] : memref<40x128xi32, #tpu.memory_space<vmem>> -> memref<1x128xi32, #tpu.memory_space<vmem>>
      %dma_wait3A_138 = tpu.memref_squeeze %dma_wait3A_137 : memref<1x128xi32, #tpu.memory_space<vmem>> -> memref<128xi32, #tpu.memory_space<vmem>>
      %dma_wait3A_139 = arith.constant 0 : i32
      %dma_wait3A_140 = arith.constant 0 : i32
      %dma_wait3A_141 = tpu.memref_slice %arg10[%dma_wait3A_139, %dma_wait3A_140] : memref<10240x128xf32, #tpu.memory_space<vmem_shared>> -> memref<10240x128xf32, #tpu.memory_space<vmem_shared>>
      tpu.wait_indirect_dma semaphore(%arg13 : memref<!tpu.dma_semaphore, #tpu.memory_space<semaphore_mem>>) src(%arg8 : memref<128x128xf32, #tpu.memory_space<vmem>>) dst(%dma_wait3A_141 : memref<10240x128xf32, #tpu.memory_space<vmem_shared>>)
      %dma_wait3A_142 = arith.constant 0 : i32
      %dma_wait3A_143 = tpu.memref_slice %arg7[%add3A_129, %dma_wait3A_142] : memref<40x128xi32, #tpu.memory_space<vmem>> -> memref<1x128xi32, #tpu.memory_space<vmem>>
      %dma_wait3A_144 = tpu.memref_squeeze %dma_wait3A_143 : memref<1x128xi32, #tpu.memory_space<vmem>> -> memref<128xi32, #tpu.memory_space<vmem>>
      %dma_wait3A_145 = arith.constant 0 : i32
      %dma_wait3A_146 = arith.constant 0 : i32
      %dma_wait3A_147 = tpu.memref_slice %arg10[%dma_wait3A_145, %dma_wait3A_146] : memref<10240x128xf32, #tpu.memory_space<vmem_shared>> -> memref<10240x128xf32, #tpu.memory_space<vmem_shared>>
      tpu.wait_indirect_dma semaphore(%arg14 : memref<!tpu.dma_semaphore, #tpu.memory_space<semaphore_mem>>) src(%arg9 : memref<128x128xf32, #tpu.memory_space<vmem>>) dst(%dma_wait3A_147 : memref<10240x128xf32, #tpu.memory_space<vmem_shared>>)
    }
    %scan3A_69 = arith.constant 20 : i32
    %mul3A_70 = arith.constant 80 : i32
    %mul3A_71 = arith.muli %add3A, %mul3A_70 : i32
    %add3A_72 = arith.constant 40 : i32
    %add3A_73 = arith.addi %mul3A_71, %add3A_72 : i32
    "tpu.region"() ({
      %run_scoped3A = tpu.sem_alloc : memref<!tpu.dma_semaphore, #tpu.memory_space<semaphore_mem>>
      %dma_start3A_87 = arith.constant 0 : i32
      %dma_start3A_88 = tpu.memref_slice %arg3[%add3A_73, %dma_start3A_87] : memref<2560x128xi32, #tpu.memory_space<hbm>> -> memref<40x128xi32, #tpu.memory_space<hbm>>
      %dma_start3A_89 = arith.constant 0 : i32
      %dma_start3A_90 = tpu.memref_slice %arg3[%add3A_73, %dma_start3A_89] : memref<2560x128xi32, #tpu.memory_space<hbm>> -> memref<40x128xi32, #tpu.memory_space<hbm>>
      tpu.enqueue_dma source(%dma_start3A_90 : memref<40x128xi32, #tpu.memory_space<hbm>>) target(%arg6 : memref<40x128xi32, #tpu.memory_space<vmem>>) target_semaphore(%run_scoped3A : memref<!tpu.dma_semaphore, #tpu.memory_space<semaphore_mem>>)
      %dma_wait3A_91 = arith.constant 0 : i32
      %dma_wait3A_92 = tpu.memref_slice %arg3[%add3A_73, %dma_wait3A_91] : memref<2560x128xi32, #tpu.memory_space<hbm>> -> memref<40x128xi32, #tpu.memory_space<hbm>>
      %dma_wait3A_93 = arith.constant 0 : i32
      %dma_wait3A_94 = tpu.memref_slice %arg3[%add3A_73, %dma_wait3A_93] : memref<2560x128xi32, #tpu.memory_space<hbm>> -> memref<40x128xi32, #tpu.memory_space<hbm>>
      tpu.wait_dma2 semaphore(%run_scoped3A : memref<!tpu.dma_semaphore, #tpu.memory_space<semaphore_mem>>) src(%dma_wait3A_94 : memref<40x128xi32, #tpu.memory_space<hbm>>) dst(%arg6 : memref<40x128xi32, #tpu.memory_space<vmem>>)
      tpu.yield
    }) : () -> ()
    "tpu.region"() ({
      %run_scoped3A = tpu.sem_alloc : memref<!tpu.dma_semaphore, #tpu.memory_space<semaphore_mem>>
      %dma_start3A_87 = arith.constant 0 : i32
      %dma_start3A_88 = tpu.memref_slice %arg4[%add3A_73, %dma_start3A_87] : memref<2560x128xi32, #tpu.memory_space<hbm>> -> memref<40x128xi32, #tpu.memory_space<hbm>>
      %dma_start3A_89 = arith.constant 0 : i32
      %dma_start3A_90 = tpu.memref_slice %arg4[%add3A_73, %dma_start3A_89] : memref<2560x128xi32, #tpu.memory_space<hbm>> -> memref<40x128xi32, #tpu.memory_space<hbm>>
      tpu.enqueue_dma source(%dma_start3A_90 : memref<40x128xi32, #tpu.memory_space<hbm>>) target(%arg7 : memref<40x128xi32, #tpu.memory_space<vmem>>) target_semaphore(%run_scoped3A : memref<!tpu.dma_semaphore, #tpu.memory_space<semaphore_mem>>)
      %dma_wait3A_91 = arith.constant 0 : i32
      %dma_wait3A_92 = tpu.memref_slice %arg4[%add3A_73, %dma_wait3A_91] : memref<2560x128xi32, #tpu.memory_space<hbm>> -> memref<40x128xi32, #tpu.memory_space<hbm>>
      %dma_wait3A_93 = arith.constant 0 : i32
      %dma_wait3A_94 = tpu.memref_slice %arg4[%add3A_73, %dma_wait3A_93] : memref<2560x128xi32, #tpu.memory_space<hbm>> -> memref<40x128xi32, #tpu.memory_space<hbm>>
      tpu.wait_dma2 semaphore(%run_scoped3A : memref<!tpu.dma_semaphore, #tpu.memory_space<semaphore_mem>>) src(%dma_wait3A_94 : memref<40x128xi32, #tpu.memory_space<hbm>>) dst(%arg7 : memref<40x128xi32, #tpu.memory_space<vmem>>)
      tpu.yield
    }) : () -> ()
    %scan3A_74 = arith.constant 0 : i32
    %scan3A_75 = arith.constant 20 : i32
    %scan3A_76 = arith.addi %scan3A_74, %scan3A_75 : i32
    %scan3A_77 = arith.constant 1 : i32
    scf.for %scan3A_87 = %scan3A_74 to %scan3A_76 step %scan3A_77  : i32 {
      %mul3A_88 = arith.constant 2 : i32
      %mul3A_89 = arith.muli %scan3A_87, %mul3A_88 : i32
      %add3A_90 = arith.constant 0 : i32
      %add3A_91 = arith.addi %add3A_90, %mul3A_89 : i32
      %add3A_92 = arith.constant 0 : i32
      %add3A_93 = arith.addi %add3A_91, %add3A_92 : i32
      %dma_start3A_94 = arith.constant 0 : i32
      %dma_start3A_95 = tpu.memref_slice %arg6[%add3A_93, %dma_start3A_94] : memref<40x128xi32, #tpu.memory_space<vmem>> -> memref<1x128xi32, #tpu.memory_space<vmem>>
      %dma_start3A_96 = tpu.memref_squeeze %dma_start3A_95 : memref<1x128xi32, #tpu.memory_space<vmem>> -> memref<128xi32, #tpu.memory_space<vmem>>
      %dma_start3A_97 = arith.constant 0 : i32
      %dma_start3A_98 = arith.constant 0 : i32
      %dma_start3A_99 = tpu.memref_slice %arg2[%dma_start3A_97, %dma_start3A_98] : memref<10000x128xf32, #tpu.memory_space<hbm>> -> memref<10000x128xf32, #tpu.memory_space<hbm>>
      tpu.enqueue_indirect_dma source(%dma_start3A_99 : memref<10000x128xf32, #tpu.memory_space<hbm>>) target(%arg8 : memref<128x128xf32, #tpu.memory_space<vmem>>) offsets(%dma_start3A_96 : memref<128xi32, #tpu.memory_space<vmem>>) semaphore(%arg11 : memref<!tpu.dma_semaphore, #tpu.memory_space<semaphore_mem>>)
      %add3A_100 = arith.constant 1 : i32
      %add3A_101 = arith.addi %add3A_91, %add3A_100 : i32
      %dma_start3A_102 = arith.constant 0 : i32
      %dma_start3A_103 = tpu.memref_slice %arg6[%add3A_101, %dma_start3A_102] : memref<40x128xi32, #tpu.memory_space<vmem>> -> memref<1x128xi32, #tpu.memory_space<vmem>>
      %dma_start3A_104 = tpu.memref_squeeze %dma_start3A_103 : memref<1x128xi32, #tpu.memory_space<vmem>> -> memref<128xi32, #tpu.memory_space<vmem>>
      %dma_start3A_105 = arith.constant 0 : i32
      %dma_start3A_106 = arith.constant 0 : i32
      %dma_start3A_107 = tpu.memref_slice %arg2[%dma_start3A_105, %dma_start3A_106] : memref<10000x128xf32, #tpu.memory_space<hbm>> -> memref<10000x128xf32, #tpu.memory_space<hbm>>
      tpu.enqueue_indirect_dma source(%dma_start3A_107 : memref<10000x128xf32, #tpu.memory_space<hbm>>) target(%arg9 : memref<128x128xf32, #tpu.memory_space<vmem>>) offsets(%dma_start3A_104 : memref<128xi32, #tpu.memory_space<vmem>>) semaphore(%arg12 : memref<!tpu.dma_semaphore, #tpu.memory_space<semaphore_mem>>)
      %dma_wait3A_108 = arith.constant 0 : i32
      %dma_wait3A_109 = tpu.memref_slice %arg6[%add3A_93, %dma_wait3A_108] : memref<40x128xi32, #tpu.memory_space<vmem>> -> memref<1x128xi32, #tpu.memory_space<vmem>>
      %dma_wait3A_110 = tpu.memref_squeeze %dma_wait3A_109 : memref<1x128xi32, #tpu.memory_space<vmem>> -> memref<128xi32, #tpu.memory_space<vmem>>
      %dma_wait3A_111 = arith.constant 0 : i32
      %dma_wait3A_112 = arith.constant 0 : i32
      %dma_wait3A_113 = tpu.memref_slice %arg2[%dma_wait3A_111, %dma_wait3A_112] : memref<10000x128xf32, #tpu.memory_space<hbm>> -> memref<10000x128xf32, #tpu.memory_space<hbm>>
      tpu.wait_indirect_dma semaphore(%arg11 : memref<!tpu.dma_semaphore, #tpu.memory_space<semaphore_mem>>) src(%dma_wait3A_113 : memref<10000x128xf32, #tpu.memory_space<hbm>>) dst(%arg8 : memref<128x128xf32, #tpu.memory_space<vmem>>)
      %add3A_114 = arith.constant 0 : i32
      %add3A_115 = arith.addi %add3A_91, %add3A_114 : i32
      %dma_start3A_116 = arith.constant 0 : i32
      %dma_start3A_117 = tpu.memref_slice %arg7[%add3A_115, %dma_start3A_116] : memref<40x128xi32, #tpu.memory_space<vmem>> -> memref<1x128xi32, #tpu.memory_space<vmem>>
      %dma_start3A_118 = tpu.memref_squeeze %dma_start3A_117 : memref<1x128xi32, #tpu.memory_space<vmem>> -> memref<128xi32, #tpu.memory_space<vmem>>
      %dma_start3A_119 = arith.constant 0 : i32
      %dma_start3A_120 = arith.constant 0 : i32
      %dma_start3A_121 = tpu.memref_slice %arg10[%dma_start3A_119, %dma_start3A_120] : memref<10240x128xf32, #tpu.memory_space<vmem_shared>> -> memref<10240x128xf32, #tpu.memory_space<vmem_shared>>
      tpu.enqueue_indirect_dma source(%arg8 : memref<128x128xf32, #tpu.memory_space<vmem>>) target(%dma_start3A_121 : memref<10240x128xf32, #tpu.memory_space<vmem_shared>>) offsets(%dma_start3A_118 : memref<128xi32, #tpu.memory_space<vmem>>) semaphore(%arg13 : memref<!tpu.dma_semaphore, #tpu.memory_space<semaphore_mem>>) {add = true}
      %dma_wait3A_122 = arith.constant 0 : i32
      %dma_wait3A_123 = tpu.memref_slice %arg6[%add3A_101, %dma_wait3A_122] : memref<40x128xi32, #tpu.memory_space<vmem>> -> memref<1x128xi32, #tpu.memory_space<vmem>>
      %dma_wait3A_124 = tpu.memref_squeeze %dma_wait3A_123 : memref<1x128xi32, #tpu.memory_space<vmem>> -> memref<128xi32, #tpu.memory_space<vmem>>
      %dma_wait3A_125 = arith.constant 0 : i32
      %dma_wait3A_126 = arith.constant 0 : i32
      %dma_wait3A_127 = tpu.memref_slice %arg2[%dma_wait3A_125, %dma_wait3A_126] : memref<10000x128xf32, #tpu.memory_space<hbm>> -> memref<10000x128xf32, #tpu.memory_space<hbm>>
      tpu.wait_indirect_dma semaphore(%arg12 : memref<!tpu.dma_semaphore, #tpu.memory_space<semaphore_mem>>) src(%dma_wait3A_127 : memref<10000x128xf32, #tpu.memory_space<hbm>>) dst(%arg9 : memref<128x128xf32, #tpu.memory_space<vmem>>)
      %add3A_128 = arith.constant 1 : i32
      %add3A_129 = arith.addi %add3A_91, %add3A_128 : i32
      %dma_start3A_130 = arith.constant 0 : i32
      %dma_start3A_131 = tpu.memref_slice %arg7[%add3A_129, %dma_start3A_130] : memref<40x128xi32, #tpu.memory_space<vmem>> -> memref<1x128xi32, #tpu.memory_space<vmem>>
      %dma_start3A_132 = tpu.memref_squeeze %dma_start3A_131 : memref<1x128xi32, #tpu.memory_space<vmem>> -> memref<128xi32, #tpu.memory_space<vmem>>
      %dma_start3A_133 = arith.constant 0 : i32
      %dma_start3A_134 = arith.constant 0 : i32
      %dma_start3A_135 = tpu.memref_slice %arg10[%dma_start3A_133, %dma_start3A_134] : memref<10240x128xf32, #tpu.memory_space<vmem_shared>> -> memref<10240x128xf32, #tpu.memory_space<vmem_shared>>
      tpu.enqueue_indirect_dma source(%arg9 : memref<128x128xf32, #tpu.memory_space<vmem>>) target(%dma_start3A_135 : memref<10240x128xf32, #tpu.memory_space<vmem_shared>>) offsets(%dma_start3A_132 : memref<128xi32, #tpu.memory_space<vmem>>) semaphore(%arg14 : memref<!tpu.dma_semaphore, #tpu.memory_space<semaphore_mem>>) {add = true}
      %dma_wait3A_136 = arith.constant 0 : i32
      %dma_wait3A_137 = tpu.memref_slice %arg7[%add3A_115, %dma_wait3A_136] : memref<40x128xi32, #tpu.memory_space<vmem>> -> memref<1x128xi32, #tpu.memory_space<vmem>>
      %dma_wait3A_138 = tpu.memref_squeeze %dma_wait3A_137 : memref<1x128xi32, #tpu.memory_space<vmem>> -> memref<128xi32, #tpu.memory_space<vmem>>
      %dma_wait3A_139 = arith.constant 0 : i32
      %dma_wait3A_140 = arith.constant 0 : i32
      %dma_wait3A_141 = tpu.memref_slice %arg10[%dma_wait3A_139, %dma_wait3A_140] : memref<10240x128xf32, #tpu.memory_space<vmem_shared>> -> memref<10240x128xf32, #tpu.memory_space<vmem_shared>>
      tpu.wait_indirect_dma semaphore(%arg13 : memref<!tpu.dma_semaphore, #tpu.memory_space<semaphore_mem>>) src(%arg8 : memref<128x128xf32, #tpu.memory_space<vmem>>) dst(%dma_wait3A_141 : memref<10240x128xf32, #tpu.memory_space<vmem_shared>>)
      %dma_wait3A_142 = arith.constant 0 : i32
      %dma_wait3A_143 = tpu.memref_slice %arg7[%add3A_129, %dma_wait3A_142] : memref<40x128xi32, #tpu.memory_space<vmem>> -> memref<1x128xi32, #tpu.memory_space<vmem>>
      %dma_wait3A_144 = tpu.memref_squeeze %dma_wait3A_143 : memref<1x128xi32, #tpu.memory_space<vmem>> -> memref<128xi32, #tpu.memory_space<vmem>>
      %dma_wait3A_145 = arith.constant 0 : i32
      %dma_wait3A_146 = arith.constant 0 : i32
      %dma_wait3A_147 = tpu.memref_slice %arg10[%dma_wait3A_145, %dma_wait3A_146] : memref<10240x128xf32, #tpu.memory_space<vmem_shared>> -> memref<10240x128xf32, #tpu.memory_space<vmem_shared>>
      tpu.wait_indirect_dma semaphore(%arg14 : memref<!tpu.dma_semaphore, #tpu.memory_space<semaphore_mem>>) src(%arg9 : memref<128x128xf32, #tpu.memory_space<vmem>>) dst(%dma_wait3A_147 : memref<10240x128xf32, #tpu.memory_space<vmem_shared>>)
    }
    %scan3A_78 = arith.constant 20 : i32
    %barrier3A_79 = arith.constant 0 : index
    tpu.barrier barrier_id(%barrier3A_79)
    %mul3A_80 = arith.constant 640 : i32
    %mul3A_81 = arith.muli %arg1, %mul3A_80 : i32
    %mul3A_82 = arith.constant 10240 : i32
    %mul3A_83 = arith.muli %arg0, %mul3A_82 : i32
    %mul3A_84 = arith.constant 640 : i32
    %mul3A_85 = arith.muli %arg1, %mul3A_84 : i32
    %add3A_86 = arith.addi %mul3A_83, %mul3A_85 : i32
    "tpu.region"() ({
      %run_scoped3A = tpu.sem_alloc : memref<!tpu.dma_semaphore, #tpu.memory_space<semaphore_mem>>
      %dma_start3A_87 = arith.constant 0 : i32
      %dma_start3A_88 = tpu.memref_slice %arg5[%add3A_86, %dma_start3A_87] : memref<20480x128xf32, #tpu.memory_space<hbm>> -> memref<640x128xf32, #tpu.memory_space<hbm>>
      %dma_start3A_89 = arith.constant 0 : i32
      %dma_start3A_90 = tpu.memref_slice %arg10[%mul3A_81, %dma_start3A_89] : memref<10240x128xf32, #tpu.memory_space<vmem_shared>> -> memref<640x128xf32, #tpu.memory_space<vmem_shared>>
      tpu.enqueue_dma source(%dma_start3A_90 : memref<640x128xf32, #tpu.memory_space<vmem_shared>>) target(%dma_start3A_88 : memref<640x128xf32, #tpu.memory_space<hbm>>) target_semaphore(%run_scoped3A : memref<!tpu.dma_semaphore, #tpu.memory_space<semaphore_mem>>)
      %dma_wait3A_91 = arith.constant 0 : i32
      %dma_wait3A_92 = tpu.memref_slice %arg5[%add3A_86, %dma_wait3A_91] : memref<20480x128xf32, #tpu.memory_space<hbm>> -> memref<640x128xf32, #tpu.memory_space<hbm>>
      %dma_wait3A_93 = arith.constant 0 : i32
      %dma_wait3A_94 = tpu.memref_slice %arg10[%mul3A_81, %dma_wait3A_93] : memref<10240x128xf32, #tpu.memory_space<vmem_shared>> -> memref<640x128xf32, #tpu.memory_space<vmem_shared>>
      tpu.wait_dma2 semaphore(%run_scoped3A : memref<!tpu.dma_semaphore, #tpu.memory_space<semaphore_mem>>) src(%dma_wait3A_94 : memref<640x128xf32, #tpu.memory_space<vmem_shared>>) dst(%dma_wait3A_92 : memref<640x128xf32, #tpu.memory_space<hbm>>)
      tpu.yield
    }) : () -> ()
    return
  }
}

module attributes {stable_mosaic.version = 14 : i64} {
  func.func @body(%arg0: memref<80x128xf32, #tpu.memory_space<vmem>>, %arg1: memref<80x128xf32, #tpu.memory_space<vmem>>, %arg2: memref<80x128xf32, #tpu.memory_space<vmem>>) attributes {dimension_semantics = [], scalar_prefetch = 0 : i64, scratch_operands = 0 : i64, tpu.core_type = #tpu.core_type<tc>} {
    %get3A = arith.constant 0 : index
    %get3A_0 = arith.constant 0 : index
    %get3A_1 = vector.load %arg0[%get3A, %get3A_0] : memref<80x128xf32, #tpu.memory_space<vmem>>, vector<80x128xf32>
    %get3A_2 = arith.constant 0 : index
    %get3A_3 = arith.constant 0 : index
    %get3A_4 = vector.load %arg1[%get3A_2, %get3A_3] : memref<80x128xf32, #tpu.memory_space<vmem>>, vector<80x128xf32>
    %add3A = arith.addf %get3A_1, %get3A_4 : vector<80x128xf32>
    %add3A_5 = arith.constant 1.000000e+00 : f32
    %add3A_6 = vector.broadcast %add3A_5 : f32 to vector<80x128xf32>
    %add3A_7 = arith.addf %add3A, %add3A_6 : vector<80x128xf32>
    %rsqrt3A = math.rsqrt %add3A_7 : vector<80x128xf32>
    %swap3A = arith.constant 0 : index
    %swap3A_8 = arith.constant 0 : index
    %swap3A_9 = vector.load %arg2[%swap3A, %swap3A_8] : memref<80x128xf32, #tpu.memory_space<vmem>>, vector<80x128xf32>
    tpu.vector_store %arg2[%swap3A, %swap3A_8], %rsqrt3A {strides = array<i32>} : memref<80x128xf32, #tpu.memory_space<vmem>>, vector<80x128xf32>,
    return
  }
}

module attributes {stable_mosaic.version = 14 : i64} {
  func.func @body(%arg0: i32, %arg1: memref<1000x128xf32, #tpu.memory_space<vmem>>, %arg2: memref<128x128xf32, #tpu.memory_space<vmem>>, %arg3: memref<1000x1xf32, #tpu.memory_space<vmem>>, %arg4: memref<1000x128xf32, #tpu.memory_space<vmem>>) attributes {dimension_semantics = [#tpu.dimension_semantics<arbitrary>], iteration_bounds = array<i64: 10>, scalar_prefetch = 0 : i64, scratch_operands = 0 : i64, tpu.core_type = #tpu.core_type<tc>, window_params = [{transform_indices = @transform_0, window_bounds = array<i64: 1000, 128>}, {pipeline_mode = #tpu.pipeline_mode<synchronous>, transform_indices = @transform_1, window_bounds = array<i64: 128, 128>}, {transform_indices = @transform_2, window_bounds = array<i64: 1000, 1>}, {transform_indices = @transform_3, window_bounds = array<i64: 1000, 128>}]} {
    %get3A = arith.constant 0 : index
    %get3A_0 = arith.constant 0 : index
    %get3A_1 = vector.load %arg1[%get3A, %get3A_0] : memref<1000x128xf32, #tpu.memory_space<vmem>>, vector<1000x128xf32>
    %get3A_2 = arith.constant 0 : index
    %get3A_3 = arith.constant 0 : index
    %get3A_4 = vector.load %arg2[%get3A_2, %get3A_3] : memref<128x128xf32, #tpu.memory_space<vmem>>, vector<128x128xf32>
    %dot_general3A = arith.constant dense<0.000000e+00> : vector<1000x128xf32>
    %dot_general3A_5 = tpu.matmul %get3A_1, %get3A_4, %dot_general3A {dimension_numbers = #tpu.dot_dimension_numbers<[1], [0], [0], [1], [0, 0, 1, 1], [], []>, transpose_lhs_hint = false} : vector<1000x128xf32>, vector<128x128xf32>, vector<1000x128xf32> -> vector<1000x128xf32>
    %get3A_6 = arith.constant 0 : index
    %get3A_7 = arith.constant 0 : index
    %get3A_8 = vector.load %arg3[%get3A_6, %get3A_7] : memref<1000x1xf32, #tpu.memory_space<vmem>>, vector<1000x1xf32>
    %mul3A = vector.broadcast %get3A_8 : vector<1000x1xf32> to vector<1000x128xf32>
    %mul3A_9 = arith.mulf %mul3A, %dot_general3A_5 : vector<1000x128xf32>
    %swap3A = arith.constant 0 : index
    %swap3A_10 = arith.constant 0 : index
    %swap3A_11 = vector.load %arg4[%swap3A, %swap3A_10] : memref<1000x128xf32, #tpu.memory_space<vmem>>, vector<1000x128xf32>
    tpu.vector_store %arg4[%swap3A, %swap3A_10], %mul3A_9 {strides = array<i32>} : memref<1000x128xf32, #tpu.memory_space<vmem>>, vector<1000x128xf32>,
    return
  }
  func.func @transform_0(%arg0: i32) -> (i32, i32) {
    %c0_i32 = arith.constant 0 : i32
    %c0_i32_0 = arith.constant 0 : i32
    return %arg0, %c0_i32 : i32, i32
  }
  func.func @transform_1(%arg0: i32) -> (i32, i32) {
    %c0_i32 = arith.constant 0 : i32
    %c0_i32_0 = arith.constant 0 : i32
    %c0_i32_1 = arith.constant 0 : i32
    return %c0_i32, %c0_i32_0 : i32, i32
  }
  func.func @transform_2(%arg0: i32) -> (i32, i32) {
    %c0_i32 = arith.constant 0 : i32
    %c0_i32_0 = arith.constant 0 : i32
    return %arg0, %c0_i32 : i32, i32
  }
  func.func @transform_3(%arg0: i32) -> (i32, i32) {
    %c0_i32 = arith.constant 0 : i32
    %c0_i32_0 = arith.constant 0 : i32
    return %arg0, %c0_i32 : i32, i32
  }
}

module attributes {stable_mosaic.version = 14 : i64} {
  func.func @body(%arg0: i32, %arg1: memref<1000x128xf32, #tpu.memory_space<vmem>>, %arg2: memref<1000x128xf32, #tpu.memory_space<vmem>>, %arg3: memref<1000x128xf32, #tpu.memory_space<vmem>>, %arg4: memref<1000x1xf32, #tpu.memory_space<vmem>>, %arg5: memref<1x128xf32, #tpu.memory_space<vmem>>, %arg6: memref<128x128xf32, #tpu.memory_space<vmem>>, %arg7: memref<1000x128xf32, #tpu.memory_space<vmem>>) attributes {dimension_semantics = [#tpu.dimension_semantics<arbitrary>], iteration_bounds = array<i64: 10>, scalar_prefetch = 0 : i64, scratch_operands = 0 : i64, tpu.core_type = #tpu.core_type<tc>, window_params = [{transform_indices = @transform_0, window_bounds = array<i64: 1000, 128>}, {transform_indices = @transform_1, window_bounds = array<i64: 1000, 128>}, {transform_indices = @transform_2, window_bounds = array<i64: 1000, 128>}, {transform_indices = @transform_3, window_bounds = array<i64: 1000, 1>}, {pipeline_mode = #tpu.pipeline_mode<synchronous>, transform_indices = @transform_4, window_bounds = array<i64: 1, 128>}, {pipeline_mode = #tpu.pipeline_mode<synchronous>, transform_indices = @transform_5, window_bounds = array<i64: 128, 128>}, {transform_indices = @transform_6, window_bounds = array<i64: 1000, 128>}]} {
    %get3A = arith.constant 0 : index
    %get3A_0 = arith.constant 0 : index
    %get3A_1 = vector.load %arg4[%get3A, %get3A_0] : memref<1000x1xf32, #tpu.memory_space<vmem>>, vector<1000x1xf32>
    %get3A_2 = arith.constant 0 : index
    %get3A_3 = arith.constant 0 : index
    %get3A_4 = vector.load %arg1[%get3A_2, %get3A_3] : memref<1000x128xf32, #tpu.memory_space<vmem>>, vector<1000x128xf32>
    %get3A_5 = arith.constant 0 : index
    %get3A_6 = arith.constant 0 : index
    %get3A_7 = vector.load %arg2[%get3A_5, %get3A_6] : memref<1000x128xf32, #tpu.memory_space<vmem>>, vector<1000x128xf32>
    %add3A = arith.addf %get3A_4, %get3A_7 : vector<1000x128xf32>
    %get3A_8 = arith.constant 0 : index
    %get3A_9 = arith.constant 0 : index
    %get3A_10 = vector.load %arg3[%get3A_8, %get3A_9] : memref<1000x128xf32, #tpu.memory_space<vmem>>, vector<1000x128xf32>
    %add3A_11 = arith.addf %add3A, %get3A_10 : vector<1000x128xf32>
    %mul3A = vector.broadcast %get3A_1 : vector<1000x1xf32> to vector<1000x128xf32>
    %mul3A_12 = arith.mulf %mul3A, %add3A_11 : vector<1000x128xf32>
    %get3A_13 = arith.constant 0 : index
    %get3A_14 = arith.constant 0 : index
    %get3A_15 = vector.load %arg5[%get3A_13, %get3A_14] : memref<1x128xf32, #tpu.memory_space<vmem>>, vector<1x128xf32>
    %add3A_16 = vector.broadcast %get3A_15 : vector<1x128xf32> to vector<1000x128xf32>
    %add3A_17 = arith.addf %mul3A_12, %add3A_16 : vector<1000x128xf32>
    %max3A = arith.constant 0.000000e+00 : f32
    %max3A_18 = vector.broadcast %max3A : f32 to vector<1000x128xf32>
    %max3A_19 = arith.maximumf %add3A_17, %max3A_18 : vector<1000x128xf32>
    %get3A_20 = arith.constant 0 : index
    %get3A_21 = arith.constant 0 : index
    %get3A_22 = vector.load %arg6[%get3A_20, %get3A_21] : memref<128x128xf32, #tpu.memory_space<vmem>>, vector<128x128xf32>
    %dot_general3A = arith.constant dense<0.000000e+00> : vector<1000x128xf32>
    %dot_general3A_23 = tpu.matmul %max3A_19, %get3A_22, %dot_general3A {dimension_numbers = #tpu.dot_dimension_numbers<[1], [0], [0], [1], [0, 0, 1, 1], [], []>, transpose_lhs_hint = false} : vector<1000x128xf32>, vector<128x128xf32>, vector<1000x128xf32> -> vector<1000x128xf32>
    %get3A_24 = arith.constant 0 : index
    %get3A_25 = arith.constant 0 : index
    %get3A_26 = vector.load %arg4[%get3A_24, %get3A_25] : memref<1000x1xf32, #tpu.memory_space<vmem>>, vector<1000x1xf32>
    %mul3A_27 = vector.broadcast %get3A_26 : vector<1000x1xf32> to vector<1000x128xf32>
    %mul3A_28 = arith.mulf %mul3A_27, %dot_general3A_23 : vector<1000x128xf32>
    %swap3A = arith.constant 0 : index
    %swap3A_29 = arith.constant 0 : index
    %swap3A_30 = vector.load %arg7[%swap3A, %swap3A_29] : memref<1000x128xf32, #tpu.memory_space<vmem>>, vector<1000x128xf32>
    tpu.vector_store %arg7[%swap3A, %swap3A_29], %mul3A_28 {strides = array<i32>} : memref<1000x128xf32, #tpu.memory_space<vmem>>, vector<1000x128xf32>,
    return
  }
  func.func @transform_0(%arg0: i32) -> (i32, i32) {
    %c0_i32 = arith.constant 0 : i32
    %c0_i32_0 = arith.constant 0 : i32
    return %arg0, %c0_i32 : i32, i32
  }
  func.func @transform_1(%arg0: i32) -> (i32, i32) {
    %c0_i32 = arith.constant 0 : i32
    %c0_i32_0 = arith.constant 0 : i32
    return %arg0, %c0_i32 : i32, i32
  }
  func.func @transform_2(%arg0: i32) -> (i32, i32) {
    %c0_i32 = arith.constant 0 : i32
    %c0_i32_0 = arith.constant 0 : i32
    return %arg0, %c0_i32 : i32, i32
  }
  func.func @transform_3(%arg0: i32) -> (i32, i32) {
    %c0_i32 = arith.constant 0 : i32
    %c0_i32_0 = arith.constant 0 : i32
    return %arg0, %c0_i32 : i32, i32
  }
  func.func @transform_4(%arg0: i32) -> (i32, i32) {
    %c0_i32 = arith.constant 0 : i32
    %c0_i32_0 = arith.constant 0 : i32
    %c0_i32_1 = arith.constant 0 : i32
    return %c0_i32, %c0_i32_0 : i32, i32
  }
  func.func @transform_5(%arg0: i32) -> (i32, i32) {
    %c0_i32 = arith.constant 0 : i32
    %c0_i32_0 = arith.constant 0 : i32
    %c0_i32_1 = arith.constant 0 : i32
    return %c0_i32, %c0_i32_0 : i32, i32
  }
  func.func @transform_6(%arg0: i32) -> (i32, i32) {
    %c0_i32 = arith.constant 0 : i32
    %c0_i32_0 = arith.constant 0 : i32
    return %arg0, %c0_i32 : i32, i32
  }
}

module attributes {stable_mosaic.version = 14 : i64} {
  func.func @body(%arg0: i32, %arg1: memref<1000x128xf32, #tpu.memory_space<vmem>>, %arg2: memref<1000x128xf32, #tpu.memory_space<vmem>>, %arg3: memref<1000x128xf32, #tpu.memory_space<vmem>>, %arg4: memref<1000x1xf32, #tpu.memory_space<vmem>>, %arg5: memref<1x128xf32, #tpu.memory_space<vmem>>, %arg6: memref<1x1x1000xi32, #tpu.memory_space<vmem>>, %arg7: memref<128x40xf32, #tpu.memory_space<vmem>>, %arg8: memref<1x40xf32, #tpu.memory_space<vmem>>, %arg9: memref<64x40xf32, #tpu.memory_space<vmem>>, %arg10: memref<64x128xf32, #tpu.memory_space<vmem>>, %arg11: memref<64x128xf32, #tpu.memory_space<vmem>>) attributes {dimension_semantics = [#tpu.dimension_semantics<arbitrary>], iteration_bounds = array<i64: 10>, scalar_prefetch = 0 : i64, scratch_operands = 2 : i64, tpu.core_type = #tpu.core_type<tc>, window_params = [{transform_indices = @transform_0, window_bounds = array<i64: 1000, 128>}, {transform_indices = @transform_1, window_bounds = array<i64: 1000, 128>}, {transform_indices = @transform_2, window_bounds = array<i64: 1000, 128>}, {transform_indices = @transform_3, window_bounds = array<i64: 1000, 1>}, {pipeline_mode = #tpu.pipeline_mode<synchronous>, transform_indices = @transform_4, window_bounds = array<i64: 1, 128>}, {transform_indices = @transform_5, window_bounds = array<i64: 1, 1, 1000>}, {pipeline_mode = #tpu.pipeline_mode<synchronous>, transform_indices = @transform_6, window_bounds = array<i64: 128, 40>}, {pipeline_mode = #tpu.pipeline_mode<synchronous>, transform_indices = @transform_7, window_bounds = array<i64: 1, 40>}, {pipeline_mode = #tpu.pipeline_mode<synchronous>, transform_indices = @transform_8, window_bounds = array<i64: 64, 40>}]} {
    %eq3A = arith.constant 0 : i32
    %eq3A_0 = arith.cmpi eq, %arg0, %eq3A : i32
    %convert_element_type3A = arith.extui %eq3A_0 : i1 to i32
    %cond3A = arith.constant 0 : i32
    %cond3A_1 = arith.cmpi ne, %convert_element_type3A, %cond3A : i32
    scf.if %cond3A_1 {
      %broadcast_in_dim3A_52 = arith.constant 0.000000e+00 : f32
      %broadcast_in_dim3A_53 = vector.broadcast %broadcast_in_dim3A_52 : f32 to vector<64x128xf32>
      %swap3A_54 = arith.constant 0 : index
      %swap3A_55 = arith.constant 0 : index
      %swap3A_56 = vector.load %arg10[%swap3A_54, %swap3A_55] : memref<64x128xf32, #tpu.memory_space<vmem>>, vector<64x128xf32>
      tpu.vector_store %arg10[%swap3A_54, %swap3A_55], %broadcast_in_dim3A_53 {strides = array<i32>} : memref<64x128xf32, #tpu.memory_space<vmem>>, vector<64x128xf32>,
      %broadcast_in_dim3A_57 = arith.constant 0.000000e+00 : f32
      %broadcast_in_dim3A_58 = vector.broadcast %broadcast_in_dim3A_57 : f32 to vector<64x128xf32>
      %swap3A_59 = arith.constant 0 : index
      %swap3A_60 = arith.constant 0 : index
      %swap3A_61 = vector.load %arg11[%swap3A_59, %swap3A_60] : memref<64x128xf32, #tpu.memory_space<vmem>>, vector<64x128xf32>
      tpu.vector_store %arg11[%swap3A_59, %swap3A_60], %broadcast_in_dim3A_58 {strides = array<i32>} : memref<64x128xf32, #tpu.memory_space<vmem>>, vector<64x128xf32>,
    } else {
    }
    %get3A = arith.constant 0 : index
    %get3A_2 = arith.constant 0 : index
    %get3A_3 = vector.load %arg4[%get3A, %get3A_2] : memref<1000x1xf32, #tpu.memory_space<vmem>>, vector<1000x1xf32>
    %get3A_4 = arith.constant 0 : index
    %get3A_5 = arith.constant 0 : index
    %get3A_6 = vector.load %arg1[%get3A_4, %get3A_5] : memref<1000x128xf32, #tpu.memory_space<vmem>>, vector<1000x128xf32>
    %get3A_7 = arith.constant 0 : index
    %get3A_8 = arith.constant 0 : index
    %get3A_9 = vector.load %arg2[%get3A_7, %get3A_8] : memref<1000x128xf32, #tpu.memory_space<vmem>>, vector<1000x128xf32>
    %add3A = arith.addf %get3A_6, %get3A_9 : vector<1000x128xf32>
    %get3A_10 = arith.constant 0 : index
    %get3A_11 = arith.constant 0 : index
    %get3A_12 = vector.load %arg3[%get3A_10, %get3A_11] : memref<1000x128xf32, #tpu.memory_space<vmem>>, vector<1000x128xf32>
    %add3A_13 = arith.addf %add3A, %get3A_12 : vector<1000x128xf32>
    %mul3A = vector.broadcast %get3A_3 : vector<1000x1xf32> to vector<1000x128xf32>
    %mul3A_14 = arith.mulf %mul3A, %add3A_13 : vector<1000x128xf32>
    %get3A_15 = arith.constant 0 : index
    %get3A_16 = arith.constant 0 : index
    %get3A_17 = vector.load %arg5[%get3A_15, %get3A_16] : memref<1x128xf32, #tpu.memory_space<vmem>>, vector<1x128xf32>
    %add3A_18 = vector.broadcast %get3A_17 : vector<1x128xf32> to vector<1000x128xf32>
    %add3A_19 = arith.addf %mul3A_14, %add3A_18 : vector<1000x128xf32>
    %get3A_20 = arith.constant 0 : index
    %get3A_21 = arith.constant 0 : index
    %get3A_22 = arith.constant 0 : index
    %get3A_23 = vector.load %arg6[%get3A_20, %get3A_21, %get3A_22] : memref<1x1x1000xi32, #tpu.memory_space<vmem>>, vector<1x1x1000xi32>
    %get3A_24 = vector.shape_cast %get3A_23 : vector<1x1x1000xi32> to vector<1x1000xi32>
    %iota3A = tpu.iota {dimensions = array<i32: 0>} : vector<64x1000xi32>
    %eq3A_25 = vector.broadcast %get3A_24 : vector<1x1000xi32> to vector<64x1000xi32>
    %eq3A_26 = arith.cmpi eq, %eq3A_25, %iota3A : vector<64x1000xi32>
    %jit3A = arith.constant 1.000000e+00 : f32
    %jit3A_27 = arith.constant 0.000000e+00 : f32
    %broadcast_in_dim3A = vector.broadcast %jit3A : f32 to vector<64x1000xf32>
    %broadcast_in_dim3A_28 = vector.broadcast %jit3A_27 : f32 to vector<64x1000xf32>
    %select_n3A = arith.select %eq3A_26, %broadcast_in_dim3A, %broadcast_in_dim3A_28 : vector<64x1000xi1>, vector<64x1000xf32>
    %get3A_29 = arith.constant 0 : index
    %get3A_30 = arith.constant 0 : index
    %get3A_31 = vector.load %arg10[%get3A_29, %get3A_30] : memref<64x128xf32, #tpu.memory_space<vmem>>, vector<64x128xf32>
    %dot_general3A = arith.constant dense<0.000000e+00> : vector<64x128xf32>
    %dot_general3A_32 = tpu.matmul %select_n3A, %add3A_19, %dot_general3A {dimension_numbers = #tpu.dot_dimension_numbers<[1], [0], [0], [1], [0, 0, 1, 1], [], []>, transpose_lhs_hint = false} : vector<64x1000xf32>, vector<1000x128xf32>, vector<64x128xf32> -> vector<64x128xf32>
    %add3A_33 = arith.addf %get3A_31, %dot_general3A_32 : vector<64x128xf32>
    %swap3A = arith.constant 0 : index
    %swap3A_34 = arith.constant 0 : index
    %swap3A_35 = vector.load %arg10[%swap3A, %swap3A_34] : memref<64x128xf32, #tpu.memory_space<vmem>>, vector<64x128xf32>
    tpu.vector_store %arg10[%swap3A, %swap3A_34], %add3A_33 {strides = array<i32>} : memref<64x128xf32, #tpu.memory_space<vmem>>, vector<64x128xf32>,
    %get3A_36 = arith.constant 0 : index
    %get3A_37 = arith.constant 0 : index
    %get3A_38 = vector.load %arg11[%get3A_36, %get3A_37] : memref<64x128xf32, #tpu.memory_space<vmem>>, vector<64x128xf32>
    %reduce_sum3A = arith.constant dense<0.000000e+00> : vector<64xf32>
    %reduce_sum3A_39 = vector.multi_reduction <add>, %select_n3A, %reduce_sum3A [1] : vector<64x1000xf32> to vector<64xf32>
    %broadcast_in_dim3A_40 = vector.shape_cast %reduce_sum3A_39 : vector<64xf32> to vector<64x1xf32>
    %broadcast_in_dim3A_41 = vector.shape_cast %broadcast_in_dim3A_40 : vector<64x1xf32> to vector<64x1xf32>
    %broadcast_in_dim3A_42 = vector.broadcast %broadcast_in_dim3A_41 : vector<64x1xf32> to vector<64x128xf32>
    %add3A_43 = arith.addf %get3A_38, %broadcast_in_dim3A_42 : vector<64x128xf32>
    %swap3A_44 = arith.constant 0 : index
    %swap3A_45 = arith.constant 0 : index
    %swap3A_46 = vector.load %arg11[%swap3A_44, %swap3A_45] : memref<64x128xf32, #tpu.memory_space<vmem>>, vector<64x128xf32>
    tpu.vector_store %arg11[%swap3A_44, %swap3A_45], %add3A_43 {strides = array<i32>} : memref<64x128xf32, #tpu.memory_space<vmem>>, vector<64x128xf32>,
    %eq3A_47 = arith.constant 9 : i32
    %eq3A_48 = arith.cmpi eq, %arg0, %eq3A_47 : i32
    %convert_element_type3A_49 = arith.extui %eq3A_48 : i1 to i32
    %cond3A_50 = arith.constant 0 : i32
    %cond3A_51 = arith.cmpi ne, %convert_element_type3A_49, %cond3A_50 : i32
    scf.if %cond3A_51 {
      %get3A_52 = arith.constant 0 : index
      %get3A_53 = arith.constant 0 : index
      %get3A_54 = vector.load %arg10[%get3A_52, %get3A_53] : memref<64x128xf32, #tpu.memory_space<vmem>>, vector<64x128xf32>
      %get3A_55 = arith.constant 0 : index
      %get3A_56 = arith.constant 0 : index
      %get3A_57 = vector.load %arg11[%get3A_55, %get3A_56] : memref<64x128xf32, #tpu.memory_space<vmem>>, vector<64x128xf32>
      %max3A = arith.constant 1.000000e+00 : f32
      %max3A_58 = vector.broadcast %max3A : f32 to vector<64x128xf32>
      %max3A_59 = arith.maximumf %get3A_57, %max3A_58 : vector<64x128xf32>
      %div3A = arith.divf %get3A_54, %max3A_59 : vector<64x128xf32>
      %get3A_60 = arith.constant 0 : index
      %get3A_61 = arith.constant 0 : index
      %get3A_62 = vector.load %arg7[%get3A_60, %get3A_61] : memref<128x40xf32, #tpu.memory_space<vmem>>, vector<128x40xf32>
      %dot_general3A_63 = arith.constant dense<0.000000e+00> : vector<64x40xf32>
      %dot_general3A_64 = tpu.matmul %div3A, %get3A_62, %dot_general3A_63 {dimension_numbers = #tpu.dot_dimension_numbers<[1], [0], [0], [1], [0, 0, 1, 1], [], []>, transpose_lhs_hint = false} : vector<64x128xf32>, vector<128x40xf32>, vector<64x40xf32> -> vector<64x40xf32>
      %get3A_65 = arith.constant 0 : index
      %get3A_66 = arith.constant 0 : index
      %get3A_67 = vector.load %arg8[%get3A_65, %get3A_66] : memref<1x40xf32, #tpu.memory_space<vmem>>, vector<1x40xf32>
      %add3A_68 = vector.broadcast %get3A_67 : vector<1x40xf32> to vector<64x40xf32>
      %add3A_69 = arith.addf %dot_general3A_64, %add3A_68 : vector<64x40xf32>
      %reduce_max3A = arith.constant dense<0xFF800000> : vector<64xf32>
      %reduce_max3A_70 = vector.multi_reduction <maximumf>, %add3A_69, %reduce_max3A [1] : vector<64x40xf32> to vector<64xf32>
      %broadcast_in_dim3A_71 = vector.shape_cast %reduce_max3A_70 : vector<64xf32> to vector<64x1xf32>
      %sub3A = vector.broadcast %broadcast_in_dim3A_71 : vector<64x1xf32> to vector<64x40xf32>
      %sub3A_72 = arith.subf %add3A_69, %sub3A : vector<64x40xf32>
      %exp3A = math.exp %sub3A_72 : vector<64x40xf32>
      %reduce_sum3A_73 = arith.constant dense<0.000000e+00> : vector<64xf32>
      %reduce_sum3A_74 = vector.multi_reduction <add>, %exp3A, %reduce_sum3A_73 [1] : vector<64x40xf32> to vector<64xf32>
      %broadcast_in_dim3A_75 = vector.shape_cast %reduce_sum3A_74 : vector<64xf32> to vector<64x1xf32>
      %log3A = math.log %broadcast_in_dim3A_75 : vector<64x1xf32>
      %sub3A_76 = vector.broadcast %log3A : vector<64x1xf32> to vector<64x40xf32>
      %sub3A_77 = arith.subf %sub3A_72, %sub3A_76 : vector<64x40xf32>
      %swap3A_78 = arith.constant 0 : index
      %swap3A_79 = arith.constant 0 : index
      %swap3A_80 = vector.load %arg9[%swap3A_78, %swap3A_79] : memref<64x40xf32, #tpu.memory_space<vmem>>, vector<64x40xf32>
      tpu.vector_store %arg9[%swap3A_78, %swap3A_79], %sub3A_77 {strides = array<i32>} : memref<64x40xf32, #tpu.memory_space<vmem>>, vector<64x40xf32>,
    } else {
    }
    return
  }
  func.func @transform_0(%arg0: i32) -> (i32, i32) {
    %c0_i32 = arith.constant 0 : i32
    %c0_i32_0 = arith.constant 0 : i32
    return %arg0, %c0_i32 : i32, i32
  }
  func.func @transform_1(%arg0: i32) -> (i32, i32) {
    %c0_i32 = arith.constant 0 : i32
    %c0_i32_0 = arith.constant 0 : i32
    return %arg0, %c0_i32 : i32, i32
  }
  func.func @transform_2(%arg0: i32) -> (i32, i32) {
    %c0_i32 = arith.constant 0 : i32
    %c0_i32_0 = arith.constant 0 : i32
    return %arg0, %c0_i32 : i32, i32
  }
  func.func @transform_3(%arg0: i32) -> (i32, i32) {
    %c0_i32 = arith.constant 0 : i32
    %c0_i32_0 = arith.constant 0 : i32
    return %arg0, %c0_i32 : i32, i32
  }
  func.func @transform_4(%arg0: i32) -> (i32, i32) {
    %c0_i32 = arith.constant 0 : i32
    %c0_i32_0 = arith.constant 0 : i32
    %c0_i32_1 = arith.constant 0 : i32
    return %c0_i32, %c0_i32_0 : i32, i32
  }
  func.func @transform_5(%arg0: i32) -> (i32, i32, i32) {
    %c0_i32 = arith.constant 0 : i32
    %c0_i32_0 = arith.constant 0 : i32
    %c0_i32_1 = arith.constant 0 : i32
    return %arg0, %c0_i32, %c0_i32_0 : i32, i32, i32
  }
  func.func @transform_6(%arg0: i32) -> (i32, i32) {
    %c0_i32 = arith.constant 0 : i32
    %c0_i32_0 = arith.constant 0 : i32
    %c0_i32_1 = arith.constant 0 : i32
    return %c0_i32, %c0_i32_0 : i32, i32
  }
  func.func @transform_7(%arg0: i32) -> (i32, i32) {
    %c0_i32 = arith.constant 0 : i32
    %c0_i32_0 = arith.constant 0 : i32
    %c0_i32_1 = arith.constant 0 : i32
    return %c0_i32, %c0_i32_0 : i32, i32
  }
  func.func @transform_8(%arg0: i32) -> (i32, i32) {
    %c0_i32 = arith.constant 0 : i32
    %c0_i32_0 = arith.constant 0 : i32
    %c0_i32_1 = arith.constant 0 : i32
    return %c0_i32, %c0_i32_0 : i32, i32
  }
}

</mosaic_0001>

<sc_bundles>
// kernel: kernel.11.cloned.1.call-start
scs
__scs_entry_jumppad:
0x0: {  	(pc) =	sbr.rel $0x88, $3  }
0x1: {  	(tag) =	ssettag $0x0;
	lr =	simm.s32 $0x1  }
0x2: {  	[smem:$0x3F96] =	sst lr;
	_ =	strace $0xD0000000  }
0x3: {  	_ = 	snop  }
0x4: {  	_ = 	snop  }
0x5: {  	_ = 	snop  }
0x6: {  	_ = 	snop  }
0x7: {  	_ = 	snop  }
__scs_overlays_trampoline_lowered:
0x8: {  	[smem:$0x3FA5] =	sst s0  }
0x9: {  	[smem:$0x3FA6] =	sst s1  }
0xa: {  	[smem:$0x3FA7] =	sst s2  }
0xb: {  	[smem:$0x3FA8] =	sst s3  }
0xc: {  	[smem:$0x3FA9] =	sst s4  }
0xd: {  	[smem:$0x3FAA] =	sst s5  }
0xe: {  	[smem:$0x3FAB] =	sst s6  }
0xf: {  	[smem:$0x3FAC] =	sst s7  }
0x10: {  	[smem:$0x3FAD] =	sst s8  }
0x11: {  	[smem:$0x3FAE] =	sst s9;
	s0 =	simm.s32 @!p0 $0x0  }
0x12: {  	s1 =	sld [smem:$0x3F94];
	s0 =	simm.s32 @p0 $0x1  }
0x13: {  	[smem:$0x3FAF] =	sst s0;
	s0 =	simm.s32 @!p1 $0x0  }
0x14: {  	s2 =	sld [smem:$0x3F93];
	s0 =	simm.s32 @p1 $0x1  }
0x15: {  	[smem:$0x3FB0] =	sst s0;
	s0 =	simm.s32 @!p2 $0x0  }
0x16: {  	s3 =	sld [smem:$0x3FDB];
	s0 =	simm.s32 @p2 $0x1  }
0x17: {  	s4 =	simm.s32 $0x1BF5;
	[smem:$0x3FB2] =	sst s0  }
0x18: {  	s0 =	sld [smem:$0x3F95];
	_ =	swait.ge [sflag:s4], $0x0  }
0x19: {  	s7 =	sld [smem:$0x3F96]  }
0x1a: {  	s8 =	sadd.s32 $0xFFFFE003, lr  }
0x1b: {  	s9 =	sadd.s32 $0xFFFFFEF7, lr;
	s5 =	simm.s32 $0xFFFFFFFF;
	p2 =	slt.u32 s8, $0xFFFFF086  }
0x1c: {  	p1 =	slt.u32 s9, $0xF7A;
	s5 =	simm.s32 @!p2 $0x0  }
0x1d: {  	s5 =	simm.s32 @p1 $0x1;
	p0 =	seq.s32 s7, s2  }
0x1e: {  	s7 =	smul.u32 @!p0 $0xF7A, s2;
	p2 =	seq.s32 @!p0 s5, $0x0  }
0x1f: {  	s9 =	smul.u32 $0xF7A, s1;
	s8 =	simm.s32 @!p0 $0x1BF5;
	p2 =	por !p2, p0  }
0x20: {  	[sflag:s8] =	ssyncset.s32 @!p0 $0xFFFFF086;
	s6 =	sadd.s32 @!p0 s3, s7;
	s7 =	simm.s32 @!p0 $0x108  }
0x21: {  	s3 =	sadd.s32 s3, s9;
	s6 =	sadd.s32 @!p0 $0x88, s6;
	s7 =	simm.s32 @p2 $0x1082  }
0x22: {  	[simem:s7], [sflag:s8] =	dma.local @!p0 [hbm:s6], $0xF7A  }
0x23: {  	s9 =	sor.u32 $0xD0000000, s2;
	s6 =	simm.s32 $0x108;
	_ =	swait.ge @!p0 [sflag:s8], $0x0  }
0x24: {  	s3 =	sadd.s32 $0x88, s3;
	s6 =	simm.s32 @!p1 $0x1082;
	[sflag:s4] =	ssyncset.s32 $0xFFFFF086  }
0x25: {  	[simem:s6], [sflag:s4] =	dma.local [hbm:s3], $0xF7A  }
0x26: {  	[smem:$0x3F96] =	sst s1;
	(tag) =	ssettag s2;
	_ =	strace s9  }
0x27: {  	s1 =	sld [smem:$0x3FA6]  }
0x28: {  	s2 =	sld [smem:$0x3FA7]  }
0x29: {  	s4 =	sld [smem:$0x3FA9]  }
0x2a: {  	p0 =	seq.s32 s5, $0x0;
	s5 =	sld [smem:$0x3FAA]  }
0x2b: {  	s6 =	sld [smem:$0x3FAB]  }
0x2c: {  	s7 =	sld [smem:$0x3FAC]  }
0x2d: {  	s3 =	simm.s32 $0x108;
	s8 =	sld [smem:$0x3FAD]  }
0x2e: {  	s3 =	simm.s32 @!p0 $0x1082;
	s9 =	sld [smem:$0x3FAE]  }
0x2f: {  	lr =	sadd.s32 s0, s3;
	s0 =	sld [smem:$0x3FA5]  }
0x30: {  	s3 =	sld [smem:$0x3FA8]  }
0x31: {  	[smem:$0x3FB1] =	sst s10  }
0x32: {  	s10 =	sld [smem:$0x3FAF];
	_ =	sdelay $0x3  }
0x33: {  	p0 =	seq.s32 s10, $0x1;
	s10 =	sld [smem:$0x3FB1];
	_ =	sdelay $0x3  }
0x34: {  	[smem:$0x3FB1] =	sst s10  }
0x35: {  	s10 =	sld [smem:$0x3FB0];
	_ =	sdelay $0x3  }
0x36: {  	p1 =	seq.s32 s10, $0x1;
	s10 =	sld [smem:$0x3FB1];
	_ =	sdelay $0x3  }
0x37: {  	[smem:$0x3FB1] =	sst s10  }
0x38: {  	s10 =	sld [smem:$0x3FB2]  }
0x39: {  	_ = 	snop;
	(pc) =	sbr.ind lr, $3  }
0x3a: {  	_ = 	snop  }
0x3b: {  	_ = 	snop  }
0x3c: {  	p2 =	seq.s32 s10, $0x1;
	s10 =	sld [smem:$0x3FB1]  }
0x3d: {  	_ =	shalt  }
0x3e: {  	_ =	shalt  }
0x3f: {  	_ =	shalt  }
0x40: {  	_ =	shalt  }
0x41: {  	_ =	shalt  }
0x42: {  	_ =	shalt  }
0x43: {  	_ =	shalt  }
0x44: {  	_ =	shalt  }
0x45: {  	_ =	shalt  }
0x46: {  	_ =	shalt  }
0x47: {  	_ =	shalt  }
0x48: {  	_ =	shalt  }
0x49: {  	_ =	shalt  }
0x4a: {  	_ =	shalt  }
0x4b: {  	_ =	shalt  }
0x4c: {  	_ =	shalt  }
0x4d: {  	_ =	shalt  }
0x4e: {  	_ =	shalt  }
0x4f: {  	_ =	shalt  }
0x50: {  	_ =	shalt  }
0x51: {  	_ =	shalt  }
0x52: {  	_ =	shalt  }
0x53: {  	_ =	shalt  }
0x54: {  	_ =	shalt  }
0x55: {  	_ =	shalt  }
0x56: {  	_ =	shalt  }
0x57: {  	_ =	shalt  }
0x58: {  	_ =	shalt  }
0x59: {  	_ =	shalt  }
0x5a: {  	_ =	shalt  }
0x5b: {  	_ =	shalt  }
0x5c: {  	_ =	shalt  }
0x5d: {  	_ =	shalt  }
0x5e: {  	_ =	shalt  }
0x5f: {  	_ =	shalt  }
0x60: {  	_ =	shalt  }
0x61: {  	_ =	shalt  }
0x62: {  	_ =	shalt  }
0x63: {  	_ =	shalt  }
0x64: {  	_ =	shalt  }
0x65: {  	_ =	shalt  }
0x66: {  	_ =	shalt  }
0x67: {  	_ =	shalt  }
0x68: {  	_ =	shalt  }
0x69: {  	_ =	shalt  }
0x6a: {  	_ =	shalt  }
0x6b: {  	_ =	shalt  }
0x6c: {  	_ =	shalt  }
0x6d: {  	_ =	shalt  }
0x6e: {  	_ =	shalt  }
0x6f: {  	_ =	shalt  }
0x70: {  	_ =	shalt  }
0x71: {  	_ =	shalt  }
0x72: {  	_ =	shalt  }
0x73: {  	_ =	shalt  }
0x74: {  	_ =	shalt  }
0x75: {  	_ =	shalt  }
0x76: {  	_ =	shalt  }
0x77: {  	_ =	shalt  }
0x78: {  	_ =	shalt  }
0x79: {  	_ =	shalt  }
0x7a: {  	_ =	shalt  }
0x7b: {  	_ =	shalt  }
0x7c: {  	_ =	shalt  }
0x7d: {  	_ =	shalt  }
0x7e: {  	_ =	shalt  }
0x7f: {  	_ =	shalt  }
0x80: {  	_ =	shalt  }
0x81: {  	_ =	shalt  }
0x82: {  	_ =	shalt  }
0x83: {  	_ =	shalt  }
0x84: {  	_ =	shalt  }
0x85: {  	_ =	shalt  }
0x86: {  	_ =	shalt  }
0x87: {  	_ =	shalt  }
.Lfunc_end0:
.L_simem_size_0:
called_computation_lowered:
.L_overlay_start_0:
0x88: {  	s2 =	sld [smem:$0x3FD9]  }
0x89: {  	s3 =	sld [smem:$0x3FFE];
	_ =	sdelay $0x1  }
0x8a: {  	s1 =	srdreg.scid  }
0x8b: {  	s0 =	sand.u32 $0x1, s1  }
0x8c: {  	s16 =	sshll.u32 s0, $0xA;
	s2 =	sadd.s32 s3, s2  }
0x8d: {  	s2 =	sadd.s32 s2, s16  }
0x8e: {  	[smem:$0x3FBD] =	sst s2  }
0x8f: {  	_ = 	snop  }
0x90: {  	(tm) =	ssettm $0x1  }
0x91: {  	s17 =	sld [smem:$0x3FFB];
	_ =	sdelay $0x3  }
0x92: {  	_ =	strace s17  }
0x93: {  	s2 =	sld [smem:$0x3FFC];
	_ =	sdelay $0x3  }
0x94: {  	_ =	strace s2  }
0x95: {  	s2 =	sld [smem:$0x3FFD];
	_ =	sdelay $0x3  }
0x96: {  	_ =	strace s2  }
0x97: {  	_ =	strace $0x8FFFFFFF  }
0x98: {  	s18 =	sld [smem:$0x3FDB];
	_ =	sdelay $0x1  }
0x99: {  	s19 =	simm.s32 $_scs_section_size  }
0x9a: {  	s4 =	simm.s32 $_size__tile_overlayer_lowered;
	s5 =	simm.s32 $_tile_overlayer_lowered  }
0x9b: {  	s22 =	simm.s32 $0x1BFF;
	s21 =	sshll.u32 s5, $0x1;
	s2 =	sadd.s32 s19, s18  }
0x9c: {  	s6 =	simm.s32 $0x0;
	s20 =	sshll.u32 s4, $0x1;
	s4 =	sadd.s32 s21, s2  }
0x9d: {  	[timem:s6], [sflag:s22] =	dma.local [hbm:s4], s20  }
0x9e: {  	_ =	swait.ge [sflag:s22], s20  }
0x9f: {  	s3 =	ssub.s32 $0x0, s20;
	[sflag:s22] =	ssyncset.done $0x0  }
0xa0: {  	[sflag:s22] =	ssyncadd.s32 s3;
	_ =	sdelay $0x1  }
0xa1: {  	s23 =	simm.s32 $0x1B8B  }
0xa2: {  	_ =	swait.ge [sflag:s23], $0x1  }
0xa3: {  	[sflag:s23] =	ssyncset.done $0x0  }
0xa4: {  	s25 =	simm.s32 $0x1B8E;
	s24 =	sld [smem:$0x3FFE];
	[sflag:s23] =	ssyncadd.s32 $0xFFFFFFFF  }
0xa5: {  	s26 =	simm.s32 $execute0_lowered;
	[smem:$0x3FD2] =	sst s25  }
0xa6: {  	s4 =	sshll.u32 s26, $0x1;
	_ =	strace $0x80000046;
	[dreg:$0x1] =	wrdreg $0xFFFFFFFF  }
0xa7: {  	s28 =	simm.s32 $_size_execute0_lowered;
	s2 =	sadd.s32 s2, s4;
	[dreg:$0x0] =	wrdreg $0x0  }
0xa8: {  	s4 =	sshll.u32 s28, $0x1;
	[dreg:$0x2] =	wrdreg s2  }
0xa9: {  	[dreg:$0x3] =	wrdreg s4  }
0xaa: {  	[dreg:$0x4] =	wrdreg $0xC0  }
0xab: {  	_ =	task [dreg:s6], $0x5FFFF  }
0xac: {  	[dreg:$0x1] =	wrdreg $0xFFFFFFFF  }
0xad: {  	[dreg:$0x0] =	wrdreg $0x60  }
0xae: {  	[dreg:$0x2] =	wrdreg s24  }
0xaf: {  	[dreg:$0x3] =	wrdreg $0x2B000  }
0xb0: {  	[dreg:$0x4] =	wrdreg $0x9  }
0xb1: {  	_ =	task.clear_ibuf [dreg:s6], $0x5FFFF;
	_ =	strace $0x90000046  }
0xb2: {  	s29 =	simm.s32 $0x9;
	_ =	strace $0x80000048  }
0xb3: {  	_ =	swait.ge [sflag:s29], $0x1  }
0xb4: {  	[sflag:s29] =	ssyncadd.s32 $0xFFFFFFFF  }
0xb5: {  	_ =	strace $0x90000048  }
0xb6: {  	_ =	sfence  }
0xb7: {  	s30 =	sld [smem:$0x0];
	_ =	sdelay $0x2  }
0xb8: {  	s31 =	sshll.u32 s1, $0xD;
	s1 =	sshrl.u32 s1, $0x2  }
0xb9: {  	s3 =	sand.u32 $0x4000, s31;
	s1 =	sadd.s32 s1, s30  }
0xba: {  	s0 =	sor.u32 s3, s0;
	s1 =	sshll.u32 s1, $0x11  }
0xbb: {  	s0 =	sor.u32 s1, s0  }
0xbc: {  	s0 =	sadd.s32 $0x8F2B, s0  }
0xbd: {  	[sflag:s0] =	ssyncadd.remote.s32 $0x1  }
0xbe: {  	_ =	sfence.sel $0xFFFF  }
0xbf: {  	[dreg:$0x0] =	wrdreg $0xFFFFFFFF;
	(pc) =	sbr.abs _section_cstart, $3  }
0xc0: {  	[dreg:$0x1] =	wrdreg $0xFFFFFFFF  }
0xc1: {  	_ =	task.clear_ibuf [dreg:s6], $0x2FFFF;
	_ =	strace $0x9FFFFFFF  }
0xc2: {  	(tm) =	ssettm $0x7FFFFFFF  }
0xc3: {  	_ =	shalt  }
tec
execute0_lowered:
.L_overlay_start_1:
0x0: {  	(tag) =	ssettag $0x1  }
0x1: {  	s4 =	rddreg [dreg:$0x0]  }
0x2: {  	s2 =	rddreg [dreg:$0x1];
	s3 =	srdreg.scid  }
0x3: {  	s1 =	stileid.u32;
	s0 =	rddreg [dreg:$0x2];
	s10 =	simm.s32 $0x80  }
0x4: {  	s11 =	simm.s32 $0x2800;
	s14 =	simm.s32 $0x0;
	s5 =	sand.u32 $0x1, s3  }
0x5: {  	s6 =	smul.u32 $0x280, s1;
	s3 =	simm.s32 $0x0;
	s7 =	sshll.u32 s1, $0x1  }
0x6: {  	s12 =	sshll.u32 s1, $0x6;
	s8 =	smul.u32 $0x2800, s5;
	[smem:$0x7FF] =	sst s3  }
0x7: {  	s7 =	sor.u32 s5, s7;
	s5 =	ssub.s32 $0x2, s5;
	s12 =	sor.u32 $0x1C01, s12  }
0x8: {  	s7 =	smul.u32 $0x500, s7;
	s9 =	sshrl.u32 s5, $0x1;
	s8 =	sadd.s32 s6, s8  }
0x9: {  	_ =	strace $0x80000047;
	s9 =	ssub.s32 s5, s9;
	s8 =	sshrl.u32 s8, $0x3  }
0xa: {  	s7 =	sadd.s32 s7, s4;
	s8 =	sadd.s32 s8, s4;
	s4 =	sadd.s32 s6, s2  }
0xb: {  	s5 =	sadd.s32 $0x5200, s7;
	s7 =	smax.u32 s9, $0x1;
	s9 =	simm.s32 $0x1  }
0xc: {  	v0 =	vimm.f32 $1.000000000e+00;
	v1 =	vimm.f32 $0.0e+00;
	s6 =	sadd.s32 $0x19200, s8;
	s8 =	simm.s32 $0x2880;
	s13 =	sshrl.u32 s4, $0x3  }
.LBB2_1:
0xd: {  	[tilespmem:$0x2800] =	vst v0  }
0xe: {  	[tilespmem:$0x2810] =	vst v0  }
0xf: {  	[tilespmem:$0x2820] =	vst v0  }
0x10: {  	[tilespmem:$0x2830] =	vst v0  }
0x11: {  	[tilespmem:$0x2840] =	vst v0  }
0x12: {  	[tilespmem:$0x2850] =	vst v0  }
0x13: {  	[tilespmem:$0x2860] =	vst v0  }
0x14: {  	[tilespmem:$0x2870] =	vst v0  }
0x15: {  	[tilespmem:$0x2880] =	vst v1  }
0x16: {  	[tilespmem:$0x2890] =	vst v1  }
0x17: {  	[tilespmem:$0x28A0] =	vst v1  }
0x18: {  	[tilespmem:$0x28B0] =	vst v1  }
0x19: {  	[tilespmem:$0x28C0] =	vst v1  }
0x1a: {  	[tilespmem:$0x28D0] =	vst v1  }
0x1b: {  	[tilespmem:$0x28E0] =	vst v1  }
0x1c: {  	[tilespmem:$0x28F0] =	vst v1  }
0x1d: {  	[tilespmem:$0x2900] =	vst v1  }
0x1e: {  	[tilespmem:$0x2910] =	vst v1  }
0x1f: {  	[tilespmem:$0x2920] =	vst v1  }
0x20: {  	[tilespmem:$0x2930] =	vst v1  }
0x21: {  	[tilespmem:$0x2940] =	vst v1  }
0x22: {  	[tilespmem:$0x2950] =	vst v1  }
0x23: {  	[tilespmem:$0x2960] =	vst v1  }
0x24: {  	[tilespmem:$0x2970] =	vst v1  }
0x25: {  	[tilespmem:$0x2980] =	vst v1  }
0x26: {  	[tilespmem:$0x2990] =	vst v1  }
0x27: {  	[tilespmem:$0x29A0] =	vst v1  }
0x28: {  	[tilespmem:$0x29B0] =	vst v1  }
0x29: {  	[tilespmem:$0x29C0] =	vst v1  }
0x2a: {  	[tilespmem:$0x29D0] =	vst v1  }
0x2b: {  	[tilespmem:$0x29E0] =	vst v1  }
0x2c: {  	[tilespmem:$0x29F0] =	vst v1  }
0x2d: {  	[tilespmem:$0x2A00] =	vst v1  }
0x2e: {  	[tilespmem:$0x2A10] =	vst v1  }
0x2f: {  	[tilespmem:$0x2A20] =	vst v1  }
0x30: {  	[tilespmem:$0x2A30] =	vst v1  }
0x31: {  	[tilespmem:$0x2A40] =	vst v1  }
0x32: {  	[tilespmem:$0x2A50] =	vst v1  }
0x33: {  	[tilespmem:$0x2A60] =	vst v1  }
0x34: {  	[tilespmem:$0x2A70] =	vst v1  }
0x35: {  	[tilespmem:$0x2A80] =	vst v1  }
0x36: {  	[tilespmem:$0x2A90] =	vst v1  }
0x37: {  	[tilespmem:$0x2AA0] =	vst v1  }
0x38: {  	[tilespmem:$0x2AB0] =	vst v1  }
0x39: {  	[tilespmem:$0x2AC0] =	vst v1  }
0x3a: {  	[tilespmem:$0x2AD0] =	vst v1  }
0x3b: {  	[tilespmem:$0x2AE0] =	vst v1  }
0x3c: {  	[tilespmem:$0x2AF0] =	vst v1  }
0x3d: {  	[spmem:s4] =	stream.linear.scatter [tilespmem:s8], [sflag:$0x1], $0x280, $0x38;
	[tilespmem:$0x2D80] =	vst v63  }
0x3e: {  	_ =	swait.ge [sflag:s9], $0x280  }
0x3f: {  	[sflag:s9] =	ssyncset.done $0x0  }
0x40: {  	[sflag:s9] =	ssyncadd.s32 $0xFFFFFD80  }
0x41: {  	[bflag:$0x0] =	sbarrier.arrive $0xFFFF  }
0x42: {  	[tilespmem:s3], [sflag:$0x1] =	stream.linear.gather [hbm4b:s5+s3], $0x2800, $0x38;
	[tilespmem:$0x2D80] =	vst v63  }
0x43: {  	_ =	swait.ge [sflag:s9], $0x2800  }
0x44: {  	[sflag:s9] =	ssyncset.done $0x0  }
0x45: {  	s15 =	simm.s32 $0x0;
	[sflag:s9] =	ssyncadd.s32 $0xFFFFD800  }
0x46: {  	[spmem:s2] =	stream.indirect.scatter.add.f32 [tilespmem:s11], [sflag:$0x1], $0x1, s15, s10, $0xb8;
	[tilespmem:$0x2D80] =	vst v63  }
0x47: {  	_ =	swait.ge [sflag:s9], $0x80  }
0x48: {  	s15 =	simm.s32 $0x200;
	[sflag:s9] =	ssyncset.done $0x0  }
.LBB2_2:
0x49: {  	s16 =	sshra.s32 s15, $0x2;
	[sflag:s9] =	ssyncadd.s32 $0xFFFFFF80;
	p0 =	sne.s32 s15, $0x9E00  }
0x4a: {  	[spmem:s2] =	stream.indirect.scatter.add.f32 [tilespmem:s11], [sflag:$0x1], $0x1, s16, s10, $0xb8;
	[tilespmem:$0x2D80] =	vst v63  }
.Ltmp0:
0x4b: {  	_ = 	snop;
	(pc) =	sbr.rel @p0 .LBB2_2-.Ltmp0, $4  }
0x4c: {  	_ = 	snop  }
0x4d: {  	s15 =	sadd.s32 $0x200, s15  }
0x4e: {  	_ =	swait.ge [sflag:s9], $0x80  }
0x4f: {  	[sflag:s9] =	ssyncset.done $0x0  }
0x50: {  	s14 =	sadd.s32 $0x1, s14  }
0x51: {  	[sflag:s9] =	ssyncadd.s32 $0xFFFFFF80;
	p0 =	sne.s32 s14, s7  }
.Ltmp1:
0x52: {  	[bflag:$0x0] =	sbarrier.arrive $0xFFFF;
	(pc) =	sbr.rel @p0 .LBB2_1-.Ltmp1, $4  }
0x53: {  	[hbm:s6], [sflag:s12] =	dma.local [spmem:s13], $0x50  }
0x54: {  	_ =	swait.ge [sflag:s9], $0x50  }
0x55: {  	[sflag:s9] =	ssyncset.done $0x0  }
0x56: {  	[sflag:s9] =	ssyncadd.s32 $0xFFFFFFB0  }
0x57: {  	_ =	sfence.sel $0x180000  }
0x58: {  	[bflag:$0x0] =	sbarrier.arrive $0xFFFF  }
0x59: {  	p0 =	sne.s32 s1, $0x0;
	_ =	strace $0x90000047  }
0x5a: {  	s0 =	sadd.s32 @!p0 $0x100000, s0;
	[bflag:$0x2] =	sbarrier.arrive $0xFFFF  }
0x5b: {  	[sflag:s0] =	ssyncadd.tile.s32 @!p0 $0x1;
	_ =	shalt  }
.Lfunc_end2:
_tile_overlayer_lowered:
.L_overlay_start_2:
0x5c: {  	(tag) =	ssettag $0x2  }
0x5d: {  	s0 =	rddreg [dreg:$0x0];
	s2 =	stileid.u32  }
0x5e: {  	s1 =	rddreg [dreg:$0x1];
	p0 =	sne.s32 s2, $0x0  }
0x5f: {  	s3 =	rddreg [dreg:$0x2];
	[bflag:$0x3] =	sbarrier.arrive $0xFFFF;
	s2 =	simm.s32 @!p0 $0x1C01  }
0x60: {  	[timem:s3], [sflag:s2] =	dma.local @!p0 [hbm:s0], s1  }
0x61: {  	s0 =	simm.s32 @!p0 $0x1  }
0x62: {  	_ =	swait.ge @!p0 [sflag:s0], s1  }
0x63: {  	s1 =	ssub.s32 @!p0 $0x0, s1;
	[sflag:s0] =	ssyncset.done @!p0 $0x0  }
0x64: {  	[sflag:s0] =	ssyncadd.s32 @!p0 s1  }
0x65: {  	[bflag:$0x3] =	sbarrier.arrive $0xFFFF  }
0x66: {  	_ =	shalt  }

// kernel: kernel.14.cloned.1.call-start
scs
__scs_entry_jumppad:
0x0: {  	(pc) =	sbr.rel $0x88, $3  }
0x1: {  	(tag) =	ssettag $0x0;
	lr =	simm.s32 $0x1  }
0x2: {  	[smem:$0x3F96] =	sst lr;
	_ =	strace $0xD0000000  }
0x3: {  	_ = 	snop  }
0x4: {  	_ = 	snop  }
0x5: {  	_ = 	snop  }
0x6: {  	_ = 	snop  }
0x7: {  	_ = 	snop  }
__scs_overlays_trampoline_lowered:
0x8: {  	[smem:$0x3FA5] =	sst s0  }
0x9: {  	[smem:$0x3FA6] =	sst s1  }
0xa: {  	[smem:$0x3FA7] =	sst s2  }
0xb: {  	[smem:$0x3FA8] =	sst s3  }
0xc: {  	[smem:$0x3FA9] =	sst s4  }
0xd: {  	[smem:$0x3FAA] =	sst s5  }
0xe: {  	[smem:$0x3FAB] =	sst s6  }
0xf: {  	[smem:$0x3FAC] =	sst s7  }
0x10: {  	[smem:$0x3FAD] =	sst s8  }
0x11: {  	[smem:$0x3FAE] =	sst s9;
	s0 =	simm.s32 @!p0 $0x0  }
0x12: {  	s1 =	sld [smem:$0x3F94];
	s0 =	simm.s32 @p0 $0x1  }
0x13: {  	[smem:$0x3FAF] =	sst s0;
	s0 =	simm.s32 @!p1 $0x0  }
0x14: {  	s2 =	sld [smem:$0x3F93];
	s0 =	simm.s32 @p1 $0x1  }
0x15: {  	[smem:$0x3FB0] =	sst s0;
	s0 =	simm.s32 @!p2 $0x0  }
0x16: {  	s3 =	sld [smem:$0x3FDB];
	s0 =	simm.s32 @p2 $0x1  }
0x17: {  	s4 =	simm.s32 $0x1BF5;
	[smem:$0x3FB2] =	sst s0  }
0x18: {  	s0 =	sld [smem:$0x3F95];
	_ =	swait.ge [sflag:s4], $0x0  }
0x19: {  	s7 =	sld [smem:$0x3F96]  }
0x1a: {  	s8 =	sadd.s32 $0xFFFFE003, lr  }
0x1b: {  	s9 =	sadd.s32 $0xFFFFFEF7, lr;
	s5 =	simm.s32 $0xFFFFFFFF;
	p2 =	slt.u32 s8, $0xFFFFF086  }
0x1c: {  	p1 =	slt.u32 s9, $0xF7A;
	s5 =	simm.s32 @!p2 $0x0  }
0x1d: {  	s5 =	simm.s32 @p1 $0x1;
	p0 =	seq.s32 s7, s2  }
0x1e: {  	s7 =	smul.u32 @!p0 $0xF7A, s2;
	p2 =	seq.s32 @!p0 s5, $0x0  }
0x1f: {  	s9 =	smul.u32 $0xF7A, s1;
	s8 =	simm.s32 @!p0 $0x1BF5;
	p2 =	por !p2, p0  }
0x20: {  	[sflag:s8] =	ssyncset.s32 @!p0 $0xFFFFF086;
	s6 =	sadd.s32 @!p0 s3, s7;
	s7 =	simm.s32 @!p0 $0x108  }
0x21: {  	s3 =	sadd.s32 s3, s9;
	s6 =	sadd.s32 @!p0 $0x88, s6;
	s7 =	simm.s32 @p2 $0x1082  }
0x22: {  	[simem:s7], [sflag:s8] =	dma.local @!p0 [hbm:s6], $0xF7A  }
0x23: {  	s9 =	sor.u32 $0xD0000000, s2;
	s6 =	simm.s32 $0x108;
	_ =	swait.ge @!p0 [sflag:s8], $0x0  }
0x24: {  	s3 =	sadd.s32 $0x88, s3;
	s6 =	simm.s32 @!p1 $0x1082;
	[sflag:s4] =	ssyncset.s32 $0xFFFFF086  }
0x25: {  	[simem:s6], [sflag:s4] =	dma.local [hbm:s3], $0xF7A  }
0x26: {  	[smem:$0x3F96] =	sst s1;
	(tag) =	ssettag s2;
	_ =	strace s9  }
0x27: {  	s1 =	sld [smem:$0x3FA6]  }
0x28: {  	s2 =	sld [smem:$0x3FA7]  }
0x29: {  	s4 =	sld [smem:$0x3FA9]  }
0x2a: {  	p0 =	seq.s32 s5, $0x0;
	s5 =	sld [smem:$0x3FAA]  }
0x2b: {  	s6 =	sld [smem:$0x3FAB]  }
0x2c: {  	s7 =	sld [smem:$0x3FAC]  }
0x2d: {  	s3 =	simm.s32 $0x108;
	s8 =	sld [smem:$0x3FAD]  }
0x2e: {  	s3 =	simm.s32 @!p0 $0x1082;
	s9 =	sld [smem:$0x3FAE]  }
0x2f: {  	lr =	sadd.s32 s0, s3;
	s0 =	sld [smem:$0x3FA5]  }
0x30: {  	s3 =	sld [smem:$0x3FA8]  }
0x31: {  	[smem:$0x3FB1] =	sst s10  }
0x32: {  	s10 =	sld [smem:$0x3FAF];
	_ =	sdelay $0x3  }
0x33: {  	p0 =	seq.s32 s10, $0x1;
	s10 =	sld [smem:$0x3FB1];
	_ =	sdelay $0x3  }
0x34: {  	[smem:$0x3FB1] =	sst s10  }
0x35: {  	s10 =	sld [smem:$0x3FB0];
	_ =	sdelay $0x3  }
0x36: {  	p1 =	seq.s32 s10, $0x1;
	s10 =	sld [smem:$0x3FB1];
	_ =	sdelay $0x3  }
0x37: {  	[smem:$0x3FB1] =	sst s10  }
0x38: {  	s10 =	sld [smem:$0x3FB2]  }
0x39: {  	_ = 	snop;
	(pc) =	sbr.ind lr, $3  }
0x3a: {  	_ = 	snop  }
0x3b: {  	_ = 	snop  }
0x3c: {  	p2 =	seq.s32 s10, $0x1;
	s10 =	sld [smem:$0x3FB1]  }
0x3d: {  	_ =	shalt  }
0x3e: {  	_ =	shalt  }
0x3f: {  	_ =	shalt  }
0x40: {  	_ =	shalt  }
0x41: {  	_ =	shalt  }
0x42: {  	_ =	shalt  }
0x43: {  	_ =	shalt  }
0x44: {  	_ =	shalt  }
0x45: {  	_ =	shalt  }
0x46: {  	_ =	shalt  }
0x47: {  	_ =	shalt  }
0x48: {  	_ =	shalt  }
0x49: {  	_ =	shalt  }
0x4a: {  	_ =	shalt  }
0x4b: {  	_ =	shalt  }
0x4c: {  	_ =	shalt  }
0x4d: {  	_ =	shalt  }
0x4e: {  	_ =	shalt  }
0x4f: {  	_ =	shalt  }
0x50: {  	_ =	shalt  }
0x51: {  	_ =	shalt  }
0x52: {  	_ =	shalt  }
0x53: {  	_ =	shalt  }
0x54: {  	_ =	shalt  }
0x55: {  	_ =	shalt  }
0x56: {  	_ =	shalt  }
0x57: {  	_ =	shalt  }
0x58: {  	_ =	shalt  }
0x59: {  	_ =	shalt  }
0x5a: {  	_ =	shalt  }
0x5b: {  	_ =	shalt  }
0x5c: {  	_ =	shalt  }
0x5d: {  	_ =	shalt  }
0x5e: {  	_ =	shalt  }
0x5f: {  	_ =	shalt  }
0x60: {  	_ =	shalt  }
0x61: {  	_ =	shalt  }
0x62: {  	_ =	shalt  }
0x63: {  	_ =	shalt  }
0x64: {  	_ =	shalt  }
0x65: {  	_ =	shalt  }
0x66: {  	_ =	shalt  }
0x67: {  	_ =	shalt  }
0x68: {  	_ =	shalt  }
0x69: {  	_ =	shalt  }
0x6a: {  	_ =	shalt  }
0x6b: {  	_ =	shalt  }
0x6c: {  	_ =	shalt  }
0x6d: {  	_ =	shalt  }
0x6e: {  	_ =	shalt  }
0x6f: {  	_ =	shalt  }
0x70: {  	_ =	shalt  }
0x71: {  	_ =	shalt  }
0x72: {  	_ =	shalt  }
0x73: {  	_ =	shalt  }
0x74: {  	_ =	shalt  }
0x75: {  	_ =	shalt  }
0x76: {  	_ =	shalt  }
0x77: {  	_ =	shalt  }
0x78: {  	_ =	shalt  }
0x79: {  	_ =	shalt  }
0x7a: {  	_ =	shalt  }
0x7b: {  	_ =	shalt  }
0x7c: {  	_ =	shalt  }
0x7d: {  	_ =	shalt  }
0x7e: {  	_ =	shalt  }
0x7f: {  	_ =	shalt  }
0x80: {  	_ =	shalt  }
0x81: {  	_ =	shalt  }
0x82: {  	_ =	shalt  }
0x83: {  	_ =	shalt  }
0x84: {  	_ =	shalt  }
0x85: {  	_ =	shalt  }
0x86: {  	_ =	shalt  }
0x87: {  	_ =	shalt  }
.Lfunc_end0:
.L_simem_size_0:
called_computation.1_lowered:
.L_overlay_start_0:
0x88: {  	s2 =	sld [smem:$0x3FD9]  }
0x89: {  	s3 =	sld [smem:$0x3FFE];
	_ =	sdelay $0x1  }
0x8a: {  	s1 =	srdreg.scid  }
0x8b: {  	s0 =	sand.u32 $0x1, s1  }
0x8c: {  	s16 =	sshll.u32 s0, $0xA;
	s2 =	sadd.s32 s3, s2  }
0x8d: {  	s2 =	sadd.s32 s2, s16  }
0x8e: {  	[smem:$0x3FBD] =	sst s2  }
0x8f: {  	_ = 	snop  }
0x90: {  	(tm) =	ssettm $0x1  }
0x91: {  	s17 =	sld [smem:$0x3FFB];
	_ =	sdelay $0x3  }
0x92: {  	_ =	strace s17  }
0x93: {  	s2 =	sld [smem:$0x3FFC];
	_ =	sdelay $0x3  }
0x94: {  	_ =	strace s2  }
0x95: {  	s2 =	sld [smem:$0x3FFD];
	_ =	sdelay $0x3  }
0x96: {  	_ =	strace s2  }
0x97: {  	_ =	strace $0x8FFFFFFF  }
0x98: {  	s18 =	sld [smem:$0x3FDB];
	_ =	sdelay $0x1  }
0x99: {  	s19 =	simm.s32 $_scs_section_size  }
0x9a: {  	s4 =	simm.s32 $_size__tile_overlayer_lowered;
	s5 =	simm.s32 $_tile_overlayer_lowered  }
0x9b: {  	s22 =	simm.s32 $0x1BFF;
	s21 =	sshll.u32 s5, $0x1;
	s2 =	sadd.s32 s19, s18  }
0x9c: {  	s6 =	simm.s32 $0x0;
	s20 =	sshll.u32 s4, $0x1;
	s4 =	sadd.s32 s21, s2  }
0x9d: {  	[timem:s6], [sflag:s22] =	dma.local [hbm:s4], s20  }
0x9e: {  	_ =	swait.ge [sflag:s22], s20  }
0x9f: {  	s3 =	ssub.s32 $0x0, s20;
	[sflag:s22] =	ssyncset.done $0x0  }
0xa0: {  	[sflag:s22] =	ssyncadd.s32 s3;
	_ =	sdelay $0x1  }
0xa1: {  	s23 =	simm.s32 $0x1B8B  }
0xa2: {  	_ =	swait.ge [sflag:s23], $0x1  }
0xa3: {  	[sflag:s23] =	ssyncset.done $0x0  }
0xa4: {  	s25 =	simm.s32 $0x1B8E;
	s24 =	sld [smem:$0x3FFE];
	[sflag:s23] =	ssyncadd.s32 $0xFFFFFFFF  }
0xa5: {  	s26 =	simm.s32 $execute0_lowered;
	[smem:$0x3FD2] =	sst s25  }
0xa6: {  	s4 =	sshll.u32 s26, $0x1;
	_ =	strace $0x80000049;
	[dreg:$0x1] =	wrdreg $0xFFFFFFFF  }
0xa7: {  	s28 =	simm.s32 $_size_execute0_lowered;
	s2 =	sadd.s32 s2, s4;
	[dreg:$0x0] =	wrdreg $0x0  }
0xa8: {  	s4 =	sshll.u32 s28, $0x1;
	[dreg:$0x2] =	wrdreg s2  }
0xa9: {  	[dreg:$0x3] =	wrdreg s4  }
0xaa: {  	[dreg:$0x4] =	wrdreg $0xC0  }
0xab: {  	_ =	task [dreg:s6], $0x5FFFF  }
0xac: {  	[dreg:$0x1] =	wrdreg $0xFFFFFFFF  }
0xad: {  	[dreg:$0x0] =	wrdreg $0x60  }
0xae: {  	[dreg:$0x2] =	wrdreg s24  }
0xaf: {  	[dreg:$0x3] =	wrdreg $0xA8000  }
0xb0: {  	[dreg:$0x4] =	wrdreg $0x9  }
0xb1: {  	_ =	task.clear_ibuf [dreg:s6], $0x5FFFF;
	_ =	strace $0x90000049  }
0xb2: {  	s29 =	simm.s32 $0x9;
	_ =	strace $0x8000004B  }
0xb3: {  	_ =	swait.ge [sflag:s29], $0x1  }
0xb4: {  	[sflag:s29] =	ssyncadd.s32 $0xFFFFFFFF  }
0xb5: {  	_ =	strace $0x9000004B  }
0xb6: {  	_ =	sfence  }
0xb7: {  	s30 =	sld [smem:$0x0];
	_ =	sdelay $0x2  }
0xb8: {  	s31 =	sshll.u32 s1, $0xD;
	s1 =	sshrl.u32 s1, $0x2  }
0xb9: {  	s3 =	sand.u32 $0x4000, s31;
	s1 =	sadd.s32 s1, s30  }
0xba: {  	s0 =	sor.u32 s3, s0;
	s1 =	sshll.u32 s1, $0x11  }
0xbb: {  	s0 =	sor.u32 s1, s0  }
0xbc: {  	s0 =	sadd.s32 $0x8F2B, s0  }
0xbd: {  	[sflag:s0] =	ssyncadd.remote.s32 $0x1  }
0xbe: {  	_ =	sfence.sel $0xFFFF  }
0xbf: {  	[dreg:$0x0] =	wrdreg $0xFFFFFFFF;
	(pc) =	sbr.abs _section_cstart, $3  }
0xc0: {  	[dreg:$0x1] =	wrdreg $0xFFFFFFFF  }
0xc1: {  	_ =	task.clear_ibuf [dreg:s6], $0x2FFFF;
	_ =	strace $0x9FFFFFFF  }
0xc2: {  	(tm) =	ssettm $0x7FFFFFFF  }
0xc3: {  	_ =	shalt  }
tec
execute0_lowered:
.L_overlay_start_1:
0x0: {  	(tag) =	ssettag $0x1  }
0x1: {  	s5 =	rddreg [dreg:$0x0]  }
0x2: {  	s2 =	rddreg [dreg:$0x1]  }
0x3: {  	s0 =	rddreg [dreg:$0x2]  }
0x4: {  	s4 =	srdreg.scid;
	s1 =	stileid.u32;
	s3 =	simm.s32 $0x0  }
0x5: {  	s17 =	simm.s32 $0x5;
	s18 =	simm.s32 $0x1400;
	s19 =	simm.s32 $0x1  }
0x6: {  	s20 =	simm.s32 $0x80;
	s21 =	simm.s32 $0x6800;
	s22 =	simm.s32 $0x2  }
0x7: {  	s23 =	simm.s32 $0x3;
	s24 =	simm.s32 $0x4;
	s25 =	simm.s32 $0x0  }
0x8: {  	s6 =	sand.u32 $0x1, s4;
	s7 =	smul.u32 $0x2800, s1;
	[smem:$0x7FF] =	sst s3  }
0x9: {  	s4 =	sadd.s32 $0x40400, s5;
	s12 =	sadd.s32 $0xF200, s5;
	s26 =	smul.u32 $0x50000, s1  }
0xa: {  	s13 =	sadd.s32 $0x5200, s5;
	s28 =	sshll.u32 s1, $0x1;
	s8 =	smul.u32 $0x28000, s6  }
0xb: {  	_ =	strace $0x8000004A;
	s29 =	ssub.s32 $0x2, s6;
	s9 =	sor.u32 s6, s28  }
0xc: {  	s30 =	sshrl.u32 s26, $0x2;
	s31 =	sshrl.u32 s29, $0x1;
	s10 =	smul.u32 $0x2800, s9  }
0xd: {  	s11 =	smul.u32 $0x500, s9;
	s7 =	sadd.s32 s7, s8;
	s15 =	ssub.s32 s29, s31  }
0xe: {  	s14 =	sadd.s32 s7, s5;
	s5 =	sadd.s32 s30, s2;
	s16 =	sshrl.u32 s10, $0x3  }
0xf: {  	s10 =	sadd.s32 s12, s11;
	s11 =	sadd.s32 s13, s11;
	s15 =	smax.u32 s15, $0x1  }
0x10: {  	s6 =	sadd.s32 $0x4000, s5;
	s7 =	sadd.s32 $0x8000, s5;
	s8 =	sadd.s32 $0xC000, s5  }
0x11: {  	s9 =	sadd.s32 $0x10000, s5;
	s16 =	sadd.s32 $0x280, s16;
	s14 =	sadd.s32 $0x67600, s14  }
0x12: {  	v0 =	vimm.f32 $0.0e+00;
	s12 =	sadd.s32 s12, s16;
	s13 =	sadd.s32 s13, s16;
	s16 =	simm.s32 $0x2800  }
.LBB2_1:
0x13: {  	s26 =	sand.u32 $0xFE00, s3  }
0x14: {  	s28 =	sand.u32 $0x70, s3;
	s29 =	sshrl.u32 s26, $0x2  }
0x15: {  	s26 =	simm.s32 $0x40;
	s29 =	sor.u32 s28, s29;
	s28 =	simm.s32 $0x0  }
.LBB2_2:
0x16: {  	p0 =	sne.s32 s26, $0xFFC0  }
0x17: {  	[tilespmem:s29+$0x2800] =	vst v0;
	s28 =	sadd.s32 $0x10, s28;
	s29 =	smov.u32 s26;
	s26 =	sadd.s32 $0x40, s26  }
.Ltmp0:
0x18: {  	(pc) =	sbr.rel @p0 .LBB2_2-.Ltmp0, $4  }
0x19: {  	_ = 	snop  }
0x1a: {  	s29 =	sand.u32 $0xFE00, s29  }
0x1b: {  	s30 =	sand.u32 $0x70, s28;
	s29 =	sshrl.u32 s29, $0x2  }
0x1c: {  	s29 =	sor.u32 s30, s29  }
0x1d: {  	[tilespmem:s29+$0x2800] =	vst v0  }
0x1e: {  	[spmem:s5] =	stream.linear.scatter [tilespmem:s16], [sflag:$0x1], $0x4000, $0x38;
	[tilespmem:$0x1E800] =	vst v63  }
0x1f: {  	_ = 	snop  }
0x20: {  	[spmem:s6] =	stream.linear.scatter [tilespmem:s16], [sflag:$0x1], $0x4000, $0x38;
	[tilespmem:$0x1E800] =	vst v63  }
0x21: {  	_ = 	snop  }
0x22: {  	[spmem:s7] =	stream.linear.scatter [tilespmem:s16], [sflag:$0x1], $0x4000, $0x38;
	[tilespmem:$0x1E800] =	vst v63  }
0x23: {  	_ = 	snop  }
0x24: {  	[spmem:s8] =	stream.linear.scatter [tilespmem:s16], [sflag:$0x1], $0x4000, $0x38;
	[tilespmem:$0x1E800] =	vst v63  }
0x25: {  	_ = 	snop  }
0x26: {  	[spmem:s9] =	stream.linear.scatter [tilespmem:s16], [sflag:$0x1], $0x4000, $0x38;
	[tilespmem:$0x1E800] =	vst v63  }
0x27: {  	s26 =	simm.s32 $0x0  }
0x28: {  	[tilespmem:s26], [sflag:$0x5] =	stream.linear.gather [hbm4b:s10+s26], $0x1400, $0x38;
	[tilespmem:$0x1E800] =	vst v63  }
0x29: {  	_ =	swait.ge [sflag:s17], $0x1400  }
0x2a: {  	[sflag:s17] =	ssyncset.done $0x0  }
0x2b: {  	[sflag:s17] =	ssyncadd.s32 $0xFFFFEC00  }
0x2c: {  	[tilespmem:s18], [sflag:$0x5] =	stream.linear.gather [hbm4b:s11+s26], $0x1400, $0x38;
	[tilespmem:$0x1E800] =	vst v63  }
0x2d: {  	_ =	swait.ge [sflag:s17], $0x1400  }
0x2e: {  	[sflag:s17] =	ssyncset.done $0x0  }
0x2f: {  	[sflag:s17] =	ssyncadd.s32 $0xFFFFEC00  }
0x30: {  	_ =	swait.ge [sflag:s19], $0x4000  }
0x31: {  	[sflag:s19] =	ssyncset.done $0x0  }
0x32: {  	[sflag:s19] =	ssyncadd.s32 $0xFFFFC000  }
0x33: {  	_ =	swait.ge [sflag:s19], $0x4000  }
0x34: {  	[sflag:s19] =	ssyncset.done $0x0  }
0x35: {  	[sflag:s19] =	ssyncadd.s32 $0xFFFFC000  }
0x36: {  	_ =	swait.ge [sflag:s19], $0x4000  }
0x37: {  	[sflag:s19] =	ssyncset.done $0x0  }
0x38: {  	[sflag:s19] =	ssyncadd.s32 $0xFFFFC000  }
0x39: {  	_ =	swait.ge [sflag:s19], $0x4000  }
0x3a: {  	[sflag:s19] =	ssyncset.done $0x0  }
0x3b: {  	[sflag:s19] =	ssyncadd.s32 $0xFFFFC000  }
0x3c: {  	_ =	swait.ge [sflag:s19], $0x4000  }
0x3d: {  	[sflag:s19] =	ssyncset.done $0x0  }
0x3e: {  	[sflag:s19] =	ssyncadd.s32 $0xFFFFC000  }
0x3f: {  	s31 =	simm.s32 $0x0;
	[bflag:$0x0] =	sbarrier.arrive $0xFFFF  }
0x40: {  	[tilespmem:s16], [sflag:$0x1] =	stream.indirect.gather [hbm4b:s4+s20], $0x80, s31, s20, $0xb8;
	[tilespmem:$0x1E800] =	vst v63  }
0x41: {  	s29 =	simm.s32 $0x80  }
0x42: {  	[tilespmem:s21], [sflag:$0x2] =	stream.indirect.gather [hbm4b:s4+s20], $0x80, s29, s20, $0xb8;
	[tilespmem:$0x1E800] =	vst v63  }
0x43: {  	_ =	swait.ge [sflag:s19], $0x4000  }
0x44: {  	[sflag:s19] =	ssyncset.done $0x0  }
0x45: {  	s30 =	simm.s32 $0x1400;
	[sflag:s19] =	ssyncadd.s32 $0xFFFFC000  }
0x46: {  	[spmem:s2] =	stream.indirect.scatter.add.f32 [tilespmem:s16], [sflag:$0x3], $0x80, s30, s20, $0xb8;
	[tilespmem:$0x1E800] =	vst v63  }
0x47: {  	_ =	swait.ge [sflag:s22], $0x4000  }
0x48: {  	[sflag:s22] =	ssyncset.done $0x0  }
0x49: {  	s31 =	simm.s32 $0x1480;
	[sflag:s22] =	ssyncadd.s32 $0xFFFFC000  }
0x4a: {  	[spmem:s2] =	stream.indirect.scatter.add.f32 [tilespmem:s21], [sflag:$0x4], $0x80, s31, s20, $0xb8;
	[tilespmem:$0x1E800] =	vst v63  }
0x4b: {  	_ =	swait.ge [sflag:s23], $0x4000  }
0x4c: {  	[sflag:s23] =	ssyncset.done $0x0  }
0x4d: {  	[sflag:s23] =	ssyncadd.s32 $0xFFFFC000  }
0x4e: {  	_ =	swait.ge [sflag:s24], $0x4000  }
0x4f: {  	s28 =	simm.s32 $0x800;
	s26 =	simm.s32 $0x400;
	[sflag:s24] =	ssyncset.done $0x0  }
.LBB2_4:
0x50: {  	s29 =	sshra.s32 s26, $0x2  }
0x51: {  	[sflag:s24] =	ssyncadd.s32 $0xFFFFC000;
	s26 =	smov.u32 s28;
	s30 =	sadd.s32 $0x400, s28  }
0x52: {  	[tilespmem:s16], [sflag:$0x1] =	stream.indirect.gather [hbm4b:s4+s20], $0x80, s29, s20, $0xb8;
	[tilespmem:$0x1E800] =	vst v63  }
0x53: {  	p0 =	sne.s32 s28, $0x4C00;
	s28 =	sadd.s32 $0x80, s29  }
0x54: {  	[tilespmem:s21], [sflag:$0x2] =	stream.indirect.gather [hbm4b:s4+s20], $0x80, s28, s20, $0xb8;
	[tilespmem:$0x1E800] =	vst v63  }
0x55: {  	_ =	swait.ge [sflag:s19], $0x4000  }
0x56: {  	[sflag:s19] =	ssyncset.done $0x0  }
0x57: {  	s28 =	sadd.s32 $0x1400, s29;
	[sflag:s19] =	ssyncadd.s32 $0xFFFFC000  }
0x58: {  	[spmem:s2] =	stream.indirect.scatter.add.f32 [tilespmem:s16], [sflag:$0x3], $0x80, s28, s20, $0xb8;
	[tilespmem:$0x1E800] =	vst v63  }
0x59: {  	_ =	swait.ge [sflag:s22], $0x4000  }
0x5a: {  	[sflag:s22] =	ssyncset.done $0x0  }
0x5b: {  	s28 =	sadd.s32 $0x1480, s29;
	[sflag:s22] =	ssyncadd.s32 $0xFFFFC000  }
0x5c: {  	[spmem:s2] =	stream.indirect.scatter.add.f32 [tilespmem:s21], [sflag:$0x4], $0x80, s28, s20, $0xb8;
	[tilespmem:$0x1E800] =	vst v63  }
.Ltmp1:
0x5d: {  	_ =	swait.ge [sflag:s23], $0x4000;
	(pc) =	sbr.rel @p0 .LBB2_4-.Ltmp1, $4  }
0x5e: {  	[sflag:s23] =	ssyncset.done $0x0  }
0x5f: {  	[sflag:s23] =	ssyncadd.s32 $0xFFFFC000  }
0x60: {  	_ =	swait.ge [sflag:s24], $0x4000  }
0x61: {  	s28 =	smov.u32 s30;
	[sflag:s24] =	ssyncset.done $0x0  }
0x62: {  	s26 =	sshra.s32 s26, $0x2;
	[sflag:s24] =	ssyncadd.s32 $0xFFFFC000  }
0x63: {  	[tilespmem:s16], [sflag:$0x1] =	stream.indirect.gather [hbm4b:s4+s20], $0x80, s26, s20, $0xb8;
	[tilespmem:$0x1E800] =	vst v63  }
0x64: {  	s28 =	sadd.s32 $0x80, s26  }
0x65: {  	[tilespmem:s21], [sflag:$0x2] =	stream.indirect.gather [hbm4b:s4+s20], $0x80, s28, s20, $0xb8;
	[tilespmem:$0x1E800] =	vst v63  }
0x66: {  	_ =	swait.ge [sflag:s19], $0x4000  }
0x67: {  	[sflag:s19] =	ssyncset.done $0x0  }
0x68: {  	s28 =	sadd.s32 $0x1400, s26;
	[sflag:s19] =	ssyncadd.s32 $0xFFFFC000  }
0x69: {  	[spmem:s2] =	stream.indirect.scatter.add.f32 [tilespmem:s16], [sflag:$0x3], $0x80, s28, s20, $0xb8;
	[tilespmem:$0x1E800] =	vst v63  }
0x6a: {  	_ =	swait.ge [sflag:s22], $0x4000  }
0x6b: {  	[sflag:s22] =	ssyncset.done $0x0  }
0x6c: {  	s26 =	sadd.s32 $0x1480, s26;
	[sflag:s22] =	ssyncadd.s32 $0xFFFFC000  }
0x6d: {  	[spmem:s2] =	stream.indirect.scatter.add.f32 [tilespmem:s21], [sflag:$0x4], $0x80, s26, s20, $0xb8;
	[tilespmem:$0x1E800] =	vst v63  }
0x6e: {  	_ =	swait.ge [sflag:s23], $0x4000  }
0x6f: {  	[sflag:s23] =	ssyncset.done $0x0  }
0x70: {  	[sflag:s23] =	ssyncadd.s32 $0xFFFFC000  }
0x71: {  	_ =	swait.ge [sflag:s24], $0x4000  }
0x72: {  	[sflag:s24] =	ssyncset.done $0x0  }
0x73: {  	s30 =	simm.s32 $0x0;
	[sflag:s24] =	ssyncadd.s32 $0xFFFFC000  }
0x74: {  	[tilespmem:s30], [sflag:$0x5] =	stream.linear.gather [hbm4b:s12+s30], $0x1400, $0x38;
	[tilespmem:$0x1E800] =	vst v63  }
0x75: {  	_ =	swait.ge [sflag:s17], $0x1400  }
0x76: {  	[sflag:s17] =	ssyncset.done $0x0  }
0x77: {  	[sflag:s17] =	ssyncadd.s32 $0xFFFFEC00  }
0x78: {  	[tilespmem:s18], [sflag:$0x5] =	stream.linear.gather [hbm4b:s13+s30], $0x1400, $0x38;
	[tilespmem:$0x1E800] =	vst v63  }
0x79: {  	_ =	swait.ge [sflag:s17], $0x1400  }
0x7a: {  	[sflag:s17] =	ssyncset.done $0x0  }
0x7b: {  	s31 =	simm.s32 $0x0;
	[sflag:s17] =	ssyncadd.s32 $0xFFFFEC00  }
0x7c: {  	[tilespmem:s16], [sflag:$0x1] =	stream.indirect.gather [hbm4b:s4+s20], $0x80, s31, s20, $0xb8;
	[tilespmem:$0x1E800] =	vst v63  }
0x7d: {  	s29 =	simm.s32 $0x80  }
0x7e: {  	[tilespmem:s21], [sflag:$0x2] =	stream.indirect.gather [hbm4b:s4+s20], $0x80, s29, s20, $0xb8;
	[tilespmem:$0x1E800] =	vst v63  }
0x7f: {  	_ =	swait.ge [sflag:s19], $0x4000  }
0x80: {  	[sflag:s19] =	ssyncset.done $0x0  }
0x81: {  	s30 =	simm.s32 $0x1400;
	[sflag:s19] =	ssyncadd.s32 $0xFFFFC000  }
0x82: {  	[spmem:s2] =	stream.indirect.scatter.add.f32 [tilespmem:s16], [sflag:$0x3], $0x80, s30, s20, $0xb8;
	[tilespmem:$0x1E800] =	vst v63  }
0x83: {  	_ =	swait.ge [sflag:s22], $0x4000  }
0x84: {  	[sflag:s22] =	ssyncset.done $0x0  }
0x85: {  	s31 =	simm.s32 $0x1480;
	[sflag:s22] =	ssyncadd.s32 $0xFFFFC000  }
0x86: {  	[spmem:s2] =	stream.indirect.scatter.add.f32 [tilespmem:s21], [sflag:$0x4], $0x80, s31, s20, $0xb8;
	[tilespmem:$0x1E800] =	vst v63  }
0x87: {  	_ =	swait.ge [sflag:s23], $0x4000  }
0x88: {  	[sflag:s23] =	ssyncset.done $0x0  }
0x89: {  	[sflag:s23] =	ssyncadd.s32 $0xFFFFC000  }
0x8a: {  	_ =	swait.ge [sflag:s24], $0x4000  }
0x8b: {  	s28 =	simm.s32 $0x800;
	s26 =	simm.s32 $0x400;
	[sflag:s24] =	ssyncset.done $0x0  }
.LBB2_6:
0x8c: {  	s29 =	sshra.s32 s26, $0x2  }
0x8d: {  	[sflag:s24] =	ssyncadd.s32 $0xFFFFC000;
	s26 =	smov.u32 s28;
	s30 =	sadd.s32 $0x400, s28  }
0x8e: {  	[tilespmem:s16], [sflag:$0x1] =	stream.indirect.gather [hbm4b:s4+s20], $0x80, s29, s20, $0xb8;
	[tilespmem:$0x1E800] =	vst v63  }
0x8f: {  	p0 =	sne.s32 s28, $0x4C00;
	s28 =	sadd.s32 $0x80, s29  }
0x90: {  	[tilespmem:s21], [sflag:$0x2] =	stream.indirect.gather [hbm4b:s4+s20], $0x80, s28, s20, $0xb8;
	[tilespmem:$0x1E800] =	vst v63  }
0x91: {  	_ =	swait.ge [sflag:s19], $0x4000  }
0x92: {  	[sflag:s19] =	ssyncset.done $0x0  }
0x93: {  	s28 =	sadd.s32 $0x1400, s29;
	[sflag:s19] =	ssyncadd.s32 $0xFFFFC000  }
0x94: {  	[spmem:s2] =	stream.indirect.scatter.add.f32 [tilespmem:s16], [sflag:$0x3], $0x80, s28, s20, $0xb8;
	[tilespmem:$0x1E800] =	vst v63  }
0x95: {  	_ =	swait.ge [sflag:s22], $0x4000  }
0x96: {  	[sflag:s22] =	ssyncset.done $0x0  }
0x97: {  	s28 =	sadd.s32 $0x1480, s29;
	[sflag:s22] =	ssyncadd.s32 $0xFFFFC000  }
0x98: {  	[spmem:s2] =	stream.indirect.scatter.add.f32 [tilespmem:s21], [sflag:$0x4], $0x80, s28, s20, $0xb8;
	[tilespmem:$0x1E800] =	vst v63  }
.Ltmp2:
0x99: {  	_ =	swait.ge [sflag:s23], $0x4000;
	(pc) =	sbr.rel @p0 .LBB2_6-.Ltmp2, $4  }
0x9a: {  	[sflag:s23] =	ssyncset.done $0x0  }
0x9b: {  	[sflag:s23] =	ssyncadd.s32 $0xFFFFC000  }
0x9c: {  	_ =	swait.ge [sflag:s24], $0x4000  }
0x9d: {  	s28 =	smov.u32 s30;
	[sflag:s24] =	ssyncset.done $0x0  }
0x9e: {  	s26 =	sshra.s32 s26, $0x2;
	[sflag:s24] =	ssyncadd.s32 $0xFFFFC000  }
0x9f: {  	[tilespmem:s16], [sflag:$0x1] =	stream.indirect.gather [hbm4b:s4+s20], $0x80, s26, s20, $0xb8;
	[tilespmem:$0x1E800] =	vst v63  }
0xa0: {  	s28 =	sadd.s32 $0x80, s26  }
0xa1: {  	[tilespmem:s21], [sflag:$0x2] =	stream.indirect.gather [hbm4b:s4+s20], $0x80, s28, s20, $0xb8;
	[tilespmem:$0x1E800] =	vst v63  }
0xa2: {  	_ =	swait.ge [sflag:s19], $0x4000  }
0xa3: {  	[sflag:s19] =	ssyncset.done $0x0  }
0xa4: {  	s29 =	sadd.s32 $0x1400, s26;
	[sflag:s19] =	ssyncadd.s32 $0xFFFFC000  }
0xa5: {  	[spmem:s2] =	stream.indirect.scatter.add.f32 [tilespmem:s16], [sflag:$0x3], $0x80, s29, s20, $0xb8;
	[tilespmem:$0x1E800] =	vst v63  }
0xa6: {  	_ =	swait.ge [sflag:s22], $0x4000  }
0xa7: {  	[sflag:s22] =	ssyncset.done $0x0  }
0xa8: {  	s26 =	sadd.s32 $0x1480, s26;
	[sflag:s22] =	ssyncadd.s32 $0xFFFFC000  }
0xa9: {  	[spmem:s2] =	stream.indirect.scatter.add.f32 [tilespmem:s21], [sflag:$0x4], $0x80, s26, s20, $0xb8;
	[tilespmem:$0x1E800] =	vst v63  }
0xaa: {  	_ =	swait.ge [sflag:s23], $0x4000  }
0xab: {  	[sflag:s23] =	ssyncset.done $0x0  }
0xac: {  	[sflag:s23] =	ssyncadd.s32 $0xFFFFC000  }
0xad: {  	_ =	swait.ge [sflag:s24], $0x4000  }
0xae: {  	s30 =	sshll.u32 s1, $0x6;
	s25 =	sadd.s32 $0x1, s25;
	[sflag:s24] =	ssyncset.done $0x0  }
0xaf: {  	s31 =	sshrl.u32 s5, $0x3;
	p0 =	sne.s32 s25, s15;
	[sflag:s24] =	ssyncadd.s32 $0xFFFFC000  }
.Ltmp3:
0xb0: {  	s26 =	sor.u32 $0x1C05, s30;
	[bflag:$0x0] =	sbarrier.arrive $0xFFFF;
	(pc) =	sbr.rel @p0 .LBB2_1-.Ltmp3, $4  }
0xb1: {  	[hbm:s14], [sflag:s26] =	dma.local [spmem:s31], $0x2800  }
0xb2: {  	_ =	swait.ge [sflag:s17], $0x2800  }
0xb3: {  	[sflag:s17] =	ssyncset.done $0x0  }
0xb4: {  	[sflag:s17] =	ssyncadd.s32 $0xFFFFD800  }
0xb5: {  	_ =	sfence.sel $0x180000  }
0xb6: {  	[bflag:$0x0] =	sbarrier.arrive $0xFFFF  }
0xb7: {  	p0 =	sne.s32 s1, $0x0;
	_ =	strace $0x9000004A  }
0xb8: {  	s0 =	sadd.s32 @!p0 $0x100000, s0;
	[bflag:$0x2] =	sbarrier.arrive $0xFFFF  }
0xb9: {  	[sflag:s0] =	ssyncadd.tile.s32 @!p0 $0x1;
	_ =	shalt  }
.Lfunc_end2:
_tile_overlayer_lowered:
.L_overlay_start_2:
0xba: {  	(tag) =	ssettag $0x2  }
0xbb: {  	s0 =	rddreg [dreg:$0x0];
	s2 =	stileid.u32  }
0xbc: {  	s1 =	rddreg [dreg:$0x1];
	p0 =	sne.s32 s2, $0x0  }
0xbd: {  	s3 =	rddreg [dreg:$0x2];
	[bflag:$0x3] =	sbarrier.arrive $0xFFFF;
	s2 =	simm.s32 @!p0 $0x1C05  }
0xbe: {  	[timem:s3], [sflag:s2] =	dma.local @!p0 [hbm:s0], s1  }
0xbf: {  	s0 =	simm.s32 @!p0 $0x5  }
0xc0: {  	_ =	swait.ge @!p0 [sflag:s0], s1  }
0xc1: {  	s1 =	ssub.s32 @!p0 $0x0, s1;
	[sflag:s0] =	ssyncset.done @!p0 $0x0  }
0xc2: {  	[sflag:s0] =	ssyncadd.s32 @!p0 s1  }
0xc3: {  	[bflag:$0x3] =	sbarrier.arrive $0xFFFF  }
0xc4: {  	_ =	shalt  }

// kernel: kernel.17.cloned.1.call-start
scs
__scs_entry_jumppad:
0x0: {  	(pc) =	sbr.rel $0x88, $3  }
0x1: {  	(tag) =	ssettag $0x0;
	lr =	simm.s32 $0x1  }
0x2: {  	[smem:$0x3F96] =	sst lr;
	_ =	strace $0xD0000000  }
0x3: {  	_ = 	snop  }
0x4: {  	_ = 	snop  }
0x5: {  	_ = 	snop  }
0x6: {  	_ = 	snop  }
0x7: {  	_ = 	snop  }
__scs_overlays_trampoline_lowered:
0x8: {  	[smem:$0x3FA5] =	sst s0  }
0x9: {  	[smem:$0x3FA6] =	sst s1  }
0xa: {  	[smem:$0x3FA7] =	sst s2  }
0xb: {  	[smem:$0x3FA8] =	sst s3  }
0xc: {  	[smem:$0x3FA9] =	sst s4  }
0xd: {  	[smem:$0x3FAA] =	sst s5  }
0xe: {  	[smem:$0x3FAB] =	sst s6  }
0xf: {  	[smem:$0x3FAC] =	sst s7  }
0x10: {  	[smem:$0x3FAD] =	sst s8  }
0x11: {  	[smem:$0x3FAE] =	sst s9;
	s0 =	simm.s32 @!p0 $0x0  }
0x12: {  	s1 =	sld [smem:$0x3F94];
	s0 =	simm.s32 @p0 $0x1  }
0x13: {  	[smem:$0x3FAF] =	sst s0;
	s0 =	simm.s32 @!p1 $0x0  }
0x14: {  	s2 =	sld [smem:$0x3F93];
	s0 =	simm.s32 @p1 $0x1  }
0x15: {  	[smem:$0x3FB0] =	sst s0;
	s0 =	simm.s32 @!p2 $0x0  }
0x16: {  	s3 =	sld [smem:$0x3FDB];
	s0 =	simm.s32 @p2 $0x1  }
0x17: {  	s4 =	simm.s32 $0x1BF5;
	[smem:$0x3FB2] =	sst s0  }
0x18: {  	s0 =	sld [smem:$0x3F95];
	_ =	swait.ge [sflag:s4], $0x0  }
0x19: {  	s7 =	sld [smem:$0x3F96]  }
0x1a: {  	s8 =	sadd.s32 $0xFFFFE003, lr  }
0x1b: {  	s9 =	sadd.s32 $0xFFFFFEF7, lr;
	s5 =	simm.s32 $0xFFFFFFFF;
	p2 =	slt.u32 s8, $0xFFFFF086  }
0x1c: {  	p1 =	slt.u32 s9, $0xF7A;
	s5 =	simm.s32 @!p2 $0x0  }
0x1d: {  	s5 =	simm.s32 @p1 $0x1;
	p0 =	seq.s32 s7, s2  }
0x1e: {  	s7 =	smul.u32 @!p0 $0xF7A, s2;
	p2 =	seq.s32 @!p0 s5, $0x0  }
0x1f: {  	s9 =	smul.u32 $0xF7A, s1;
	s8 =	simm.s32 @!p0 $0x1BF5;
	p2 =	por !p2, p0  }
0x20: {  	[sflag:s8] =	ssyncset.s32 @!p0 $0xFFFFF086;
	s6 =	sadd.s32 @!p0 s3, s7;
	s7 =	simm.s32 @!p0 $0x108  }
0x21: {  	s3 =	sadd.s32 s3, s9;
	s6 =	sadd.s32 @!p0 $0x88, s6;
	s7 =	simm.s32 @p2 $0x1082  }
0x22: {  	[simem:s7], [sflag:s8] =	dma.local @!p0 [hbm:s6], $0xF7A  }
0x23: {  	s9 =	sor.u32 $0xD0000000, s2;
	s6 =	simm.s32 $0x108;
	_ =	swait.ge @!p0 [sflag:s8], $0x0  }
0x24: {  	s3 =	sadd.s32 $0x88, s3;
	s6 =	simm.s32 @!p1 $0x1082;
	[sflag:s4] =	ssyncset.s32 $0xFFFFF086  }
0x25: {  	[simem:s6], [sflag:s4] =	dma.local [hbm:s3], $0xF7A  }
0x26: {  	[smem:$0x3F96] =	sst s1;
	(tag) =	ssettag s2;
	_ =	strace s9  }
0x27: {  	s1 =	sld [smem:$0x3FA6]  }
0x28: {  	s2 =	sld [smem:$0x3FA7]  }
0x29: {  	s4 =	sld [smem:$0x3FA9]  }
0x2a: {  	p0 =	seq.s32 s5, $0x0;
	s5 =	sld [smem:$0x3FAA]  }
0x2b: {  	s6 =	sld [smem:$0x3FAB]  }
0x2c: {  	s7 =	sld [smem:$0x3FAC]  }
0x2d: {  	s3 =	simm.s32 $0x108;
	s8 =	sld [smem:$0x3FAD]  }
0x2e: {  	s3 =	simm.s32 @!p0 $0x1082;
	s9 =	sld [smem:$0x3FAE]  }
0x2f: {  	lr =	sadd.s32 s0, s3;
	s0 =	sld [smem:$0x3FA5]  }
0x30: {  	s3 =	sld [smem:$0x3FA8]  }
0x31: {  	[smem:$0x3FB1] =	sst s10  }
0x32: {  	s10 =	sld [smem:$0x3FAF];
	_ =	sdelay $0x3  }
0x33: {  	p0 =	seq.s32 s10, $0x1;
	s10 =	sld [smem:$0x3FB1];
	_ =	sdelay $0x3  }
0x34: {  	[smem:$0x3FB1] =	sst s10  }
0x35: {  	s10 =	sld [smem:$0x3FB0];
	_ =	sdelay $0x3  }
0x36: {  	p1 =	seq.s32 s10, $0x1;
	s10 =	sld [smem:$0x3FB1];
	_ =	sdelay $0x3  }
0x37: {  	[smem:$0x3FB1] =	sst s10  }
0x38: {  	s10 =	sld [smem:$0x3FB2]  }
0x39: {  	_ = 	snop;
	(pc) =	sbr.ind lr, $3  }
0x3a: {  	_ = 	snop  }
0x3b: {  	_ = 	snop  }
0x3c: {  	p2 =	seq.s32 s10, $0x1;
	s10 =	sld [smem:$0x3FB1]  }
0x3d: {  	_ =	shalt  }
0x3e: {  	_ =	shalt  }
0x3f: {  	_ =	shalt  }
0x40: {  	_ =	shalt  }
0x41: {  	_ =	shalt  }
0x42: {  	_ =	shalt  }
0x43: {  	_ =	shalt  }
0x44: {  	_ =	shalt  }
0x45: {  	_ =	shalt  }
0x46: {  	_ =	shalt  }
0x47: {  	_ =	shalt  }
0x48: {  	_ =	shalt  }
0x49: {  	_ =	shalt  }
0x4a: {  	_ =	shalt  }
0x4b: {  	_ =	shalt  }
0x4c: {  	_ =	shalt  }
0x4d: {  	_ =	shalt  }
0x4e: {  	_ =	shalt  }
0x4f: {  	_ =	shalt  }
0x50: {  	_ =	shalt  }
0x51: {  	_ =	shalt  }
0x52: {  	_ =	shalt  }
0x53: {  	_ =	shalt  }
0x54: {  	_ =	shalt  }
0x55: {  	_ =	shalt  }
0x56: {  	_ =	shalt  }
0x57: {  	_ =	shalt  }
0x58: {  	_ =	shalt  }
0x59: {  	_ =	shalt  }
0x5a: {  	_ =	shalt  }
0x5b: {  	_ =	shalt  }
0x5c: {  	_ =	shalt  }
0x5d: {  	_ =	shalt  }
0x5e: {  	_ =	shalt  }
0x5f: {  	_ =	shalt  }
0x60: {  	_ =	shalt  }
0x61: {  	_ =	shalt  }
0x62: {  	_ =	shalt  }
0x63: {  	_ =	shalt  }
0x64: {  	_ =	shalt  }
0x65: {  	_ =	shalt  }
0x66: {  	_ =	shalt  }
0x67: {  	_ =	shalt  }
0x68: {  	_ =	shalt  }
0x69: {  	_ =	shalt  }
0x6a: {  	_ =	shalt  }
0x6b: {  	_ =	shalt  }
0x6c: {  	_ =	shalt  }
0x6d: {  	_ =	shalt  }
0x6e: {  	_ =	shalt  }
0x6f: {  	_ =	shalt  }
0x70: {  	_ =	shalt  }
0x71: {  	_ =	shalt  }
0x72: {  	_ =	shalt  }
0x73: {  	_ =	shalt  }
0x74: {  	_ =	shalt  }
0x75: {  	_ =	shalt  }
0x76: {  	_ =	shalt  }
0x77: {  	_ =	shalt  }
0x78: {  	_ =	shalt  }
0x79: {  	_ =	shalt  }
0x7a: {  	_ =	shalt  }
0x7b: {  	_ =	shalt  }
0x7c: {  	_ =	shalt  }
0x7d: {  	_ =	shalt  }
0x7e: {  	_ =	shalt  }
0x7f: {  	_ =	shalt  }
0x80: {  	_ =	shalt  }
0x81: {  	_ =	shalt  }
0x82: {  	_ =	shalt  }
0x83: {  	_ =	shalt  }
0x84: {  	_ =	shalt  }
0x85: {  	_ =	shalt  }
0x86: {  	_ =	shalt  }
0x87: {  	_ =	shalt  }
.Lfunc_end0:
.L_simem_size_0:
called_computation.2_lowered:
.L_overlay_start_0:
0x88: {  	s2 =	sld [smem:$0x3FD9]  }
0x89: {  	s3 =	sld [smem:$0x3FFE];
	_ =	sdelay $0x1  }
0x8a: {  	s1 =	srdreg.scid  }
0x8b: {  	s0 =	sand.u32 $0x1, s1  }
0x8c: {  	s16 =	sshll.u32 s0, $0xA;
	s2 =	sadd.s32 s3, s2  }
0x8d: {  	s2 =	sadd.s32 s2, s16  }
0x8e: {  	[smem:$0x3FBD] =	sst s2  }
0x8f: {  	_ = 	snop  }
0x90: {  	(tm) =	ssettm $0x1  }
0x91: {  	s17 =	sld [smem:$0x3FFB];
	_ =	sdelay $0x3  }
0x92: {  	_ =	strace s17  }
0x93: {  	s2 =	sld [smem:$0x3FFC];
	_ =	sdelay $0x3  }
0x94: {  	_ =	strace s2  }
0x95: {  	s2 =	sld [smem:$0x3FFD];
	_ =	sdelay $0x3  }
0x96: {  	_ =	strace s2  }
0x97: {  	_ =	strace $0x8FFFFFFF  }
0x98: {  	s18 =	sld [smem:$0x3FDB];
	_ =	sdelay $0x1  }
0x99: {  	s19 =	simm.s32 $_scs_section_size  }
0x9a: {  	s4 =	simm.s32 $_size__tile_overlayer_lowered;
	s5 =	simm.s32 $_tile_overlayer_lowered  }
0x9b: {  	s22 =	simm.s32 $0x1BFF;
	s21 =	sshll.u32 s5, $0x1;
	s2 =	sadd.s32 s19, s18  }
0x9c: {  	s6 =	simm.s32 $0x0;
	s20 =	sshll.u32 s4, $0x1;
	s4 =	sadd.s32 s21, s2  }
0x9d: {  	[timem:s6], [sflag:s22] =	dma.local [hbm:s4], s20  }
0x9e: {  	_ =	swait.ge [sflag:s22], s20  }
0x9f: {  	s3 =	ssub.s32 $0x0, s20;
	[sflag:s22] =	ssyncset.done $0x0  }
0xa0: {  	[sflag:s22] =	ssyncadd.s32 s3;
	_ =	sdelay $0x1  }
0xa1: {  	s23 =	simm.s32 $0x1B8B  }
0xa2: {  	_ =	swait.ge [sflag:s23], $0x1  }
0xa3: {  	[sflag:s23] =	ssyncset.done $0x0  }
0xa4: {  	s25 =	simm.s32 $0x1B8E;
	s24 =	sld [smem:$0x3FFE];
	[sflag:s23] =	ssyncadd.s32 $0xFFFFFFFF  }
0xa5: {  	s26 =	simm.s32 $execute0_lowered;
	[smem:$0x3FD2] =	sst s25  }
0xa6: {  	s4 =	sshll.u32 s26, $0x1;
	_ =	strace $0x8000004C;
	[dreg:$0x1] =	wrdreg $0xFFFFFFFF  }
0xa7: {  	s28 =	simm.s32 $_size_execute0_lowered;
	s2 =	sadd.s32 s2, s4;
	[dreg:$0x0] =	wrdreg $0x0  }
0xa8: {  	s4 =	sshll.u32 s28, $0x1;
	[dreg:$0x2] =	wrdreg s2  }
0xa9: {  	[dreg:$0x3] =	wrdreg s4  }
0xaa: {  	[dreg:$0x4] =	wrdreg $0xC0  }
0xab: {  	_ =	task [dreg:s6], $0x5FFFF  }
0xac: {  	[dreg:$0x1] =	wrdreg $0xFFFFFFFF  }
0xad: {  	[dreg:$0x0] =	wrdreg $0x60  }
0xae: {  	[dreg:$0x2] =	wrdreg s24  }
0xaf: {  	[dreg:$0x3] =	wrdreg $0xA8000  }
0xb0: {  	[dreg:$0x4] =	wrdreg $0x9  }
0xb1: {  	_ =	task.clear_ibuf [dreg:s6], $0x5FFFF;
	_ =	strace $0x9000004C  }
0xb2: {  	s29 =	simm.s32 $0x9;
	_ =	strace $0x8000004E  }
0xb3: {  	_ =	swait.ge [sflag:s29], $0x1  }
0xb4: {  	[sflag:s29] =	ssyncadd.s32 $0xFFFFFFFF  }
0xb5: {  	_ =	strace $0x9000004E  }
0xb6: {  	_ =	sfence  }
0xb7: {  	s30 =	sld [smem:$0x0];
	_ =	sdelay $0x2  }
0xb8: {  	s31 =	sshll.u32 s1, $0xD;
	s1 =	sshrl.u32 s1, $0x2  }
0xb9: {  	s3 =	sand.u32 $0x4000, s31;
	s1 =	sadd.s32 s1, s30  }
0xba: {  	s0 =	sor.u32 s3, s0;
	s1 =	sshll.u32 s1, $0x11  }
0xbb: {  	s0 =	sor.u32 s1, s0  }
0xbc: {  	s0 =	sadd.s32 $0x8F2B, s0  }
0xbd: {  	[sflag:s0] =	ssyncadd.remote.s32 $0x1  }
0xbe: {  	_ =	sfence.sel $0xFFFF  }
0xbf: {  	[dreg:$0x0] =	wrdreg $0xFFFFFFFF;
	(pc) =	sbr.abs _section_cstart, $3  }
0xc0: {  	[dreg:$0x1] =	wrdreg $0xFFFFFFFF  }
0xc1: {  	_ =	task.clear_ibuf [dreg:s6], $0x2FFFF;
	_ =	strace $0x9FFFFFFF  }
0xc2: {  	(tm) =	ssettm $0x7FFFFFFF  }
0xc3: {  	_ =	shalt  }
tec
execute0_lowered:
.L_overlay_start_1:
0x0: {  	(tag) =	ssettag $0x1  }
0x1: {  	s5 =	rddreg [dreg:$0x0]  }
0x2: {  	s2 =	rddreg [dreg:$0x1]  }
0x3: {  	s0 =	rddreg [dreg:$0x2]  }
0x4: {  	s4 =	srdreg.scid;
	s1 =	stileid.u32;
	s3 =	simm.s32 $0x0  }
0x5: {  	s17 =	simm.s32 $0x5;
	s18 =	simm.s32 $0x1400;
	s19 =	simm.s32 $0x1  }
0x6: {  	s20 =	simm.s32 $0x80;
	s21 =	simm.s32 $0x6800;
	s22 =	simm.s32 $0x2  }
0x7: {  	s23 =	simm.s32 $0x3;
	s24 =	simm.s32 $0x4;
	s25 =	simm.s32 $0x0  }
0x8: {  	s6 =	sand.u32 $0x1, s4;
	s7 =	smul.u32 $0x2800, s1;
	[smem:$0x7FF] =	sst s3  }
0x9: {  	s4 =	sadd.s32 $0x40400, s5;
	s12 =	sadd.s32 $0xF200, s5;
	s26 =	smul.u32 $0x50000, s1  }
0xa: {  	s13 =	sadd.s32 $0x5200, s5;
	s28 =	sshll.u32 s1, $0x1;
	s8 =	smul.u32 $0x28000, s6  }
0xb: {  	_ =	strace $0x8000004D;
	s29 =	ssub.s32 $0x2, s6;
	s9 =	sor.u32 s6, s28  }
0xc: {  	s30 =	sshrl.u32 s26, $0x2;
	s31 =	sshrl.u32 s29, $0x1;
	s10 =	smul.u32 $0x2800, s9  }
0xd: {  	s11 =	smul.u32 $0x500, s9;
	s7 =	sadd.s32 s7, s8;
	s15 =	ssub.s32 s29, s31  }
0xe: {  	s14 =	sadd.s32 s7, s5;
	s5 =	sadd.s32 s30, s2;
	s16 =	sshrl.u32 s10, $0x3  }
0xf: {  	s10 =	sadd.s32 s12, s11;
	s11 =	sadd.s32 s13, s11;
	s15 =	smax.u32 s15, $0x1  }
0x10: {  	s6 =	sadd.s32 $0x4000, s5;
	s7 =	sadd.s32 $0x8000, s5;
	s8 =	sadd.s32 $0xC000, s5  }
0x11: {  	s9 =	sadd.s32 $0x10000, s5;
	s16 =	sadd.s32 $0x280, s16;
	s14 =	sadd.s32 $0x67600, s14  }
0x12: {  	v0 =	vimm.f32 $0.0e+00;
	s12 =	sadd.s32 s12, s16;
	s13 =	sadd.s32 s13, s16;
	s16 =	simm.s32 $0x2800  }
.LBB2_1:
0x13: {  	s26 =	sand.u32 $0xFE00, s3  }
0x14: {  	s28 =	sand.u32 $0x70, s3;
	s29 =	sshrl.u32 s26, $0x2  }
0x15: {  	s26 =	simm.s32 $0x40;
	s29 =	sor.u32 s28, s29;
	s28 =	simm.s32 $0x0  }
.LBB2_2:
0x16: {  	p0 =	sne.s32 s26, $0xFFC0  }
0x17: {  	[tilespmem:s29+$0x2800] =	vst v0;
	s28 =	sadd.s32 $0x10, s28;
	s29 =	smov.u32 s26;
	s26 =	sadd.s32 $0x40, s26  }
.Ltmp0:
0x18: {  	(pc) =	sbr.rel @p0 .LBB2_2-.Ltmp0, $4  }
0x19: {  	_ = 	snop  }
0x1a: {  	s29 =	sand.u32 $0xFE00, s29  }
0x1b: {  	s30 =	sand.u32 $0x70, s28;
	s29 =	sshrl.u32 s29, $0x2  }
0x1c: {  	s29 =	sor.u32 s30, s29  }
0x1d: {  	[tilespmem:s29+$0x2800] =	vst v0  }
0x1e: {  	[spmem:s5] =	stream.linear.scatter [tilespmem:s16], [sflag:$0x1], $0x4000, $0x38;
	[tilespmem:$0x1E800] =	vst v63  }
0x1f: {  	_ = 	snop  }
0x20: {  	[spmem:s6] =	stream.linear.scatter [tilespmem:s16], [sflag:$0x1], $0x4000, $0x38;
	[tilespmem:$0x1E800] =	vst v63  }
0x21: {  	_ = 	snop  }
0x22: {  	[spmem:s7] =	stream.linear.scatter [tilespmem:s16], [sflag:$0x1], $0x4000, $0x38;
	[tilespmem:$0x1E800] =	vst v63  }
0x23: {  	_ = 	snop  }
0x24: {  	[spmem:s8] =	stream.linear.scatter [tilespmem:s16], [sflag:$0x1], $0x4000, $0x38;
	[tilespmem:$0x1E800] =	vst v63  }
0x25: {  	_ = 	snop  }
0x26: {  	[spmem:s9] =	stream.linear.scatter [tilespmem:s16], [sflag:$0x1], $0x4000, $0x38;
	[tilespmem:$0x1E800] =	vst v63  }
0x27: {  	s26 =	simm.s32 $0x0  }
0x28: {  	[tilespmem:s26], [sflag:$0x5] =	stream.linear.gather [hbm4b:s10+s26], $0x1400, $0x38;
	[tilespmem:$0x1E800] =	vst v63  }
0x29: {  	_ =	swait.ge [sflag:s17], $0x1400  }
0x2a: {  	[sflag:s17] =	ssyncset.done $0x0  }
0x2b: {  	[sflag:s17] =	ssyncadd.s32 $0xFFFFEC00  }
0x2c: {  	[tilespmem:s18], [sflag:$0x5] =	stream.linear.gather [hbm4b:s11+s26], $0x1400, $0x38;
	[tilespmem:$0x1E800] =	vst v63  }
0x2d: {  	_ =	swait.ge [sflag:s17], $0x1400  }
0x2e: {  	[sflag:s17] =	ssyncset.done $0x0  }
0x2f: {  	[sflag:s17] =	ssyncadd.s32 $0xFFFFEC00  }
0x30: {  	_ =	swait.ge [sflag:s19], $0x4000  }
0x31: {  	[sflag:s19] =	ssyncset.done $0x0  }
0x32: {  	[sflag:s19] =	ssyncadd.s32 $0xFFFFC000  }
0x33: {  	_ =	swait.ge [sflag:s19], $0x4000  }
0x34: {  	[sflag:s19] =	ssyncset.done $0x0  }
0x35: {  	[sflag:s19] =	ssyncadd.s32 $0xFFFFC000  }
0x36: {  	_ =	swait.ge [sflag:s19], $0x4000  }
0x37: {  	[sflag:s19] =	ssyncset.done $0x0  }
0x38: {  	[sflag:s19] =	ssyncadd.s32 $0xFFFFC000  }
0x39: {  	_ =	swait.ge [sflag:s19], $0x4000  }
0x3a: {  	[sflag:s19] =	ssyncset.done $0x0  }
0x3b: {  	[sflag:s19] =	ssyncadd.s32 $0xFFFFC000  }
0x3c: {  	_ =	swait.ge [sflag:s19], $0x4000  }
0x3d: {  	[sflag:s19] =	ssyncset.done $0x0  }
0x3e: {  	[sflag:s19] =	ssyncadd.s32 $0xFFFFC000  }
0x3f: {  	s31 =	simm.s32 $0x0;
	[bflag:$0x0] =	sbarrier.arrive $0xFFFF  }
0x40: {  	[tilespmem:s16], [sflag:$0x1] =	stream.indirect.gather [hbm4b:s4+s20], $0x80, s31, s20, $0xb8;
	[tilespmem:$0x1E800] =	vst v63  }
0x41: {  	s29 =	simm.s32 $0x80  }
0x42: {  	[tilespmem:s21], [sflag:$0x2] =	stream.indirect.gather [hbm4b:s4+s20], $0x80, s29, s20, $0xb8;
	[tilespmem:$0x1E800] =	vst v63  }
0x43: {  	_ =	swait.ge [sflag:s19], $0x4000  }
0x44: {  	[sflag:s19] =	ssyncset.done $0x0  }
0x45: {  	s30 =	simm.s32 $0x1400;
	[sflag:s19] =	ssyncadd.s32 $0xFFFFC000  }
0x46: {  	[spmem:s2] =	stream.indirect.scatter.add.f32 [tilespmem:s16], [sflag:$0x3], $0x80, s30, s20, $0xb8;
	[tilespmem:$0x1E800] =	vst v63  }
0x47: {  	_ =	swait.ge [sflag:s22], $0x4000  }
0x48: {  	[sflag:s22] =	ssyncset.done $0x0  }
0x49: {  	s31 =	simm.s32 $0x1480;
	[sflag:s22] =	ssyncadd.s32 $0xFFFFC000  }
0x4a: {  	[spmem:s2] =	stream.indirect.scatter.add.f32 [tilespmem:s21], [sflag:$0x4], $0x80, s31, s20, $0xb8;
	[tilespmem:$0x1E800] =	vst v63  }
0x4b: {  	_ =	swait.ge [sflag:s23], $0x4000  }
0x4c: {  	[sflag:s23] =	ssyncset.done $0x0  }
0x4d: {  	[sflag:s23] =	ssyncadd.s32 $0xFFFFC000  }
0x4e: {  	_ =	swait.ge [sflag:s24], $0x4000  }
0x4f: {  	s28 =	simm.s32 $0x800;
	s26 =	simm.s32 $0x400;
	[sflag:s24] =	ssyncset.done $0x0  }
.LBB2_4:
0x50: {  	s29 =	sshra.s32 s26, $0x2  }
0x51: {  	[sflag:s24] =	ssyncadd.s32 $0xFFFFC000;
	s26 =	smov.u32 s28;
	s30 =	sadd.s32 $0x400, s28  }
0x52: {  	[tilespmem:s16], [sflag:$0x1] =	stream.indirect.gather [hbm4b:s4+s20], $0x80, s29, s20, $0xb8;
	[tilespmem:$0x1E800] =	vst v63  }
0x53: {  	p0 =	sne.s32 s28, $0x4C00;
	s28 =	sadd.s32 $0x80, s29  }
0x54: {  	[tilespmem:s21], [sflag:$0x2] =	stream.indirect.gather [hbm4b:s4+s20], $0x80, s28, s20, $0xb8;
	[tilespmem:$0x1E800] =	vst v63  }
0x55: {  	_ =	swait.ge [sflag:s19], $0x4000  }
0x56: {  	[sflag:s19] =	ssyncset.done $0x0  }
0x57: {  	s28 =	sadd.s32 $0x1400, s29;
	[sflag:s19] =	ssyncadd.s32 $0xFFFFC000  }
0x58: {  	[spmem:s2] =	stream.indirect.scatter.add.f32 [tilespmem:s16], [sflag:$0x3], $0x80, s28, s20, $0xb8;
	[tilespmem:$0x1E800] =	vst v63  }
0x59: {  	_ =	swait.ge [sflag:s22], $0x4000  }
0x5a: {  	[sflag:s22] =	ssyncset.done $0x0  }
0x5b: {  	s28 =	sadd.s32 $0x1480, s29;
	[sflag:s22] =	ssyncadd.s32 $0xFFFFC000  }
0x5c: {  	[spmem:s2] =	stream.indirect.scatter.add.f32 [tilespmem:s21], [sflag:$0x4], $0x80, s28, s20, $0xb8;
	[tilespmem:$0x1E800] =	vst v63  }
.Ltmp1:
0x5d: {  	_ =	swait.ge [sflag:s23], $0x4000;
	(pc) =	sbr.rel @p0 .LBB2_4-.Ltmp1, $4  }
0x5e: {  	[sflag:s23] =	ssyncset.done $0x0  }
0x5f: {  	[sflag:s23] =	ssyncadd.s32 $0xFFFFC000  }
0x60: {  	_ =	swait.ge [sflag:s24], $0x4000  }
0x61: {  	s28 =	smov.u32 s30;
	[sflag:s24] =	ssyncset.done $0x0  }
0x62: {  	s26 =	sshra.s32 s26, $0x2;
	[sflag:s24] =	ssyncadd.s32 $0xFFFFC000  }
0x63: {  	[tilespmem:s16], [sflag:$0x1] =	stream.indirect.gather [hbm4b:s4+s20], $0x80, s26, s20, $0xb8;
	[tilespmem:$0x1E800] =	vst v63  }
0x64: {  	s28 =	sadd.s32 $0x80, s26  }
0x65: {  	[tilespmem:s21], [sflag:$0x2] =	stream.indirect.gather [hbm4b:s4+s20], $0x80, s28, s20, $0xb8;
	[tilespmem:$0x1E800] =	vst v63  }
0x66: {  	_ =	swait.ge [sflag:s19], $0x4000  }
0x67: {  	[sflag:s19] =	ssyncset.done $0x0  }
0x68: {  	s28 =	sadd.s32 $0x1400, s26;
	[sflag:s19] =	ssyncadd.s32 $0xFFFFC000  }
0x69: {  	[spmem:s2] =	stream.indirect.scatter.add.f32 [tilespmem:s16], [sflag:$0x3], $0x80, s28, s20, $0xb8;
	[tilespmem:$0x1E800] =	vst v63  }
0x6a: {  	_ =	swait.ge [sflag:s22], $0x4000  }
0x6b: {  	[sflag:s22] =	ssyncset.done $0x0  }
0x6c: {  	s26 =	sadd.s32 $0x1480, s26;
	[sflag:s22] =	ssyncadd.s32 $0xFFFFC000  }
0x6d: {  	[spmem:s2] =	stream.indirect.scatter.add.f32 [tilespmem:s21], [sflag:$0x4], $0x80, s26, s20, $0xb8;
	[tilespmem:$0x1E800] =	vst v63  }
0x6e: {  	_ =	swait.ge [sflag:s23], $0x4000  }
0x6f: {  	[sflag:s23] =	ssyncset.done $0x0  }
0x70: {  	[sflag:s23] =	ssyncadd.s32 $0xFFFFC000  }
0x71: {  	_ =	swait.ge [sflag:s24], $0x4000  }
0x72: {  	[sflag:s24] =	ssyncset.done $0x0  }
0x73: {  	s30 =	simm.s32 $0x0;
	[sflag:s24] =	ssyncadd.s32 $0xFFFFC000  }
0x74: {  	[tilespmem:s30], [sflag:$0x5] =	stream.linear.gather [hbm4b:s12+s30], $0x1400, $0x38;
	[tilespmem:$0x1E800] =	vst v63  }
0x75: {  	_ =	swait.ge [sflag:s17], $0x1400  }
0x76: {  	[sflag:s17] =	ssyncset.done $0x0  }
0x77: {  	[sflag:s17] =	ssyncadd.s32 $0xFFFFEC00  }
0x78: {  	[tilespmem:s18], [sflag:$0x5] =	stream.linear.gather [hbm4b:s13+s30], $0x1400, $0x38;
	[tilespmem:$0x1E800] =	vst v63  }
0x79: {  	_ =	swait.ge [sflag:s17], $0x1400  }
0x7a: {  	[sflag:s17] =	ssyncset.done $0x0  }
0x7b: {  	s31 =	simm.s32 $0x0;
	[sflag:s17] =	ssyncadd.s32 $0xFFFFEC00  }
0x7c: {  	[tilespmem:s16], [sflag:$0x1] =	stream.indirect.gather [hbm4b:s4+s20], $0x80, s31, s20, $0xb8;
	[tilespmem:$0x1E800] =	vst v63  }
0x7d: {  	s29 =	simm.s32 $0x80  }
0x7e: {  	[tilespmem:s21], [sflag:$0x2] =	stream.indirect.gather [hbm4b:s4+s20], $0x80, s29, s20, $0xb8;
	[tilespmem:$0x1E800] =	vst v63  }
0x7f: {  	_ =	swait.ge [sflag:s19], $0x4000  }
0x80: {  	[sflag:s19] =	ssyncset.done $0x0  }
0x81: {  	s30 =	simm.s32 $0x1400;
	[sflag:s19] =	ssyncadd.s32 $0xFFFFC000  }
0x82: {  	[spmem:s2] =	stream.indirect.scatter.add.f32 [tilespmem:s16], [sflag:$0x3], $0x80, s30, s20, $0xb8;
	[tilespmem:$0x1E800] =	vst v63  }
0x83: {  	_ =	swait.ge [sflag:s22], $0x4000  }
0x84: {  	[sflag:s22] =	ssyncset.done $0x0  }
0x85: {  	s31 =	simm.s32 $0x1480;
	[sflag:s22] =	ssyncadd.s32 $0xFFFFC000  }
0x86: {  	[spmem:s2] =	stream.indirect.scatter.add.f32 [tilespmem:s21], [sflag:$0x4], $0x80, s31, s20, $0xb8;
	[tilespmem:$0x1E800] =	vst v63  }
0x87: {  	_ =	swait.ge [sflag:s23], $0x4000  }
0x88: {  	[sflag:s23] =	ssyncset.done $0x0  }
0x89: {  	[sflag:s23] =	ssyncadd.s32 $0xFFFFC000  }
0x8a: {  	_ =	swait.ge [sflag:s24], $0x4000  }
0x8b: {  	s28 =	simm.s32 $0x800;
	s26 =	simm.s32 $0x400;
	[sflag:s24] =	ssyncset.done $0x0  }
.LBB2_6:
0x8c: {  	s29 =	sshra.s32 s26, $0x2  }
0x8d: {  	[sflag:s24] =	ssyncadd.s32 $0xFFFFC000;
	s26 =	smov.u32 s28;
	s30 =	sadd.s32 $0x400, s28  }
0x8e: {  	[tilespmem:s16], [sflag:$0x1] =	stream.indirect.gather [hbm4b:s4+s20], $0x80, s29, s20, $0xb8;
	[tilespmem:$0x1E800] =	vst v63  }
0x8f: {  	p0 =	sne.s32 s28, $0x4C00;
	s28 =	sadd.s32 $0x80, s29  }
0x90: {  	[tilespmem:s21], [sflag:$0x2] =	stream.indirect.gather [hbm4b:s4+s20], $0x80, s28, s20, $0xb8;
	[tilespmem:$0x1E800] =	vst v63  }
0x91: {  	_ =	swait.ge [sflag:s19], $0x4000  }
0x92: {  	[sflag:s19] =	ssyncset.done $0x0  }
0x93: {  	s28 =	sadd.s32 $0x1400, s29;
	[sflag:s19] =	ssyncadd.s32 $0xFFFFC000  }
0x94: {  	[spmem:s2] =	stream.indirect.scatter.add.f32 [tilespmem:s16], [sflag:$0x3], $0x80, s28, s20, $0xb8;
	[tilespmem:$0x1E800] =	vst v63  }
0x95: {  	_ =	swait.ge [sflag:s22], $0x4000  }
0x96: {  	[sflag:s22] =	ssyncset.done $0x0  }
0x97: {  	s28 =	sadd.s32 $0x1480, s29;
	[sflag:s22] =	ssyncadd.s32 $0xFFFFC000  }
0x98: {  	[spmem:s2] =	stream.indirect.scatter.add.f32 [tilespmem:s21], [sflag:$0x4], $0x80, s28, s20, $0xb8;
	[tilespmem:$0x1E800] =	vst v63  }
.Ltmp2:
0x99: {  	_ =	swait.ge [sflag:s23], $0x4000;
	(pc) =	sbr.rel @p0 .LBB2_6-.Ltmp2, $4  }
0x9a: {  	[sflag:s23] =	ssyncset.done $0x0  }
0x9b: {  	[sflag:s23] =	ssyncadd.s32 $0xFFFFC000  }
0x9c: {  	_ =	swait.ge [sflag:s24], $0x4000  }
0x9d: {  	s28 =	smov.u32 s30;
	[sflag:s24] =	ssyncset.done $0x0  }
0x9e: {  	s26 =	sshra.s32 s26, $0x2;
	[sflag:s24] =	ssyncadd.s32 $0xFFFFC000  }
0x9f: {  	[tilespmem:s16], [sflag:$0x1] =	stream.indirect.gather [hbm4b:s4+s20], $0x80, s26, s20, $0xb8;
	[tilespmem:$0x1E800] =	vst v63  }
0xa0: {  	s28 =	sadd.s32 $0x80, s26  }
0xa1: {  	[tilespmem:s21], [sflag:$0x2] =	stream.indirect.gather [hbm4b:s4+s20], $0x80, s28, s20, $0xb8;
	[tilespmem:$0x1E800] =	vst v63  }
0xa2: {  	_ =	swait.ge [sflag:s19], $0x4000  }
0xa3: {  	[sflag:s19] =	ssyncset.done $0x0  }
0xa4: {  	s29 =	sadd.s32 $0x1400, s26;
	[sflag:s19] =	ssyncadd.s32 $0xFFFFC000  }
0xa5: {  	[spmem:s2] =	stream.indirect.scatter.add.f32 [tilespmem:s16], [sflag:$0x3], $0x80, s29, s20, $0xb8;
	[tilespmem:$0x1E800] =	vst v63  }
0xa6: {  	_ =	swait.ge [sflag:s22], $0x4000  }
0xa7: {  	[sflag:s22] =	ssyncset.done $0x0  }
0xa8: {  	s26 =	sadd.s32 $0x1480, s26;
	[sflag:s22] =	ssyncadd.s32 $0xFFFFC000  }
0xa9: {  	[spmem:s2] =	stream.indirect.scatter.add.f32 [tilespmem:s21], [sflag:$0x4], $0x80, s26, s20, $0xb8;
	[tilespmem:$0x1E800] =	vst v63  }
0xaa: {  	_ =	swait.ge [sflag:s23], $0x4000  }
0xab: {  	[sflag:s23] =	ssyncset.done $0x0  }
0xac: {  	[sflag:s23] =	ssyncadd.s32 $0xFFFFC000  }
0xad: {  	_ =	swait.ge [sflag:s24], $0x4000  }
0xae: {  	s30 =	sshll.u32 s1, $0x6;
	s25 =	sadd.s32 $0x1, s25;
	[sflag:s24] =	ssyncset.done $0x0  }
0xaf: {  	s31 =	sshrl.u32 s5, $0x3;
	p0 =	sne.s32 s25, s15;
	[sflag:s24] =	ssyncadd.s32 $0xFFFFC000  }
.Ltmp3:
0xb0: {  	s26 =	sor.u32 $0x1C05, s30;
	[bflag:$0x0] =	sbarrier.arrive $0xFFFF;
	(pc) =	sbr.rel @p0 .LBB2_1-.Ltmp3, $4  }
0xb1: {  	[hbm:s14], [sflag:s26] =	dma.local [spmem:s31], $0x2800  }
0xb2: {  	_ =	swait.ge [sflag:s17], $0x2800  }
0xb3: {  	[sflag:s17] =	ssyncset.done $0x0  }
0xb4: {  	[sflag:s17] =	ssyncadd.s32 $0xFFFFD800  }
0xb5: {  	_ =	sfence.sel $0x180000  }
0xb6: {  	[bflag:$0x0] =	sbarrier.arrive $0xFFFF  }
0xb7: {  	p0 =	sne.s32 s1, $0x0;
	_ =	strace $0x9000004D  }
0xb8: {  	s0 =	sadd.s32 @!p0 $0x100000, s0;
	[bflag:$0x2] =	sbarrier.arrive $0xFFFF  }
0xb9: {  	[sflag:s0] =	ssyncadd.tile.s32 @!p0 $0x1;
	_ =	shalt  }
.Lfunc_end2:
_tile_overlayer_lowered:
.L_overlay_start_2:
0xba: {  	(tag) =	ssettag $0x2  }
0xbb: {  	s0 =	rddreg [dreg:$0x0];
	s2 =	stileid.u32  }
0xbc: {  	s1 =	rddreg [dreg:$0x1];
	p0 =	sne.s32 s2, $0x0  }
0xbd: {  	s3 =	rddreg [dreg:$0x2];
	[bflag:$0x3] =	sbarrier.arrive $0xFFFF;
	s2 =	simm.s32 @!p0 $0x1C05  }
0xbe: {  	[timem:s3], [sflag:s2] =	dma.local @!p0 [hbm:s0], s1  }
0xbf: {  	s0 =	simm.s32 @!p0 $0x5  }
0xc0: {  	_ =	swait.ge @!p0 [sflag:s0], s1  }
0xc1: {  	s1 =	ssub.s32 @!p0 $0x0, s1;
	[sflag:s0] =	ssyncset.done @!p0 $0x0  }
0xc2: {  	[sflag:s0] =	ssyncadd.s32 @!p0 s1  }
0xc3: {  	[bflag:$0x3] =	sbarrier.arrive $0xFFFF  }
0xc4: {  	_ =	shalt  }

// kernel: kernel.20.cloned.1.call-start
scs
__scs_entry_jumppad:
0x0: {  	(pc) =	sbr.rel $0x88, $3  }
0x1: {  	(tag) =	ssettag $0x0;
	lr =	simm.s32 $0x1  }
0x2: {  	[smem:$0x3F96] =	sst lr;
	_ =	strace $0xD0000000  }
0x3: {  	_ = 	snop  }
0x4: {  	_ = 	snop  }
0x5: {  	_ = 	snop  }
0x6: {  	_ = 	snop  }
0x7: {  	_ = 	snop  }
__scs_overlays_trampoline_lowered:
0x8: {  	[smem:$0x3FA5] =	sst s0  }
0x9: {  	[smem:$0x3FA6] =	sst s1  }
0xa: {  	[smem:$0x3FA7] =	sst s2  }
0xb: {  	[smem:$0x3FA8] =	sst s3  }
0xc: {  	[smem:$0x3FA9] =	sst s4  }
0xd: {  	[smem:$0x3FAA] =	sst s5  }
0xe: {  	[smem:$0x3FAB] =	sst s6  }
0xf: {  	[smem:$0x3FAC] =	sst s7  }
0x10: {  	[smem:$0x3FAD] =	sst s8  }
0x11: {  	[smem:$0x3FAE] =	sst s9;
	s0 =	simm.s32 @!p0 $0x0  }
0x12: {  	s1 =	sld [smem:$0x3F94];
	s0 =	simm.s32 @p0 $0x1  }
0x13: {  	[smem:$0x3FAF] =	sst s0;
	s0 =	simm.s32 @!p1 $0x0  }
0x14: {  	s2 =	sld [smem:$0x3F93];
	s0 =	simm.s32 @p1 $0x1  }
0x15: {  	[smem:$0x3FB0] =	sst s0;
	s0 =	simm.s32 @!p2 $0x0  }
0x16: {  	s3 =	sld [smem:$0x3FDB];
	s0 =	simm.s32 @p2 $0x1  }
0x17: {  	s4 =	simm.s32 $0x1BF5;
	[smem:$0x3FB2] =	sst s0  }
0x18: {  	s0 =	sld [smem:$0x3F95];
	_ =	swait.ge [sflag:s4], $0x0  }
0x19: {  	s7 =	sld [smem:$0x3F96]  }
0x1a: {  	s8 =	sadd.s32 $0xFFFFE003, lr  }
0x1b: {  	s9 =	sadd.s32 $0xFFFFFEF7, lr;
	s5 =	simm.s32 $0xFFFFFFFF;
	p2 =	slt.u32 s8, $0xFFFFF086  }
0x1c: {  	p1 =	slt.u32 s9, $0xF7A;
	s5 =	simm.s32 @!p2 $0x0  }
0x1d: {  	s5 =	simm.s32 @p1 $0x1;
	p0 =	seq.s32 s7, s2  }
0x1e: {  	s7 =	smul.u32 @!p0 $0xF7A, s2;
	p2 =	seq.s32 @!p0 s5, $0x0  }
0x1f: {  	s9 =	smul.u32 $0xF7A, s1;
	s8 =	simm.s32 @!p0 $0x1BF5;
	p2 =	por !p2, p0  }
0x20: {  	[sflag:s8] =	ssyncset.s32 @!p0 $0xFFFFF086;
	s6 =	sadd.s32 @!p0 s3, s7;
	s7 =	simm.s32 @!p0 $0x108  }
0x21: {  	s3 =	sadd.s32 s3, s9;
	s6 =	sadd.s32 @!p0 $0x88, s6;
	s7 =	simm.s32 @p2 $0x1082  }
0x22: {  	[simem:s7], [sflag:s8] =	dma.local @!p0 [hbm:s6], $0xF7A  }
0x23: {  	s9 =	sor.u32 $0xD0000000, s2;
	s6 =	simm.s32 $0x108;
	_ =	swait.ge @!p0 [sflag:s8], $0x0  }
0x24: {  	s3 =	sadd.s32 $0x88, s3;
	s6 =	simm.s32 @!p1 $0x1082;
	[sflag:s4] =	ssyncset.s32 $0xFFFFF086  }
0x25: {  	[simem:s6], [sflag:s4] =	dma.local [hbm:s3], $0xF7A  }
0x26: {  	[smem:$0x3F96] =	sst s1;
	(tag) =	ssettag s2;
	_ =	strace s9  }
0x27: {  	s1 =	sld [smem:$0x3FA6]  }
0x28: {  	s2 =	sld [smem:$0x3FA7]  }
0x29: {  	s4 =	sld [smem:$0x3FA9]  }
0x2a: {  	p0 =	seq.s32 s5, $0x0;
	s5 =	sld [smem:$0x3FAA]  }
0x2b: {  	s6 =	sld [smem:$0x3FAB]  }
0x2c: {  	s7 =	sld [smem:$0x3FAC]  }
0x2d: {  	s3 =	simm.s32 $0x108;
	s8 =	sld [smem:$0x3FAD]  }
0x2e: {  	s3 =	simm.s32 @!p0 $0x1082;
	s9 =	sld [smem:$0x3FAE]  }
0x2f: {  	lr =	sadd.s32 s0, s3;
	s0 =	sld [smem:$0x3FA5]  }
0x30: {  	s3 =	sld [smem:$0x3FA8]  }
0x31: {  	[smem:$0x3FB1] =	sst s10  }
0x32: {  	s10 =	sld [smem:$0x3FAF];
	_ =	sdelay $0x3  }
0x33: {  	p0 =	seq.s32 s10, $0x1;
	s10 =	sld [smem:$0x3FB1];
	_ =	sdelay $0x3  }
0x34: {  	[smem:$0x3FB1] =	sst s10  }
0x35: {  	s10 =	sld [smem:$0x3FB0];
	_ =	sdelay $0x3  }
0x36: {  	p1 =	seq.s32 s10, $0x1;
	s10 =	sld [smem:$0x3FB1];
	_ =	sdelay $0x3  }
0x37: {  	[smem:$0x3FB1] =	sst s10  }
0x38: {  	s10 =	sld [smem:$0x3FB2]  }
0x39: {  	_ = 	snop;
	(pc) =	sbr.ind lr, $3  }
0x3a: {  	_ = 	snop  }
0x3b: {  	_ = 	snop  }
0x3c: {  	p2 =	seq.s32 s10, $0x1;
	s10 =	sld [smem:$0x3FB1]  }
0x3d: {  	_ =	shalt  }
0x3e: {  	_ =	shalt  }
0x3f: {  	_ =	shalt  }
0x40: {  	_ =	shalt  }
0x41: {  	_ =	shalt  }
0x42: {  	_ =	shalt  }
0x43: {  	_ =	shalt  }
0x44: {  	_ =	shalt  }
0x45: {  	_ =	shalt  }
0x46: {  	_ =	shalt  }
0x47: {  	_ =	shalt  }
0x48: {  	_ =	shalt  }
0x49: {  	_ =	shalt  }
0x4a: {  	_ =	shalt  }
0x4b: {  	_ =	shalt  }
0x4c: {  	_ =	shalt  }
0x4d: {  	_ =	shalt  }
0x4e: {  	_ =	shalt  }
0x4f: {  	_ =	shalt  }
0x50: {  	_ =	shalt  }
0x51: {  	_ =	shalt  }
0x52: {  	_ =	shalt  }
0x53: {  	_ =	shalt  }
0x54: {  	_ =	shalt  }
0x55: {  	_ =	shalt  }
0x56: {  	_ =	shalt  }
0x57: {  	_ =	shalt  }
0x58: {  	_ =	shalt  }
0x59: {  	_ =	shalt  }
0x5a: {  	_ =	shalt  }
0x5b: {  	_ =	shalt  }
0x5c: {  	_ =	shalt  }
0x5d: {  	_ =	shalt  }
0x5e: {  	_ =	shalt  }
0x5f: {  	_ =	shalt  }
0x60: {  	_ =	shalt  }
0x61: {  	_ =	shalt  }
0x62: {  	_ =	shalt  }
0x63: {  	_ =	shalt  }
0x64: {  	_ =	shalt  }
0x65: {  	_ =	shalt  }
0x66: {  	_ =	shalt  }
0x67: {  	_ =	shalt  }
0x68: {  	_ =	shalt  }
0x69: {  	_ =	shalt  }
0x6a: {  	_ =	shalt  }
0x6b: {  	_ =	shalt  }
0x6c: {  	_ =	shalt  }
0x6d: {  	_ =	shalt  }
0x6e: {  	_ =	shalt  }
0x6f: {  	_ =	shalt  }
0x70: {  	_ =	shalt  }
0x71: {  	_ =	shalt  }
0x72: {  	_ =	shalt  }
0x73: {  	_ =	shalt  }
0x74: {  	_ =	shalt  }
0x75: {  	_ =	shalt  }
0x76: {  	_ =	shalt  }
0x77: {  	_ =	shalt  }
0x78: {  	_ =	shalt  }
0x79: {  	_ =	shalt  }
0x7a: {  	_ =	shalt  }
0x7b: {  	_ =	shalt  }
0x7c: {  	_ =	shalt  }
0x7d: {  	_ =	shalt  }
0x7e: {  	_ =	shalt  }
0x7f: {  	_ =	shalt  }
0x80: {  	_ =	shalt  }
0x81: {  	_ =	shalt  }
0x82: {  	_ =	shalt  }
0x83: {  	_ =	shalt  }
0x84: {  	_ =	shalt  }
0x85: {  	_ =	shalt  }
0x86: {  	_ =	shalt  }
0x87: {  	_ =	shalt  }
.Lfunc_end0:
.L_simem_size_0:
called_computation.3_lowered:
.L_overlay_start_0:
0x88: {  	s2 =	sld [smem:$0x3FD9]  }
0x89: {  	s3 =	sld [smem:$0x3FFE];
	_ =	sdelay $0x1  }
0x8a: {  	s1 =	srdreg.scid  }
0x8b: {  	s0 =	sand.u32 $0x1, s1  }
0x8c: {  	s16 =	sshll.u32 s0, $0xA;
	s2 =	sadd.s32 s3, s2  }
0x8d: {  	s2 =	sadd.s32 s2, s16  }
0x8e: {  	[smem:$0x3FBD] =	sst s2  }
0x8f: {  	_ = 	snop  }
0x90: {  	(tm) =	ssettm $0x1  }
0x91: {  	s17 =	sld [smem:$0x3FFB];
	_ =	sdelay $0x3  }
0x92: {  	_ =	strace s17  }
0x93: {  	s2 =	sld [smem:$0x3FFC];
	_ =	sdelay $0x3  }
0x94: {  	_ =	strace s2  }
0x95: {  	s2 =	sld [smem:$0x3FFD];
	_ =	sdelay $0x3  }
0x96: {  	_ =	strace s2  }
0x97: {  	_ =	strace $0x8FFFFFFF  }
0x98: {  	s18 =	sld [smem:$0x3FDB];
	_ =	sdelay $0x1  }
0x99: {  	s19 =	simm.s32 $_scs_section_size  }
0x9a: {  	s4 =	simm.s32 $_size__tile_overlayer_lowered;
	s5 =	simm.s32 $_tile_overlayer_lowered  }
0x9b: {  	s22 =	simm.s32 $0x1BFF;
	s21 =	sshll.u32 s5, $0x1;
	s2 =	sadd.s32 s19, s18  }
0x9c: {  	s6 =	simm.s32 $0x0;
	s20 =	sshll.u32 s4, $0x1;
	s4 =	sadd.s32 s21, s2  }
0x9d: {  	[timem:s6], [sflag:s22] =	dma.local [hbm:s4], s20  }
0x9e: {  	_ =	swait.ge [sflag:s22], s20  }
0x9f: {  	s3 =	ssub.s32 $0x0, s20;
	[sflag:s22] =	ssyncset.done $0x0  }
0xa0: {  	[sflag:s22] =	ssyncadd.s32 s3;
	_ =	sdelay $0x1  }
0xa1: {  	s23 =	simm.s32 $0x1B8B  }
0xa2: {  	_ =	swait.ge [sflag:s23], $0x1  }
0xa3: {  	[sflag:s23] =	ssyncset.done $0x0  }
0xa4: {  	s25 =	simm.s32 $0x1B8E;
	s24 =	sld [smem:$0x3FFE];
	[sflag:s23] =	ssyncadd.s32 $0xFFFFFFFF  }
0xa5: {  	s26 =	simm.s32 $execute0_lowered;
	[smem:$0x3FD2] =	sst s25  }
0xa6: {  	s4 =	sshll.u32 s26, $0x1;
	_ =	strace $0x8000004F;
	[dreg:$0x1] =	wrdreg $0xFFFFFFFF  }
0xa7: {  	s28 =	simm.s32 $_size_execute0_lowered;
	s2 =	sadd.s32 s2, s4;
	[dreg:$0x0] =	wrdreg $0x0  }
0xa8: {  	s4 =	sshll.u32 s28, $0x1;
	[dreg:$0x2] =	wrdreg s2  }
0xa9: {  	[dreg:$0x3] =	wrdreg s4  }
0xaa: {  	[dreg:$0x4] =	wrdreg $0xC0  }
0xab: {  	_ =	task [dreg:s6], $0x5FFFF  }
0xac: {  	[dreg:$0x1] =	wrdreg $0xFFFFFFFF  }
0xad: {  	[dreg:$0x0] =	wrdreg $0x60  }
0xae: {  	[dreg:$0x2] =	wrdreg s24  }
0xaf: {  	[dreg:$0x3] =	wrdreg $0xA8000  }
0xb0: {  	[dreg:$0x4] =	wrdreg $0x9  }
0xb1: {  	_ =	task.clear_ibuf [dreg:s6], $0x5FFFF;
	_ =	strace $0x9000004F  }
0xb2: {  	s29 =	simm.s32 $0x9;
	_ =	strace $0x80000051  }
0xb3: {  	_ =	swait.ge [sflag:s29], $0x1  }
0xb4: {  	[sflag:s29] =	ssyncadd.s32 $0xFFFFFFFF  }
0xb5: {  	_ =	strace $0x90000051  }
0xb6: {  	_ =	sfence  }
0xb7: {  	s30 =	sld [smem:$0x0];
	_ =	sdelay $0x2  }
0xb8: {  	s31 =	sshll.u32 s1, $0xD;
	s1 =	sshrl.u32 s1, $0x2  }
0xb9: {  	s3 =	sand.u32 $0x4000, s31;
	s1 =	sadd.s32 s1, s30  }
0xba: {  	s0 =	sor.u32 s3, s0;
	s1 =	sshll.u32 s1, $0x11  }
0xbb: {  	s0 =	sor.u32 s1, s0  }
0xbc: {  	s0 =	sadd.s32 $0x8F2B, s0  }
0xbd: {  	[sflag:s0] =	ssyncadd.remote.s32 $0x1  }
0xbe: {  	_ =	sfence.sel $0xFFFF  }
0xbf: {  	[dreg:$0x0] =	wrdreg $0xFFFFFFFF;
	(pc) =	sbr.abs _section_cstart, $3  }
0xc0: {  	[dreg:$0x1] =	wrdreg $0xFFFFFFFF  }
0xc1: {  	_ =	task.clear_ibuf [dreg:s6], $0x2FFFF;
	_ =	strace $0x9FFFFFFF  }
0xc2: {  	(tm) =	ssettm $0x7FFFFFFF  }
0xc3: {  	_ =	shalt  }
tec
execute0_lowered:
.L_overlay_start_1:
0x0: {  	(tag) =	ssettag $0x1  }
0x1: {  	s5 =	rddreg [dreg:$0x0]  }
0x2: {  	s2 =	rddreg [dreg:$0x1]  }
0x3: {  	s0 =	rddreg [dreg:$0x2]  }
0x4: {  	s4 =	srdreg.scid;
	s1 =	stileid.u32;
	s3 =	simm.s32 $0x0  }
0x5: {  	s17 =	simm.s32 $0x5;
	s18 =	simm.s32 $0x1400;
	s19 =	simm.s32 $0x1  }
0x6: {  	s20 =	simm.s32 $0x80;
	s21 =	simm.s32 $0x6800;
	s22 =	simm.s32 $0x2  }
0x7: {  	s23 =	simm.s32 $0x3;
	s24 =	simm.s32 $0x4;
	s25 =	simm.s32 $0x0  }
0x8: {  	s6 =	sand.u32 $0x1, s4;
	s7 =	smul.u32 $0x2800, s1;
	[smem:$0x7FF] =	sst s3  }
0x9: {  	s4 =	sadd.s32 $0x40400, s5;
	s12 =	sadd.s32 $0xF200, s5;
	s26 =	smul.u32 $0x50000, s1  }
0xa: {  	s13 =	sadd.s32 $0x5200, s5;
	s28 =	sshll.u32 s1, $0x1;
	s8 =	smul.u32 $0x28000, s6  }
0xb: {  	_ =	strace $0x80000050;
	s29 =	ssub.s32 $0x2, s6;
	s9 =	sor.u32 s6, s28  }
0xc: {  	s30 =	sshrl.u32 s26, $0x2;
	s31 =	sshrl.u32 s29, $0x1;
	s10 =	smul.u32 $0x2800, s9  }
0xd: {  	s11 =	smul.u32 $0x500, s9;
	s7 =	sadd.s32 s7, s8;
	s15 =	ssub.s32 s29, s31  }
0xe: {  	s14 =	sadd.s32 s7, s5;
	s5 =	sadd.s32 s30, s2;
	s16 =	sshrl.u32 s10, $0x3  }
0xf: {  	s10 =	sadd.s32 s12, s11;
	s11 =	sadd.s32 s13, s11;
	s15 =	smax.u32 s15, $0x1  }
0x10: {  	s6 =	sadd.s32 $0x4000, s5;
	s7 =	sadd.s32 $0x8000, s5;
	s8 =	sadd.s32 $0xC000, s5  }
0x11: {  	s9 =	sadd.s32 $0x10000, s5;
	s16 =	sadd.s32 $0x280, s16;
	s14 =	sadd.s32 $0x67600, s14  }
0x12: {  	v0 =	vimm.f32 $0.0e+00;
	s12 =	sadd.s32 s12, s16;
	s13 =	sadd.s32 s13, s16;
	s16 =	simm.s32 $0x2800  }
.LBB2_1:
0x13: {  	s26 =	sand.u32 $0xFE00, s3  }
0x14: {  	s28 =	sand.u32 $0x70, s3;
	s29 =	sshrl.u32 s26, $0x2  }
0x15: {  	s26 =	simm.s32 $0x40;
	s29 =	sor.u32 s28, s29;
	s28 =	simm.s32 $0x0  }
.LBB2_2:
0x16: {  	p0 =	sne.s32 s26, $0xFFC0  }
0x17: {  	[tilespmem:s29+$0x2800] =	vst v0;
	s28 =	sadd.s32 $0x10, s28;
	s29 =	smov.u32 s26;
	s26 =	sadd.s32 $0x40, s26  }
.Ltmp0:
0x18: {  	(pc) =	sbr.rel @p0 .LBB2_2-.Ltmp0, $4  }
0x19: {  	_ = 	snop  }
0x1a: {  	s29 =	sand.u32 $0xFE00, s29  }
0x1b: {  	s30 =	sand.u32 $0x70, s28;
	s29 =	sshrl.u32 s29, $0x2  }
0x1c: {  	s29 =	sor.u32 s30, s29  }
0x1d: {  	[tilespmem:s29+$0x2800] =	vst v0  }
0x1e: {  	[spmem:s5] =	stream.linear.scatter [tilespmem:s16], [sflag:$0x1], $0x4000, $0x38;
	[tilespmem:$0x1E800] =	vst v63  }
0x1f: {  	_ = 	snop  }
0x20: {  	[spmem:s6] =	stream.linear.scatter [tilespmem:s16], [sflag:$0x1], $0x4000, $0x38;
	[tilespmem:$0x1E800] =	vst v63  }
0x21: {  	_ = 	snop  }
0x22: {  	[spmem:s7] =	stream.linear.scatter [tilespmem:s16], [sflag:$0x1], $0x4000, $0x38;
	[tilespmem:$0x1E800] =	vst v63  }
0x23: {  	_ = 	snop  }
0x24: {  	[spmem:s8] =	stream.linear.scatter [tilespmem:s16], [sflag:$0x1], $0x4000, $0x38;
	[tilespmem:$0x1E800] =	vst v63  }
0x25: {  	_ = 	snop  }
0x26: {  	[spmem:s9] =	stream.linear.scatter [tilespmem:s16], [sflag:$0x1], $0x4000, $0x38;
	[tilespmem:$0x1E800] =	vst v63  }
0x27: {  	s26 =	simm.s32 $0x0  }
0x28: {  	[tilespmem:s26], [sflag:$0x5] =	stream.linear.gather [hbm4b:s10+s26], $0x1400, $0x38;
	[tilespmem:$0x1E800] =	vst v63  }
0x29: {  	_ =	swait.ge [sflag:s17], $0x1400  }
0x2a: {  	[sflag:s17] =	ssyncset.done $0x0  }
0x2b: {  	[sflag:s17] =	ssyncadd.s32 $0xFFFFEC00  }
0x2c: {  	[tilespmem:s18], [sflag:$0x5] =	stream.linear.gather [hbm4b:s11+s26], $0x1400, $0x38;
	[tilespmem:$0x1E800] =	vst v63  }
0x2d: {  	_ =	swait.ge [sflag:s17], $0x1400  }
0x2e: {  	[sflag:s17] =	ssyncset.done $0x0  }
0x2f: {  	[sflag:s17] =	ssyncadd.s32 $0xFFFFEC00  }
0x30: {  	_ =	swait.ge [sflag:s19], $0x4000  }
0x31: {  	[sflag:s19] =	ssyncset.done $0x0  }
0x32: {  	[sflag:s19] =	ssyncadd.s32 $0xFFFFC000  }
0x33: {  	_ =	swait.ge [sflag:s19], $0x4000  }
0x34: {  	[sflag:s19] =	ssyncset.done $0x0  }
0x35: {  	[sflag:s19] =	ssyncadd.s32 $0xFFFFC000  }
0x36: {  	_ =	swait.ge [sflag:s19], $0x4000  }
0x37: {  	[sflag:s19] =	ssyncset.done $0x0  }
0x38: {  	[sflag:s19] =	ssyncadd.s32 $0xFFFFC000  }
0x39: {  	_ =	swait.ge [sflag:s19], $0x4000  }
0x3a: {  	[sflag:s19] =	ssyncset.done $0x0  }
0x3b: {  	[sflag:s19] =	ssyncadd.s32 $0xFFFFC000  }
0x3c: {  	_ =	swait.ge [sflag:s19], $0x4000  }
0x3d: {  	[sflag:s19] =	ssyncset.done $0x0  }
0x3e: {  	[sflag:s19] =	ssyncadd.s32 $0xFFFFC000  }
0x3f: {  	s31 =	simm.s32 $0x0;
	[bflag:$0x0] =	sbarrier.arrive $0xFFFF  }
0x40: {  	[tilespmem:s16], [sflag:$0x1] =	stream.indirect.gather [hbm4b:s4+s20], $0x80, s31, s20, $0xb8;
	[tilespmem:$0x1E800] =	vst v63  }
0x41: {  	s29 =	simm.s32 $0x80  }
0x42: {  	[tilespmem:s21], [sflag:$0x2] =	stream.indirect.gather [hbm4b:s4+s20], $0x80, s29, s20, $0xb8;
	[tilespmem:$0x1E800] =	vst v63  }
0x43: {  	_ =	swait.ge [sflag:s19], $0x4000  }
0x44: {  	[sflag:s19] =	ssyncset.done $0x0  }
0x45: {  	s30 =	simm.s32 $0x1400;
	[sflag:s19] =	ssyncadd.s32 $0xFFFFC000  }
0x46: {  	[spmem:s2] =	stream.indirect.scatter.add.f32 [tilespmem:s16], [sflag:$0x3], $0x80, s30, s20, $0xb8;
	[tilespmem:$0x1E800] =	vst v63  }
0x47: {  	_ =	swait.ge [sflag:s22], $0x4000  }
0x48: {  	[sflag:s22] =	ssyncset.done $0x0  }
0x49: {  	s31 =	simm.s32 $0x1480;
	[sflag:s22] =	ssyncadd.s32 $0xFFFFC000  }
0x4a: {  	[spmem:s2] =	stream.indirect.scatter.add.f32 [tilespmem:s21], [sflag:$0x4], $0x80, s31, s20, $0xb8;
	[tilespmem:$0x1E800] =	vst v63  }
0x4b: {  	_ =	swait.ge [sflag:s23], $0x4000  }
0x4c: {  	[sflag:s23] =	ssyncset.done $0x0  }
0x4d: {  	[sflag:s23] =	ssyncadd.s32 $0xFFFFC000  }
0x4e: {  	_ =	swait.ge [sflag:s24], $0x4000  }
0x4f: {  	s28 =	simm.s32 $0x800;
	s26 =	simm.s32 $0x400;
	[sflag:s24] =	ssyncset.done $0x0  }
.LBB2_4:
0x50: {  	s29 =	sshra.s32 s26, $0x2  }
0x51: {  	[sflag:s24] =	ssyncadd.s32 $0xFFFFC000;
	s26 =	smov.u32 s28;
	s30 =	sadd.s32 $0x400, s28  }
0x52: {  	[tilespmem:s16], [sflag:$0x1] =	stream.indirect.gather [hbm4b:s4+s20], $0x80, s29, s20, $0xb8;
	[tilespmem:$0x1E800] =	vst v63  }
0x53: {  	p0 =	sne.s32 s28, $0x4C00;
	s28 =	sadd.s32 $0x80, s29  }
0x54: {  	[tilespmem:s21], [sflag:$0x2] =	stream.indirect.gather [hbm4b:s4+s20], $0x80, s28, s20, $0xb8;
	[tilespmem:$0x1E800] =	vst v63  }
0x55: {  	_ =	swait.ge [sflag:s19], $0x4000  }
0x56: {  	[sflag:s19] =	ssyncset.done $0x0  }
0x57: {  	s28 =	sadd.s32 $0x1400, s29;
	[sflag:s19] =	ssyncadd.s32 $0xFFFFC000  }
0x58: {  	[spmem:s2] =	stream.indirect.scatter.add.f32 [tilespmem:s16], [sflag:$0x3], $0x80, s28, s20, $0xb8;
	[tilespmem:$0x1E800] =	vst v63  }
0x59: {  	_ =	swait.ge [sflag:s22], $0x4000  }
0x5a: {  	[sflag:s22] =	ssyncset.done $0x0  }
0x5b: {  	s28 =	sadd.s32 $0x1480, s29;
	[sflag:s22] =	ssyncadd.s32 $0xFFFFC000  }
0x5c: {  	[spmem:s2] =	stream.indirect.scatter.add.f32 [tilespmem:s21], [sflag:$0x4], $0x80, s28, s20, $0xb8;
	[tilespmem:$0x1E800] =	vst v63  }
.Ltmp1:
0x5d: {  	_ =	swait.ge [sflag:s23], $0x4000;
	(pc) =	sbr.rel @p0 .LBB2_4-.Ltmp1, $4  }
0x5e: {  	[sflag:s23] =	ssyncset.done $0x0  }
0x5f: {  	[sflag:s23] =	ssyncadd.s32 $0xFFFFC000  }
0x60: {  	_ =	swait.ge [sflag:s24], $0x4000  }
0x61: {  	s28 =	smov.u32 s30;
	[sflag:s24] =	ssyncset.done $0x0  }
0x62: {  	s26 =	sshra.s32 s26, $0x2;
	[sflag:s24] =	ssyncadd.s32 $0xFFFFC000  }
0x63: {  	[tilespmem:s16], [sflag:$0x1] =	stream.indirect.gather [hbm4b:s4+s20], $0x80, s26, s20, $0xb8;
	[tilespmem:$0x1E800] =	vst v63  }
0x64: {  	s28 =	sadd.s32 $0x80, s26  }
0x65: {  	[tilespmem:s21], [sflag:$0x2] =	stream.indirect.gather [hbm4b:s4+s20], $0x80, s28, s20, $0xb8;
	[tilespmem:$0x1E800] =	vst v63  }
0x66: {  	_ =	swait.ge [sflag:s19], $0x4000  }
0x67: {  	[sflag:s19] =	ssyncset.done $0x0  }
0x68: {  	s28 =	sadd.s32 $0x1400, s26;
	[sflag:s19] =	ssyncadd.s32 $0xFFFFC000  }
0x69: {  	[spmem:s2] =	stream.indirect.scatter.add.f32 [tilespmem:s16], [sflag:$0x3], $0x80, s28, s20, $0xb8;
	[tilespmem:$0x1E800] =	vst v63  }
0x6a: {  	_ =	swait.ge [sflag:s22], $0x4000  }
0x6b: {  	[sflag:s22] =	ssyncset.done $0x0  }
0x6c: {  	s26 =	sadd.s32 $0x1480, s26;
	[sflag:s22] =	ssyncadd.s32 $0xFFFFC000  }
0x6d: {  	[spmem:s2] =	stream.indirect.scatter.add.f32 [tilespmem:s21], [sflag:$0x4], $0x80, s26, s20, $0xb8;
	[tilespmem:$0x1E800] =	vst v63  }
0x6e: {  	_ =	swait.ge [sflag:s23], $0x4000  }
0x6f: {  	[sflag:s23] =	ssyncset.done $0x0  }
0x70: {  	[sflag:s23] =	ssyncadd.s32 $0xFFFFC000  }
0x71: {  	_ =	swait.ge [sflag:s24], $0x4000  }
0x72: {  	[sflag:s24] =	ssyncset.done $0x0  }
0x73: {  	s30 =	simm.s32 $0x0;
	[sflag:s24] =	ssyncadd.s32 $0xFFFFC000  }
0x74: {  	[tilespmem:s30], [sflag:$0x5] =	stream.linear.gather [hbm4b:s12+s30], $0x1400, $0x38;
	[tilespmem:$0x1E800] =	vst v63  }
0x75: {  	_ =	swait.ge [sflag:s17], $0x1400  }
0x76: {  	[sflag:s17] =	ssyncset.done $0x0  }
0x77: {  	[sflag:s17] =	ssyncadd.s32 $0xFFFFEC00  }
0x78: {  	[tilespmem:s18], [sflag:$0x5] =	stream.linear.gather [hbm4b:s13+s30], $0x1400, $0x38;
	[tilespmem:$0x1E800] =	vst v63  }
0x79: {  	_ =	swait.ge [sflag:s17], $0x1400  }
0x7a: {  	[sflag:s17] =	ssyncset.done $0x0  }
0x7b: {  	s31 =	simm.s32 $0x0;
	[sflag:s17] =	ssyncadd.s32 $0xFFFFEC00  }
0x7c: {  	[tilespmem:s16], [sflag:$0x1] =	stream.indirect.gather [hbm4b:s4+s20], $0x80, s31, s20, $0xb8;
	[tilespmem:$0x1E800] =	vst v63  }
0x7d: {  	s29 =	simm.s32 $0x80  }
0x7e: {  	[tilespmem:s21], [sflag:$0x2] =	stream.indirect.gather [hbm4b:s4+s20], $0x80, s29, s20, $0xb8;
	[tilespmem:$0x1E800] =	vst v63  }
0x7f: {  	_ =	swait.ge [sflag:s19], $0x4000  }
0x80: {  	[sflag:s19] =	ssyncset.done $0x0  }
0x81: {  	s30 =	simm.s32 $0x1400;
	[sflag:s19] =	ssyncadd.s32 $0xFFFFC000  }
0x82: {  	[spmem:s2] =	stream.indirect.scatter.add.f32 [tilespmem:s16], [sflag:$0x3], $0x80, s30, s20, $0xb8;
	[tilespmem:$0x1E800] =	vst v63  }
0x83: {  	_ =	swait.ge [sflag:s22], $0x4000  }
0x84: {  	[sflag:s22] =	ssyncset.done $0x0  }
0x85: {  	s31 =	simm.s32 $0x1480;
	[sflag:s22] =	ssyncadd.s32 $0xFFFFC000  }
0x86: {  	[spmem:s2] =	stream.indirect.scatter.add.f32 [tilespmem:s21], [sflag:$0x4], $0x80, s31, s20, $0xb8;
	[tilespmem:$0x1E800] =	vst v63  }
0x87: {  	_ =	swait.ge [sflag:s23], $0x4000  }
0x88: {  	[sflag:s23] =	ssyncset.done $0x0  }
0x89: {  	[sflag:s23] =	ssyncadd.s32 $0xFFFFC000  }
0x8a: {  	_ =	swait.ge [sflag:s24], $0x4000  }
0x8b: {  	s28 =	simm.s32 $0x800;
	s26 =	simm.s32 $0x400;
	[sflag:s24] =	ssyncset.done $0x0  }
.LBB2_6:
0x8c: {  	s29 =	sshra.s32 s26, $0x2  }
0x8d: {  	[sflag:s24] =	ssyncadd.s32 $0xFFFFC000;
	s26 =	smov.u32 s28;
	s30 =	sadd.s32 $0x400, s28  }
0x8e: {  	[tilespmem:s16], [sflag:$0x1] =	stream.indirect.gather [hbm4b:s4+s20], $0x80, s29, s20, $0xb8;
	[tilespmem:$0x1E800] =	vst v63  }
0x8f: {  	p0 =	sne.s32 s28, $0x4C00;
	s28 =	sadd.s32 $0x80, s29  }
0x90: {  	[tilespmem:s21], [sflag:$0x2] =	stream.indirect.gather [hbm4b:s4+s20], $0x80, s28, s20, $0xb8;
	[tilespmem:$0x1E800] =	vst v63  }
0x91: {  	_ =	swait.ge [sflag:s19], $0x4000  }
0x92: {  	[sflag:s19] =	ssyncset.done $0x0  }
0x93: {  	s28 =	sadd.s32 $0x1400, s29;
	[sflag:s19] =	ssyncadd.s32 $0xFFFFC000  }
0x94: {  	[spmem:s2] =	stream.indirect.scatter.add.f32 [tilespmem:s16], [sflag:$0x3], $0x80, s28, s20, $0xb8;
	[tilespmem:$0x1E800] =	vst v63  }
0x95: {  	_ =	swait.ge [sflag:s22], $0x4000  }
0x96: {  	[sflag:s22] =	ssyncset.done $0x0  }
0x97: {  	s28 =	sadd.s32 $0x1480, s29;
	[sflag:s22] =	ssyncadd.s32 $0xFFFFC000  }
0x98: {  	[spmem:s2] =	stream.indirect.scatter.add.f32 [tilespmem:s21], [sflag:$0x4], $0x80, s28, s20, $0xb8;
	[tilespmem:$0x1E800] =	vst v63  }
.Ltmp2:
0x99: {  	_ =	swait.ge [sflag:s23], $0x4000;
	(pc) =	sbr.rel @p0 .LBB2_6-.Ltmp2, $4  }
0x9a: {  	[sflag:s23] =	ssyncset.done $0x0  }
0x9b: {  	[sflag:s23] =	ssyncadd.s32 $0xFFFFC000  }
0x9c: {  	_ =	swait.ge [sflag:s24], $0x4000  }
0x9d: {  	s28 =	smov.u32 s30;
	[sflag:s24] =	ssyncset.done $0x0  }
0x9e: {  	s26 =	sshra.s32 s26, $0x2;
	[sflag:s24] =	ssyncadd.s32 $0xFFFFC000  }
0x9f: {  	[tilespmem:s16], [sflag:$0x1] =	stream.indirect.gather [hbm4b:s4+s20], $0x80, s26, s20, $0xb8;
	[tilespmem:$0x1E800] =	vst v63  }
0xa0: {  	s28 =	sadd.s32 $0x80, s26  }
0xa1: {  	[tilespmem:s21], [sflag:$0x2] =	stream.indirect.gather [hbm4b:s4+s20], $0x80, s28, s20, $0xb8;
	[tilespmem:$0x1E800] =	vst v63  }
0xa2: {  	_ =	swait.ge [sflag:s19], $0x4000  }
0xa3: {  	[sflag:s19] =	ssyncset.done $0x0  }
0xa4: {  	s29 =	sadd.s32 $0x1400, s26;
	[sflag:s19] =	ssyncadd.s32 $0xFFFFC000  }
0xa5: {  	[spmem:s2] =	stream.indirect.scatter.add.f32 [tilespmem:s16], [sflag:$0x3], $0x80, s29, s20, $0xb8;
	[tilespmem:$0x1E800] =	vst v63  }
0xa6: {  	_ =	swait.ge [sflag:s22], $0x4000  }
0xa7: {  	[sflag:s22] =	ssyncset.done $0x0  }
0xa8: {  	s26 =	sadd.s32 $0x1480, s26;
	[sflag:s22] =	ssyncadd.s32 $0xFFFFC000  }
0xa9: {  	[spmem:s2] =	stream.indirect.scatter.add.f32 [tilespmem:s21], [sflag:$0x4], $0x80, s26, s20, $0xb8;
	[tilespmem:$0x1E800] =	vst v63  }
0xaa: {  	_ =	swait.ge [sflag:s23], $0x4000  }
0xab: {  	[sflag:s23] =	ssyncset.done $0x0  }
0xac: {  	[sflag:s23] =	ssyncadd.s32 $0xFFFFC000  }
0xad: {  	_ =	swait.ge [sflag:s24], $0x4000  }
0xae: {  	s30 =	sshll.u32 s1, $0x6;
	s25 =	sadd.s32 $0x1, s25;
	[sflag:s24] =	ssyncset.done $0x0  }
0xaf: {  	s31 =	sshrl.u32 s5, $0x3;
	p0 =	sne.s32 s25, s15;
	[sflag:s24] =	ssyncadd.s32 $0xFFFFC000  }
.Ltmp3:
0xb0: {  	s26 =	sor.u32 $0x1C05, s30;
	[bflag:$0x0] =	sbarrier.arrive $0xFFFF;
	(pc) =	sbr.rel @p0 .LBB2_1-.Ltmp3, $4  }
0xb1: {  	[hbm:s14], [sflag:s26] =	dma.local [spmem:s31], $0x2800  }
0xb2: {  	_ =	swait.ge [sflag:s17], $0x2800  }
0xb3: {  	[sflag:s17] =	ssyncset.done $0x0  }
0xb4: {  	[sflag:s17] =	ssyncadd.s32 $0xFFFFD800  }
0xb5: {  	_ =	sfence.sel $0x180000  }
0xb6: {  	[bflag:$0x0] =	sbarrier.arrive $0xFFFF  }
0xb7: {  	p0 =	sne.s32 s1, $0x0;
	_ =	strace $0x90000050  }
0xb8: {  	s0 =	sadd.s32 @!p0 $0x100000, s0;
	[bflag:$0x2] =	sbarrier.arrive $0xFFFF  }
0xb9: {  	[sflag:s0] =	ssyncadd.tile.s32 @!p0 $0x1;
	_ =	shalt  }
.Lfunc_end2:
_tile_overlayer_lowered:
.L_overlay_start_2:
0xba: {  	(tag) =	ssettag $0x2  }
0xbb: {  	s0 =	rddreg [dreg:$0x0];
	s2 =	stileid.u32  }
0xbc: {  	s1 =	rddreg [dreg:$0x1];
	p0 =	sne.s32 s2, $0x0  }
0xbd: {  	s3 =	rddreg [dreg:$0x2];
	[bflag:$0x3] =	sbarrier.arrive $0xFFFF;
	s2 =	simm.s32 @!p0 $0x1C05  }
0xbe: {  	[timem:s3], [sflag:s2] =	dma.local @!p0 [hbm:s0], s1  }
0xbf: {  	s0 =	simm.s32 @!p0 $0x5  }
0xc0: {  	_ =	swait.ge @!p0 [sflag:s0], s1  }
0xc1: {  	s1 =	ssub.s32 @!p0 $0x0, s1;
	[sflag:s0] =	ssyncset.done @!p0 $0x0  }
0xc2: {  	[sflag:s0] =	ssyncadd.s32 @!p0 s1  }
0xc3: {  	[bflag:$0x3] =	sbarrier.arrive $0xFFFF  }
0xc4: {  	_ =	shalt  }

</sc_bundles>
